<compile_context>
chip_gen: v7x
topology: tpu7x:2x2x1
jax: 0.10.2.dev20260603
libtpu: 0.0.44.dev20260713+nightly
codegen_flags: <defaults>
</compile_context>

<pallas_src>
import jax
import jax.numpy as jnp
from jax import lax
from jax.experimental import pallas as pl
from jax.experimental.pallas import tpu as pltpu
from jax.experimental.pallas import tpu_sc as plsc

NC = 2
NS = 16
NW = NC * NS

BATCH = 16384
HIST = 50
B = BATCH * HIST
D = 32
B_PER_W = B // NW
BR_PER_W = BATCH // NW
CHUNK = 800
BR_PER_CHUNK = CHUNK // HIST
N_CHUNKS = B_PER_W // CHUNK


def _gather_body(table_hbm, idx_hbm, out_hbm,
                 idx0, idx1, rows0, rows1, shuf0, shuf1,
                 isem0, isem1, gsem0, gsem1, wsem0, wsem1):
    wid = lax.axis_index("s") * NC + lax.axis_index("c")
    base = wid * B_PER_W
    base_br = wid * BR_PER_W

    idxs = (idx0, idx1)
    rows = (rows0, rows1)
    shufs = (shuf0, shuf1)
    isems = (isem0, isem1)
    gsems = (gsem0, gsem1)
    wsems = (wsem0, wsem1)

    iota = lax.iota(jnp.int32, 16)
    row_iota = iota * HIST

    def idxcopy(i, b):
        src = idx_hbm.at[pl.ds(base + i * CHUNK, CHUNK)]
        return pltpu.async_copy(src, idxs[b], isems[b])

    def gather(i, b):
        src = table_hbm.at[idxs[b]]
        return pltpu.async_copy(src, rows[b], gsems[b])

    def shuffle(b):
        rowsb = rows[b]
        shufb = shufs[b]

        @plsc.parallel_loop(0, HIST, unroll=2)
        def hbody(h):
            ridx = row_iota + h
            for tr in range(D // 8):
                for sl in range(8):
                    d = tr * 8 + sl
                    col = jnp.full((16,), d, jnp.int32)
                    shufb[h, tr, sl, :] = plsc.load_gather(rowsb, [ridx, col])

    def wbdma(i, b):
        br0 = base_br + i * BR_PER_CHUNK
        tc = br0 // 128
        ln0 = lax.rem(br0, 128)
        dst = out_hbm.at[:, :, tc, :, pl.ds(ln0, BR_PER_CHUNK)]
        return pltpu.async_copy(shufs[b], dst, wsems[b])

    def body(gg, carry):
        i0 = gg * 2
        i1 = i0 + 1
        hi0 = idxcopy(i0, 0)
        hi1 = idxcopy(i1, 1)
        hi0.wait()
        hg0 = gather(i0, 0)
        hi1.wait()
        hg1 = gather(i1, 1)
        hg0.wait()
        shuffle(0)
        hw0 = wbdma(i0, 0)
        hg1.wait()
        shuffle(1)
        hw1 = wbdma(i1, 1)
        hw0.wait()
        hw1.wait()
        return carry

    lax.fori_loop(0, N_CHUNKS // 2, body, 0)


@jax.jit
def kernel(input, weight):
    idx = input.reshape(-1).astype(jnp.int32)
    mesh = plsc.VectorSubcoreMesh(core_axis_name="c", subcore_axis_name="s")
    out5d = pl.kernel(
        _gather_body,
        mesh=mesh,
        out_type=jax.ShapeDtypeStruct(
            (HIST, D // 8, BATCH // 128, 8, 128), jnp.float32
        ),
        scratch_types=[
            pltpu.VMEM((CHUNK,), jnp.int32),
            pltpu.VMEM((CHUNK,), jnp.int32),
            pltpu.VMEM((CHUNK, D), jnp.float32),
            pltpu.VMEM((CHUNK, D), jnp.float32),
            pltpu.VMEM((HIST, D // 8, 8, BR_PER_CHUNK), jnp.float32),
            pltpu.VMEM((HIST, D // 8, 8, BR_PER_CHUNK), jnp.float32),
            pltpu.SemaphoreType.DMA,
            pltpu.SemaphoreType.DMA,
            pltpu.SemaphoreType.DMA,
            pltpu.SemaphoreType.DMA,
            pltpu.SemaphoreType.DMA,
            pltpu.SemaphoreType.DMA,
        ],
        compiler_params=pltpu.CompilerParams(
            use_tc_tiling_on_sc=False, needs_layout_passes=False
        ),
    )(weight, idx)
    return out5d.transpose(2, 4, 0, 1, 3).reshape(BATCH, HIST, D)

# --- scband reference (transcript-rebuilt; emitter-appended) ---
"""Pipeline reference for scband-hyper-embedding-23106924053151 (READ-ONLY COPY).

The authoritative reference and input builder live on the scoring server;
editing this copy changes nothing except your own understanding.
"""

import jax, jax.numpy as jnp
import numpy as np

NUM_EMBEDDINGS = 1000000
EMBEDDING_DIM = 32
BATCH = 16384
HIST_LEN = 50

def setup_inputs(seed: int = 0) -> dict:
    key = jax.random.key(seed)
    k1, k2 = jax.random.split(key)
    input_ids = jax.random.randint(k1, (BATCH, HIST_LEN), 0, NUM_EMBEDDINGS, dtype=jnp.int64 if jax.config.jax_enable_x64 else jnp.int32)
    weight = jax.random.normal(k2, (NUM_EMBEDDINGS, EMBEDDING_DIM), dtype=jnp.float32) * 0.01
    return {"input": input_ids, "weight": weight}

def reference(input, weight):
    # F.embedding with padding_idx=None, max_norm=None, sparse=False is a pure gather
    return jnp.take(weight, input, axis=0)

if __name__ == "__main__":
    import jax
    _d = setup_inputs()
    print(jax.jit(kernel)(*tuple(_d.values())))

</pallas_src>

<mosaic_0001>
#map = affine_map<(d0, d1) -> (0, 0)>
#map1 = affine_map<(d0, d1) -> (0)>
#map2 = affine_map<(d0, d1) -> (0, 0, 0, 0, 0)>
module attributes {stable_mosaic.version = 14 : i64} {
  func.func @_gather_body(%arg0: i32, %arg1: i32, %arg2: memref<1000000x32xf32, #tpu.memory_space<hbm>>, %arg3: memref<819200xi32, #tpu.memory_space<hbm>>, %arg4: memref<50x4x128x8x128xf32, #tpu.memory_space<hbm>>, %arg5: memref<800xi32, #tpu.memory_space<vmem>>, %arg6: memref<800xi32, #tpu.memory_space<vmem>>, %arg7: memref<800x32xf32, #tpu.memory_space<vmem>>, %arg8: memref<800x32xf32, #tpu.memory_space<vmem>>, %arg9: memref<50x4x8x16xf32, #tpu.memory_space<vmem>>, %arg10: memref<50x4x8x16xf32, #tpu.memory_space<vmem>>, %arg11: memref<!tpu.dma_semaphore, #tpu.memory_space<semaphore_mem>>, %arg12: memref<!tpu.dma_semaphore, #tpu.memory_space<semaphore_mem>>, %arg13: memref<!tpu.dma_semaphore, #tpu.memory_space<semaphore_mem>>, %arg14: memref<!tpu.dma_semaphore, #tpu.memory_space<semaphore_mem>>, %arg15: memref<!tpu.dma_semaphore, #tpu.memory_space<semaphore_mem>>, %arg16: memref<!tpu.dma_semaphore, #tpu.memory_space<semaphore_mem>>) attributes {dimension_semantics = [#tpu.dimension_semantics<core_parallel>, #tpu.dimension_semantics<subcore_parallel>], iteration_bounds = array<i64: 2, 16>, scalar_prefetch = 0 : i64, scratch_operands = 12 : i64, tpu.core_type = #tpu.core_type<sc_vector_subcore>, window_params = [{transform_indices = #map}, {transform_indices = #map1}, {transform_indices = #map2}]} {
    %mul3A = arith.constant 2 : i32
    %mul3A_0 = arith.muli %arg1, %mul3A : i32
    %add3A = arith.addi %mul3A_0, %arg0 : i32
    %mul3A_1 = arith.constant 25600 : i32
    %mul3A_2 = arith.muli %add3A, %mul3A_1 : i32
    %mul3A_3 = arith.constant 512 : i32
    %mul3A_4 = arith.muli %add3A, %mul3A_3 : i32
    %iota3A = tpu.iota {dimensions = array<i32: 0>} : vector<16xi32>
    %mul3A_5 = arith.constant 50 : i32
    %mul3A_6 = vector.broadcast %mul3A_5 : i32 to vector<16xi32>
    %mul3A_7 = arith.muli %iota3A, %mul3A_6 : vector<16xi32>
    %scan3A = arith.constant 0 : i32
    %scan3A_8 = arith.constant 0 : i32
    %scan3A_9 = arith.constant 16 : i32
    %scan3A_10 = arith.addi %scan3A_8, %scan3A_9 : i32
    %scan3A_11 = arith.constant 1 : i32
    scf.for %scan3A_13 = %scan3A_8 to %scan3A_10 step %scan3A_11  : i32 {
      %mul3A_14 = arith.constant 2 : i32
      %mul3A_15 = arith.muli %scan3A_13, %mul3A_14 : i32
      %add3A_16 = arith.constant 1 : i32
      %add3A_17 = arith.addi %mul3A_15, %add3A_16 : i32
      %mul3A_18 = arith.constant 800 : i32
      %mul3A_19 = arith.muli %mul3A_15, %mul3A_18 : i32
      %add3A_20 = arith.addi %mul3A_2, %mul3A_19 : i32
      %dma_start3A = tpu.memref_slice %arg3[%add3A_20] : memref<819200xi32, #tpu.memory_space<hbm>> -> memref<800xi32, #tpu.memory_space<hbm>>
      %dma_start3A_21 = tpu.memref_slice %arg3[%add3A_20] : memref<819200xi32, #tpu.memory_space<hbm>> -> memref<800xi32, #tpu.memory_space<hbm>>
      tpu.enqueue_dma source(%dma_start3A_21 : memref<800xi32, #tpu.memory_space<hbm>>) target(%arg5 : memref<800xi32, #tpu.memory_space<vmem>>) target_semaphore(%arg11 : memref<!tpu.dma_semaphore, #tpu.memory_space<semaphore_mem>>)
      %mul3A_22 = arith.constant 800 : i32
      %mul3A_23 = arith.muli %add3A_17, %mul3A_22 : i32
      %add3A_24 = arith.addi %mul3A_2, %mul3A_23 : i32
      %dma_start3A_25 = tpu.memref_slice %arg3[%add3A_24] : memref<819200xi32, #tpu.memory_space<hbm>> -> memref<800xi32, #tpu.memory_space<hbm>>
      %dma_start3A_26 = tpu.memref_slice %arg3[%add3A_24] : memref<819200xi32, #tpu.memory_space<hbm>> -> memref<800xi32, #tpu.memory_space<hbm>>
      tpu.enqueue_dma source(%dma_start3A_26 : memref<800xi32, #tpu.memory_space<hbm>>) target(%arg6 : memref<800xi32, #tpu.memory_space<vmem>>) target_semaphore(%arg12 : memref<!tpu.dma_semaphore, #tpu.memory_space<semaphore_mem>>)
      %dma_wait3A = tpu.memref_slice %arg3[%add3A_20] : memref<819200xi32, #tpu.memory_space<hbm>> -> memref<800xi32, #tpu.memory_space<hbm>>
      %dma_wait3A_27 = tpu.memref_slice %arg3[%add3A_20] : memref<819200xi32, #tpu.memory_space<hbm>> -> memref<800xi32, #tpu.memory_space<hbm>>
      tpu.wait_dma2 semaphore(%arg11 : memref<!tpu.dma_semaphore, #tpu.memory_space<semaphore_mem>>) src(%dma_wait3A_27 : memref<800xi32, #tpu.memory_space<hbm>>) dst(%arg5 : memref<800xi32, #tpu.memory_space<vmem>>)
      %dma_start3A_28 = arith.constant 0 : i32
      %dma_start3A_29 = arith.constant 0 : i32
      %dma_start3A_30 = tpu.memref_slice %arg2[%dma_start3A_28, %dma_start3A_29] : memref<1000000x32xf32, #tpu.memory_space<hbm>> -> memref<1000000x32xf32, #tpu.memory_space<hbm>>
      tpu.enqueue_indirect_dma source(%dma_start3A_30 : memref<1000000x32xf32, #tpu.memory_space<hbm>>) target(%arg7 : memref<800x32xf32, #tpu.memory_space<vmem>>) offsets(%arg5 : memref<800xi32, #tpu.memory_space<vmem>>) semaphore(%arg13 : memref<!tpu.dma_semaphore, #tpu.memory_space<semaphore_mem>>)
      %dma_wait3A_31 = tpu.memref_slice %arg3[%add3A_24] : memref<819200xi32, #tpu.memory_space<hbm>> -> memref<800xi32, #tpu.memory_space<hbm>>
      %dma_wait3A_32 = tpu.memref_slice %arg3[%add3A_24] : memref<819200xi32, #tpu.memory_space<hbm>> -> memref<800xi32, #tpu.memory_space<hbm>>
      tpu.wait_dma2 semaphore(%arg12 : memref<!tpu.dma_semaphore, #tpu.memory_space<semaphore_mem>>) src(%dma_wait3A_32 : memref<800xi32, #tpu.memory_space<hbm>>) dst(%arg6 : memref<800xi32, #tpu.memory_space<vmem>>)
      %dma_start3A_33 = arith.constant 0 : i32
      %dma_start3A_34 = arith.constant 0 : i32
      %dma_start3A_35 = tpu.memref_slice %arg2[%dma_start3A_33, %dma_start3A_34] : memref<1000000x32xf32, #tpu.memory_space<hbm>> -> memref<1000000x32xf32, #tpu.memory_space<hbm>>
      tpu.enqueue_indirect_dma source(%dma_start3A_35 : memref<1000000x32xf32, #tpu.memory_space<hbm>>) target(%arg8 : memref<800x32xf32, #tpu.memory_space<vmem>>) offsets(%arg6 : memref<800xi32, #tpu.memory_space<vmem>>) semaphore(%arg14 : memref<!tpu.dma_semaphore, #tpu.memory_space<semaphore_mem>>)
      %dma_wait3A_36 = arith.constant 0 : i32
      %dma_wait3A_37 = arith.constant 0 : i32
      %dma_wait3A_38 = tpu.memref_slice %arg2[%dma_wait3A_36, %dma_wait3A_37] : memref<1000000x32xf32, #tpu.memory_space<hbm>> -> memref<1000000x32xf32, #tpu.memory_space<hbm>>
      tpu.wait_indirect_dma semaphore(%arg13 : memref<!tpu.dma_semaphore, #tpu.memory_space<semaphore_mem>>) src(%dma_wait3A_38 : memref<1000000x32xf32, #tpu.memory_space<hbm>>) dst(%arg7 : memref<800x32xf32, #tpu.memory_space<vmem>>)
      %parallel_loop3A = arith.constant 0 : i32
      %parallel_loop3A_39 = arith.constant 50 : i32
      %parallel_loop3A_40 = arith.constant 1 : i32
      scf.for %parallel_loop3A_137 = %parallel_loop3A to %parallel_loop3A_39 step %parallel_loop3A_40  : i32 {
        %parallel_loop3A_138 = vector.broadcast %parallel_loop3A_137 : i32 to vector<16xi32>
        %parallel_loop3A_139 = arith.addi %mul3A_7, %parallel_loop3A_138 : vector<16xi32>
        %parallel_loop3A_140 = arith.constant 0 : i32
        %parallel_loop3A_141 = vector.broadcast %parallel_loop3A_140 : i32 to vector<16xi32>
        %parallel_loop3A_142 = tpu.vector_load_idx %arg7[%parallel_loop3A_139, %parallel_loop3A_141] : memref<800x32xf32, #tpu.memory_space<vmem>>[vector<16xi32>, vector<16xi32>], vector<16xf32>,
        %parallel_loop3A_143 = arith.constant 0 : i32
        %parallel_loop3A_144 = arith.constant 0 : i32
        %parallel_loop3A_145 = arith.index_cast %parallel_loop3A_137 : i32 to index
        %parallel_loop3A_146 = arith.index_cast %parallel_loop3A_143 : i32 to index
        %parallel_loop3A_147 = arith.index_cast %parallel_loop3A_144 : i32 to index
        %parallel_loop3A_148 = arith.constant 0 : index
        %parallel_loop3A_149 = tpu.vector_load %arg9[%parallel_loop3A_145, %parallel_loop3A_146, %parallel_loop3A_147, %parallel_loop3A_148] {strides = array<i32>} : memref<50x4x8x16xf32, #tpu.memory_space<vmem>>, vector<16xf32>,
        tpu.vector_store %arg9[%parallel_loop3A_145, %parallel_loop3A_146, %parallel_loop3A_147, %parallel_loop3A_148], %parallel_loop3A_142 {strides = array<i32>} : memref<50x4x8x16xf32, #tpu.memory_space<vmem>>, vector<16xf32>,
        %parallel_loop3A_150 = arith.constant 1 : i32
        %parallel_loop3A_151 = vector.broadcast %parallel_loop3A_150 : i32 to vector<16xi32>
        %parallel_loop3A_152 = tpu.vector_load_idx %arg7[%parallel_loop3A_139, %parallel_loop3A_151] : memref<800x32xf32, #tpu.memory_space<vmem>>[vector<16xi32>, vector<16xi32>], vector<16xf32>,
        %parallel_loop3A_153 = arith.constant 0 : i32
        %parallel_loop3A_154 = arith.constant 1 : i32
        %parallel_loop3A_155 = arith.index_cast %parallel_loop3A_137 : i32 to index
        %parallel_loop3A_156 = arith.index_cast %parallel_loop3A_153 : i32 to index
        %parallel_loop3A_157 = arith.index_cast %parallel_loop3A_154 : i32 to index
        %parallel_loop3A_158 = arith.constant 0 : index
        %parallel_loop3A_159 = tpu.vector_load %arg9[%parallel_loop3A_155, %parallel_loop3A_156, %parallel_loop3A_157, %parallel_loop3A_158] {strides = array<i32>} : memref<50x4x8x16xf32, #tpu.memory_space<vmem>>, vector<16xf32>,
        tpu.vector_store %arg9[%parallel_loop3A_155, %parallel_loop3A_156, %parallel_loop3A_157, %parallel_loop3A_158], %parallel_loop3A_152 {strides = array<i32>} : memref<50x4x8x16xf32, #tpu.memory_space<vmem>>, vector<16xf32>,
        %parallel_loop3A_160 = arith.constant 2 : i32
        %parallel_loop3A_161 = vector.broadcast %parallel_loop3A_160 : i32 to vector<16xi32>
        %parallel_loop3A_162 = tpu.vector_load_idx %arg7[%parallel_loop3A_139, %parallel_loop3A_161] : memref<800x32xf32, #tpu.memory_space<vmem>>[vector<16xi32>, vector<16xi32>], vector<16xf32>,
        %parallel_loop3A_163 = arith.constant 0 : i32
        %parallel_loop3A_164 = arith.constant 2 : i32
        %parallel_loop3A_165 = arith.index_cast %parallel_loop3A_137 : i32 to index
        %parallel_loop3A_166 = arith.index_cast %parallel_loop3A_163 : i32 to index
        %parallel_loop3A_167 = arith.index_cast %parallel_loop3A_164 : i32 to index
        %parallel_loop3A_168 = arith.constant 0 : index
        %parallel_loop3A_169 = tpu.vector_load %arg9[%parallel_loop3A_165, %parallel_loop3A_166, %parallel_loop3A_167, %parallel_loop3A_168] {strides = array<i32>} : memref<50x4x8x16xf32, #tpu.memory_space<vmem>>, vector<16xf32>,
        tpu.vector_store %arg9[%parallel_loop3A_165, %parallel_loop3A_166, %parallel_loop3A_167, %parallel_loop3A_168], %parallel_loop3A_162 {strides = array<i32>} : memref<50x4x8x16xf32, #tpu.memory_space<vmem>>, vector<16xf32>,
        %parallel_loop3A_170 = arith.constant 3 : i32
        %parallel_loop3A_171 = vector.broadcast %parallel_loop3A_170 : i32 to vector<16xi32>
        %parallel_loop3A_172 = tpu.vector_load_idx %arg7[%parallel_loop3A_139, %parallel_loop3A_171] : memref<800x32xf32, #tpu.memory_space<vmem>>[vector<16xi32>, vector<16xi32>], vector<16xf32>,
        %parallel_loop3A_173 = arith.constant 0 : i32
        %parallel_loop3A_174 = arith.constant 3 : i32
        %parallel_loop3A_175 = arith.index_cast %parallel_loop3A_137 : i32 to index
        %parallel_loop3A_176 = arith.index_cast %parallel_loop3A_173 : i32 to index
        %parallel_loop3A_177 = arith.index_cast %parallel_loop3A_174 : i32 to index
        %parallel_loop3A_178 = arith.constant 0 : index
        %parallel_loop3A_179 = tpu.vector_load %arg9[%parallel_loop3A_175, %parallel_loop3A_176, %parallel_loop3A_177, %parallel_loop3A_178] {strides = array<i32>} : memref<50x4x8x16xf32, #tpu.memory_space<vmem>>, vector<16xf32>,
        tpu.vector_store %arg9[%parallel_loop3A_175, %parallel_loop3A_176, %parallel_loop3A_177, %parallel_loop3A_178], %parallel_loop3A_172 {strides = array<i32>} : memref<50x4x8x16xf32, #tpu.memory_space<vmem>>, vector<16xf32>,
        %parallel_loop3A_180 = arith.constant 4 : i32
        %parallel_loop3A_181 = vector.broadcast %parallel_loop3A_180 : i32 to vector<16xi32>
        %parallel_loop3A_182 = tpu.vector_load_idx %arg7[%parallel_loop3A_139, %parallel_loop3A_181] : memref<800x32xf32, #tpu.memory_space<vmem>>[vector<16xi32>, vector<16xi32>], vector<16xf32>,
        %parallel_loop3A_183 = arith.constant 0 : i32
        %parallel_loop3A_184 = arith.constant 4 : i32
        %parallel_loop3A_185 = arith.index_cast %parallel_loop3A_137 : i32 to index
        %parallel_loop3A_186 = arith.index_cast %parallel_loop3A_183 : i32 to index
        %parallel_loop3A_187 = arith.index_cast %parallel_loop3A_184 : i32 to index
        %parallel_loop3A_188 = arith.constant 0 : index
        %parallel_loop3A_189 = tpu.vector_load %arg9[%parallel_loop3A_185, %parallel_loop3A_186, %parallel_loop3A_187, %parallel_loop3A_188] {strides = array<i32>} : memref<50x4x8x16xf32, #tpu.memory_space<vmem>>, vector<16xf32>,
        tpu.vector_store %arg9[%parallel_loop3A_185, %parallel_loop3A_186, %parallel_loop3A_187, %parallel_loop3A_188], %parallel_loop3A_182 {strides = array<i32>} : memref<50x4x8x16xf32, #tpu.memory_space<vmem>>, vector<16xf32>,
        %parallel_loop3A_190 = arith.constant 5 : i32
        %parallel_loop3A_191 = vector.broadcast %parallel_loop3A_190 : i32 to vector<16xi32>
        %parallel_loop3A_192 = tpu.vector_load_idx %arg7[%parallel_loop3A_139, %parallel_loop3A_191] : memref<800x32xf32, #tpu.memory_space<vmem>>[vector<16xi32>, vector<16xi32>], vector<16xf32>,
        %parallel_loop3A_193 = arith.constant 0 : i32
        %parallel_loop3A_194 = arith.constant 5 : i32
        %parallel_loop3A_195 = arith.index_cast %parallel_loop3A_137 : i32 to index
        %parallel_loop3A_196 = arith.index_cast %parallel_loop3A_193 : i32 to index
        %parallel_loop3A_197 = arith.index_cast %parallel_loop3A_194 : i32 to index
        %parallel_loop3A_198 = arith.constant 0 : index
        %parallel_loop3A_199 = tpu.vector_load %arg9[%parallel_loop3A_195, %parallel_loop3A_196, %parallel_loop3A_197, %parallel_loop3A_198] {strides = array<i32>} : memref<50x4x8x16xf32, #tpu.memory_space<vmem>>, vector<16xf32>,
        tpu.vector_store %arg9[%parallel_loop3A_195, %parallel_loop3A_196, %parallel_loop3A_197, %parallel_loop3A_198], %parallel_loop3A_192 {strides = array<i32>} : memref<50x4x8x16xf32, #tpu.memory_space<vmem>>, vector<16xf32>,
        %parallel_loop3A_200 = arith.constant 6 : i32
        %parallel_loop3A_201 = vector.broadcast %parallel_loop3A_200 : i32 to vector<16xi32>
        %parallel_loop3A_202 = tpu.vector_load_idx %arg7[%parallel_loop3A_139, %parallel_loop3A_201] : memref<800x32xf32, #tpu.memory_space<vmem>>[vector<16xi32>, vector<16xi32>], vector<16xf32>,
        %parallel_loop3A_203 = arith.constant 0 : i32
        %parallel_loop3A_204 = arith.constant 6 : i32
        %parallel_loop3A_205 = arith.index_cast %parallel_loop3A_137 : i32 to index
        %parallel_loop3A_206 = arith.index_cast %parallel_loop3A_203 : i32 to index
        %parallel_loop3A_207 = arith.index_cast %parallel_loop3A_204 : i32 to index
        %parallel_loop3A_208 = arith.constant 0 : index
        %parallel_loop3A_209 = tpu.vector_load %arg9[%parallel_loop3A_205, %parallel_loop3A_206, %parallel_loop3A_207, %parallel_loop3A_208] {strides = array<i32>} : memref<50x4x8x16xf32, #tpu.memory_space<vmem>>, vector<16xf32>,
        tpu.vector_store %arg9[%parallel_loop3A_205, %parallel_loop3A_206, %parallel_loop3A_207, %parallel_loop3A_208], %parallel_loop3A_202 {strides = array<i32>} : memref<50x4x8x16xf32, #tpu.memory_space<vmem>>, vector<16xf32>,
        %parallel_loop3A_210 = arith.constant 7 : i32
        %parallel_loop3A_211 = vector.broadcast %parallel_loop3A_210 : i32 to vector<16xi32>
        %parallel_loop3A_212 = tpu.vector_load_idx %arg7[%parallel_loop3A_139, %parallel_loop3A_211] : memref<800x32xf32, #tpu.memory_space<vmem>>[vector<16xi32>, vector<16xi32>], vector<16xf32>,
        %parallel_loop3A_213 = arith.constant 0 : i32
        %parallel_loop3A_214 = arith.constant 7 : i32
        %parallel_loop3A_215 = arith.index_cast %parallel_loop3A_137 : i32 to index
        %parallel_loop3A_216 = arith.index_cast %parallel_loop3A_213 : i32 to index
        %parallel_loop3A_217 = arith.index_cast %parallel_loop3A_214 : i32 to index
        %parallel_loop3A_218 = arith.constant 0 : index
        %parallel_loop3A_219 = tpu.vector_load %arg9[%parallel_loop3A_215, %parallel_loop3A_216, %parallel_loop3A_217, %parallel_loop3A_218] {strides = array<i32>} : memref<50x4x8x16xf32, #tpu.memory_space<vmem>>, vector<16xf32>,
        tpu.vector_store %arg9[%parallel_loop3A_215, %parallel_loop3A_216, %parallel_loop3A_217, %parallel_loop3A_218], %parallel_loop3A_212 {strides = array<i32>} : memref<50x4x8x16xf32, #tpu.memory_space<vmem>>, vector<16xf32>,
        %parallel_loop3A_220 = arith.constant 8 : i32
        %parallel_loop3A_221 = vector.broadcast %parallel_loop3A_220 : i32 to vector<16xi32>
        %parallel_loop3A_222 = tpu.vector_load_idx %arg7[%parallel_loop3A_139, %parallel_loop3A_221] : memref<800x32xf32, #tpu.memory_space<vmem>>[vector<16xi32>, vector<16xi32>], vector<16xf32>,
        %parallel_loop3A_223 = arith.constant 1 : i32
        %parallel_loop3A_224 = arith.constant 0 : i32
        %parallel_loop3A_225 = arith.index_cast %parallel_loop3A_137 : i32 to index
        %parallel_loop3A_226 = arith.index_cast %parallel_loop3A_223 : i32 to index
        %parallel_loop3A_227 = arith.index_cast %parallel_loop3A_224 : i32 to index
        %parallel_loop3A_228 = arith.constant 0 : index
        %parallel_loop3A_229 = tpu.vector_load %arg9[%parallel_loop3A_225, %parallel_loop3A_226, %parallel_loop3A_227, %parallel_loop3A_228] {strides = array<i32>} : memref<50x4x8x16xf32, #tpu.memory_space<vmem>>, vector<16xf32>,
        tpu.vector_store %arg9[%parallel_loop3A_225, %parallel_loop3A_226, %parallel_loop3A_227, %parallel_loop3A_228], %parallel_loop3A_222 {strides = array<i32>} : memref<50x4x8x16xf32, #tpu.memory_space<vmem>>, vector<16xf32>,
        %parallel_loop3A_230 = arith.constant 9 : i32
        %parallel_loop3A_231 = vector.broadcast %parallel_loop3A_230 : i32 to vector<16xi32>
        %parallel_loop3A_232 = tpu.vector_load_idx %arg7[%parallel_loop3A_139, %parallel_loop3A_231] : memref<800x32xf32, #tpu.memory_space<vmem>>[vector<16xi32>, vector<16xi32>], vector<16xf32>,
        %parallel_loop3A_233 = arith.constant 1 : i32
        %parallel_loop3A_234 = arith.constant 1 : i32
        %parallel_loop3A_235 = arith.index_cast %parallel_loop3A_137 : i32 to index
        %parallel_loop3A_236 = arith.index_cast %parallel_loop3A_233 : i32 to index
        %parallel_loop3A_237 = arith.index_cast %parallel_loop3A_234 : i32 to index
        %parallel_loop3A_238 = arith.constant 0 : index
        %parallel_loop3A_239 = tpu.vector_load %arg9[%parallel_loop3A_235, %parallel_loop3A_236, %parallel_loop3A_237, %parallel_loop3A_238] {strides = array<i32>} : memref<50x4x8x16xf32, #tpu.memory_space<vmem>>, vector<16xf32>,
        tpu.vector_store %arg9[%parallel_loop3A_235, %parallel_loop3A_236, %parallel_loop3A_237, %parallel_loop3A_238], %parallel_loop3A_232 {strides = array<i32>} : memref<50x4x8x16xf32, #tpu.memory_space<vmem>>, vector<16xf32>,
        %parallel_loop3A_240 = arith.constant 10 : i32
        %parallel_loop3A_241 = vector.broadcast %parallel_loop3A_240 : i32 to vector<16xi32>
        %parallel_loop3A_242 = tpu.vector_load_idx %arg7[%parallel_loop3A_139, %parallel_loop3A_241] : memref<800x32xf32, #tpu.memory_space<vmem>>[vector<16xi32>, vector<16xi32>], vector<16xf32>,
        %parallel_loop3A_243 = arith.constant 1 : i32
        %parallel_loop3A_244 = arith.constant 2 : i32
        %parallel_loop3A_245 = arith.index_cast %parallel_loop3A_137 : i32 to index
        %parallel_loop3A_246 = arith.index_cast %parallel_loop3A_243 : i32 to index
        %parallel_loop3A_247 = arith.index_cast %parallel_loop3A_244 : i32 to index
        %parallel_loop3A_248 = arith.constant 0 : index
        %parallel_loop3A_249 = tpu.vector_load %arg9[%parallel_loop3A_245, %parallel_loop3A_246, %parallel_loop3A_247, %parallel_loop3A_248] {strides = array<i32>} : memref<50x4x8x16xf32, #tpu.memory_space<vmem>>, vector<16xf32>,
        tpu.vector_store %arg9[%parallel_loop3A_245, %parallel_loop3A_246, %parallel_loop3A_247, %parallel_loop3A_248], %parallel_loop3A_242 {strides = array<i32>} : memref<50x4x8x16xf32, #tpu.memory_space<vmem>>, vector<16xf32>,
        %parallel_loop3A_250 = arith.constant 11 : i32
        %parallel_loop3A_251 = vector.broadcast %parallel_loop3A_250 : i32 to vector<16xi32>
        %parallel_loop3A_252 = tpu.vector_load_idx %arg7[%parallel_loop3A_139, %parallel_loop3A_251] : memref<800x32xf32, #tpu.memory_space<vmem>>[vector<16xi32>, vector<16xi32>], vector<16xf32>,
        %parallel_loop3A_253 = arith.constant 1 : i32
        %parallel_loop3A_254 = arith.constant 3 : i32
        %parallel_loop3A_255 = arith.index_cast %parallel_loop3A_137 : i32 to index
        %parallel_loop3A_256 = arith.index_cast %parallel_loop3A_253 : i32 to index
        %parallel_loop3A_257 = arith.index_cast %parallel_loop3A_254 : i32 to index
        %parallel_loop3A_258 = arith.constant 0 : index
        %parallel_loop3A_259 = tpu.vector_load %arg9[%parallel_loop3A_255, %parallel_loop3A_256, %parallel_loop3A_257, %parallel_loop3A_258] {strides = array<i32>} : memref<50x4x8x16xf32, #tpu.memory_space<vmem>>, vector<16xf32>,
        tpu.vector_store %arg9[%parallel_loop3A_255, %parallel_loop3A_256, %parallel_loop3A_257, %parallel_loop3A_258], %parallel_loop3A_252 {strides = array<i32>} : memref<50x4x8x16xf32, #tpu.memory_space<vmem>>, vector<16xf32>,
        %parallel_loop3A_260 = arith.constant 12 : i32
        %parallel_loop3A_261 = vector.broadcast %parallel_loop3A_260 : i32 to vector<16xi32>
        %parallel_loop3A_262 = tpu.vector_load_idx %arg7[%parallel_loop3A_139, %parallel_loop3A_261] : memref<800x32xf32, #tpu.memory_space<vmem>>[vector<16xi32>, vector<16xi32>], vector<16xf32>,
        %parallel_loop3A_263 = arith.constant 1 : i32
        %parallel_loop3A_264 = arith.constant 4 : i32
        %parallel_loop3A_265 = arith.index_cast %parallel_loop3A_137 : i32 to index
        %parallel_loop3A_266 = arith.index_cast %parallel_loop3A_263 : i32 to index
        %parallel_loop3A_267 = arith.index_cast %parallel_loop3A_264 : i32 to index
        %parallel_loop3A_268 = arith.constant 0 : index
        %parallel_loop3A_269 = tpu.vector_load %arg9[%parallel_loop3A_265, %parallel_loop3A_266, %parallel_loop3A_267, %parallel_loop3A_268] {strides = array<i32>} : memref<50x4x8x16xf32, #tpu.memory_space<vmem>>, vector<16xf32>,
        tpu.vector_store %arg9[%parallel_loop3A_265, %parallel_loop3A_266, %parallel_loop3A_267, %parallel_loop3A_268], %parallel_loop3A_262 {strides = array<i32>} : memref<50x4x8x16xf32, #tpu.memory_space<vmem>>, vector<16xf32>,
        %parallel_loop3A_270 = arith.constant 13 : i32
        %parallel_loop3A_271 = vector.broadcast %parallel_loop3A_270 : i32 to vector<16xi32>
        %parallel_loop3A_272 = tpu.vector_load_idx %arg7[%parallel_loop3A_139, %parallel_loop3A_271] : memref<800x32xf32, #tpu.memory_space<vmem>>[vector<16xi32>, vector<16xi32>], vector<16xf32>,
        %parallel_loop3A_273 = arith.constant 1 : i32
        %parallel_loop3A_274 = arith.constant 5 : i32
        %parallel_loop3A_275 = arith.index_cast %parallel_loop3A_137 : i32 to index
        %parallel_loop3A_276 = arith.index_cast %parallel_loop3A_273 : i32 to index
        %parallel_loop3A_277 = arith.index_cast %parallel_loop3A_274 : i32 to index
        %parallel_loop3A_278 = arith.constant 0 : index
        %parallel_loop3A_279 = tpu.vector_load %arg9[%parallel_loop3A_275, %parallel_loop3A_276, %parallel_loop3A_277, %parallel_loop3A_278] {strides = array<i32>} : memref<50x4x8x16xf32, #tpu.memory_space<vmem>>, vector<16xf32>,
        tpu.vector_store %arg9[%parallel_loop3A_275, %parallel_loop3A_276, %parallel_loop3A_277, %parallel_loop3A_278], %parallel_loop3A_272 {strides = array<i32>} : memref<50x4x8x16xf32, #tpu.memory_space<vmem>>, vector<16xf32>,
        %parallel_loop3A_280 = arith.constant 14 : i32
        %parallel_loop3A_281 = vector.broadcast %parallel_loop3A_280 : i32 to vector<16xi32>
        %parallel_loop3A_282 = tpu.vector_load_idx %arg7[%parallel_loop3A_139, %parallel_loop3A_281] : memref<800x32xf32, #tpu.memory_space<vmem>>[vector<16xi32>, vector<16xi32>], vector<16xf32>,
        %parallel_loop3A_283 = arith.constant 1 : i32
        %parallel_loop3A_284 = arith.constant 6 : i32
        %parallel_loop3A_285 = arith.index_cast %parallel_loop3A_137 : i32 to index
        %parallel_loop3A_286 = arith.index_cast %parallel_loop3A_283 : i32 to index
        %parallel_loop3A_287 = arith.index_cast %parallel_loop3A_284 : i32 to index
        %parallel_loop3A_288 = arith.constant 0 : index
        %parallel_loop3A_289 = tpu.vector_load %arg9[%parallel_loop3A_285, %parallel_loop3A_286, %parallel_loop3A_287, %parallel_loop3A_288] {strides = array<i32>} : memref<50x4x8x16xf32, #tpu.memory_space<vmem>>, vector<16xf32>,
        tpu.vector_store %arg9[%parallel_loop3A_285, %parallel_loop3A_286, %parallel_loop3A_287, %parallel_loop3A_288], %parallel_loop3A_282 {strides = array<i32>} : memref<50x4x8x16xf32, #tpu.memory_space<vmem>>, vector<16xf32>,
        %parallel_loop3A_290 = arith.constant 15 : i32
        %parallel_loop3A_291 = vector.broadcast %parallel_loop3A_290 : i32 to vector<16xi32>
        %parallel_loop3A_292 = tpu.vector_load_idx %arg7[%parallel_loop3A_139, %parallel_loop3A_291] : memref<800x32xf32, #tpu.memory_space<vmem>>[vector<16xi32>, vector<16xi32>], vector<16xf32>,
        %parallel_loop3A_293 = arith.constant 1 : i32
        %parallel_loop3A_294 = arith.constant 7 : i32
        %parallel_loop3A_295 = arith.index_cast %parallel_loop3A_137 : i32 to index
        %parallel_loop3A_296 = arith.index_cast %parallel_loop3A_293 : i32 to index
        %parallel_loop3A_297 = arith.index_cast %parallel_loop3A_294 : i32 to index
        %parallel_loop3A_298 = arith.constant 0 : index
        %parallel_loop3A_299 = tpu.vector_load %arg9[%parallel_loop3A_295, %parallel_loop3A_296, %parallel_loop3A_297, %parallel_loop3A_298] {strides = array<i32>} : memref<50x4x8x16xf32, #tpu.memory_space<vmem>>, vector<16xf32>,
        tpu.vector_store %arg9[%parallel_loop3A_295, %parallel_loop3A_296, %parallel_loop3A_297, %parallel_loop3A_298], %parallel_loop3A_292 {strides = array<i32>} : memref<50x4x8x16xf32, #tpu.memory_space<vmem>>, vector<16xf32>,
        %parallel_loop3A_300 = arith.constant 16 : i32
        %parallel_loop3A_301 = vector.broadcast %parallel_loop3A_300 : i32 to vector<16xi32>
        %parallel_loop3A_302 = tpu.vector_load_idx %arg7[%parallel_loop3A_139, %parallel_loop3A_301] : memref<800x32xf32, #tpu.memory_space<vmem>>[vector<16xi32>, vector<16xi32>], vector<16xf32>,
        %parallel_loop3A_303 = arith.constant 2 : i32
        %parallel_loop3A_304 = arith.constant 0 : i32
        %parallel_loop3A_305 = arith.index_cast %parallel_loop3A_137 : i32 to index
        %parallel_loop3A_306 = arith.index_cast %parallel_loop3A_303 : i32 to index
        %parallel_loop3A_307 = arith.index_cast %parallel_loop3A_304 : i32 to index
        %parallel_loop3A_308 = arith.constant 0 : index
        %parallel_loop3A_309 = tpu.vector_load %arg9[%parallel_loop3A_305, %parallel_loop3A_306, %parallel_loop3A_307, %parallel_loop3A_308] {strides = array<i32>} : memref<50x4x8x16xf32, #tpu.memory_space<vmem>>, vector<16xf32>,
        tpu.vector_store %arg9[%parallel_loop3A_305, %parallel_loop3A_306, %parallel_loop3A_307, %parallel_loop3A_308], %parallel_loop3A_302 {strides = array<i32>} : memref<50x4x8x16xf32, #tpu.memory_space<vmem>>, vector<16xf32>,
        %parallel_loop3A_310 = arith.constant 17 : i32
        %parallel_loop3A_311 = vector.broadcast %parallel_loop3A_310 : i32 to vector<16xi32>
        %parallel_loop3A_312 = tpu.vector_load_idx %arg7[%parallel_loop3A_139, %parallel_loop3A_311] : memref<800x32xf32, #tpu.memory_space<vmem>>[vector<16xi32>, vector<16xi32>], vector<16xf32>,
        %parallel_loop3A_313 = arith.constant 2 : i32
        %parallel_loop3A_314 = arith.constant 1 : i32
        %parallel_loop3A_315 = arith.index_cast %parallel_loop3A_137 : i32 to index
        %parallel_loop3A_316 = arith.index_cast %parallel_loop3A_313 : i32 to index
        %parallel_loop3A_317 = arith.index_cast %parallel_loop3A_314 : i32 to index
        %parallel_loop3A_318 = arith.constant 0 : index
        %parallel_loop3A_319 = tpu.vector_load %arg9[%parallel_loop3A_315, %parallel_loop3A_316, %parallel_loop3A_317, %parallel_loop3A_318] {strides = array<i32>} : memref<50x4x8x16xf32, #tpu.memory_space<vmem>>, vector<16xf32>,
        tpu.vector_store %arg9[%parallel_loop3A_315, %parallel_loop3A_316, %parallel_loop3A_317, %parallel_loop3A_318], %parallel_loop3A_312 {strides = array<i32>} : memref<50x4x8x16xf32, #tpu.memory_space<vmem>>, vector<16xf32>,
        %parallel_loop3A_320 = arith.constant 18 : i32
        %parallel_loop3A_321 = vector.broadcast %parallel_loop3A_320 : i32 to vector<16xi32>
        %parallel_loop3A_322 = tpu.vector_load_idx %arg7[%parallel_loop3A_139, %parallel_loop3A_321] : memref<800x32xf32, #tpu.memory_space<vmem>>[vector<16xi32>, vector<16xi32>], vector<16xf32>,
        %parallel_loop3A_323 = arith.constant 2 : i32
        %parallel_loop3A_324 = arith.constant 2 : i32
        %parallel_loop3A_325 = arith.index_cast %parallel_loop3A_137 : i32 to index
        %parallel_loop3A_326 = arith.index_cast %parallel_loop3A_323 : i32 to index
        %parallel_loop3A_327 = arith.index_cast %parallel_loop3A_324 : i32 to index
        %parallel_loop3A_328 = arith.constant 0 : index
        %parallel_loop3A_329 = tpu.vector_load %arg9[%parallel_loop3A_325, %parallel_loop3A_326, %parallel_loop3A_327, %parallel_loop3A_328] {strides = array<i32>} : memref<50x4x8x16xf32, #tpu.memory_space<vmem>>, vector<16xf32>,
        tpu.vector_store %arg9[%parallel_loop3A_325, %parallel_loop3A_326, %parallel_loop3A_327, %parallel_loop3A_328], %parallel_loop3A_322 {strides = array<i32>} : memref<50x4x8x16xf32, #tpu.memory_space<vmem>>, vector<16xf32>,
        %parallel_loop3A_330 = arith.constant 19 : i32
        %parallel_loop3A_331 = vector.broadcast %parallel_loop3A_330 : i32 to vector<16xi32>
        %parallel_loop3A_332 = tpu.vector_load_idx %arg7[%parallel_loop3A_139, %parallel_loop3A_331] : memref<800x32xf32, #tpu.memory_space<vmem>>[vector<16xi32>, vector<16xi32>], vector<16xf32>,
        %parallel_loop3A_333 = arith.constant 2 : i32
        %parallel_loop3A_334 = arith.constant 3 : i32
        %parallel_loop3A_335 = arith.index_cast %parallel_loop3A_137 : i32 to index
        %parallel_loop3A_336 = arith.index_cast %parallel_loop3A_333 : i32 to index
        %parallel_loop3A_337 = arith.index_cast %parallel_loop3A_334 : i32 to index
        %parallel_loop3A_338 = arith.constant 0 : index
        %parallel_loop3A_339 = tpu.vector_load %arg9[%parallel_loop3A_335, %parallel_loop3A_336, %parallel_loop3A_337, %parallel_loop3A_338] {strides = array<i32>} : memref<50x4x8x16xf32, #tpu.memory_space<vmem>>, vector<16xf32>,
        tpu.vector_store %arg9[%parallel_loop3A_335, %parallel_loop3A_336, %parallel_loop3A_337, %parallel_loop3A_338], %parallel_loop3A_332 {strides = array<i32>} : memref<50x4x8x16xf32, #tpu.memory_space<vmem>>, vector<16xf32>,
        %parallel_loop3A_340 = arith.constant 20 : i32
        %parallel_loop3A_341 = vector.broadcast %parallel_loop3A_340 : i32 to vector<16xi32>
        %parallel_loop3A_342 = tpu.vector_load_idx %arg7[%parallel_loop3A_139, %parallel_loop3A_341] : memref<800x32xf32, #tpu.memory_space<vmem>>[vector<16xi32>, vector<16xi32>], vector<16xf32>,
        %parallel_loop3A_343 = arith.constant 2 : i32
        %parallel_loop3A_344 = arith.constant 4 : i32
        %parallel_loop3A_345 = arith.index_cast %parallel_loop3A_137 : i32 to index
        %parallel_loop3A_346 = arith.index_cast %parallel_loop3A_343 : i32 to index
        %parallel_loop3A_347 = arith.index_cast %parallel_loop3A_344 : i32 to index
        %parallel_loop3A_348 = arith.constant 0 : index
        %parallel_loop3A_349 = tpu.vector_load %arg9[%parallel_loop3A_345, %parallel_loop3A_346, %parallel_loop3A_347, %parallel_loop3A_348] {strides = array<i32>} : memref<50x4x8x16xf32, #tpu.memory_space<vmem>>, vector<16xf32>,
        tpu.vector_store %arg9[%parallel_loop3A_345, %parallel_loop3A_346, %parallel_loop3A_347, %parallel_loop3A_348], %parallel_loop3A_342 {strides = array<i32>} : memref<50x4x8x16xf32, #tpu.memory_space<vmem>>, vector<16xf32>,
        %parallel_loop3A_350 = arith.constant 21 : i32
        %parallel_loop3A_351 = vector.broadcast %parallel_loop3A_350 : i32 to vector<16xi32>
        %parallel_loop3A_352 = tpu.vector_load_idx %arg7[%parallel_loop3A_139, %parallel_loop3A_351] : memref<800x32xf32, #tpu.memory_space<vmem>>[vector<16xi32>, vector<16xi32>], vector<16xf32>,
        %parallel_loop3A_353 = arith.constant 2 : i32
        %parallel_loop3A_354 = arith.constant 5 : i32
        %parallel_loop3A_355 = arith.index_cast %parallel_loop3A_137 : i32 to index
        %parallel_loop3A_356 = arith.index_cast %parallel_loop3A_353 : i32 to index
        %parallel_loop3A_357 = arith.index_cast %parallel_loop3A_354 : i32 to index
        %parallel_loop3A_358 = arith.constant 0 : index
        %parallel_loop3A_359 = tpu.vector_load %arg9[%parallel_loop3A_355, %parallel_loop3A_356, %parallel_loop3A_357, %parallel_loop3A_358] {strides = array<i32>} : memref<50x4x8x16xf32, #tpu.memory_space<vmem>>, vector<16xf32>,
        tpu.vector_store %arg9[%parallel_loop3A_355, %parallel_loop3A_356, %parallel_loop3A_357, %parallel_loop3A_358], %parallel_loop3A_352 {strides = array<i32>} : memref<50x4x8x16xf32, #tpu.memory_space<vmem>>, vector<16xf32>,
        %parallel_loop3A_360 = arith.constant 22 : i32
        %parallel_loop3A_361 = vector.broadcast %parallel_loop3A_360 : i32 to vector<16xi32>
        %parallel_loop3A_362 = tpu.vector_load_idx %arg7[%parallel_loop3A_139, %parallel_loop3A_361] : memref<800x32xf32, #tpu.memory_space<vmem>>[vector<16xi32>, vector<16xi32>], vector<16xf32>,
        %parallel_loop3A_363 = arith.constant 2 : i32
        %parallel_loop3A_364 = arith.constant 6 : i32
        %parallel_loop3A_365 = arith.index_cast %parallel_loop3A_137 : i32 to index
        %parallel_loop3A_366 = arith.index_cast %parallel_loop3A_363 : i32 to index
        %parallel_loop3A_367 = arith.index_cast %parallel_loop3A_364 : i32 to index
        %parallel_loop3A_368 = arith.constant 0 : index
        %parallel_loop3A_369 = tpu.vector_load %arg9[%parallel_loop3A_365, %parallel_loop3A_366, %parallel_loop3A_367, %parallel_loop3A_368] {strides = array<i32>} : memref<50x4x8x16xf32, #tpu.memory_space<vmem>>, vector<16xf32>,
        tpu.vector_store %arg9[%parallel_loop3A_365, %parallel_loop3A_366, %parallel_loop3A_367, %parallel_loop3A_368], %parallel_loop3A_362 {strides = array<i32>} : memref<50x4x8x16xf32, #tpu.memory_space<vmem>>, vector<16xf32>,
        %parallel_loop3A_370 = arith.constant 23 : i32
        %parallel_loop3A_371 = vector.broadcast %parallel_loop3A_370 : i32 to vector<16xi32>
        %parallel_loop3A_372 = tpu.vector_load_idx %arg7[%parallel_loop3A_139, %parallel_loop3A_371] : memref<800x32xf32, #tpu.memory_space<vmem>>[vector<16xi32>, vector<16xi32>], vector<16xf32>,
        %parallel_loop3A_373 = arith.constant 2 : i32
        %parallel_loop3A_374 = arith.constant 7 : i32
        %parallel_loop3A_375 = arith.index_cast %parallel_loop3A_137 : i32 to index
        %parallel_loop3A_376 = arith.index_cast %parallel_loop3A_373 : i32 to index
        %parallel_loop3A_377 = arith.index_cast %parallel_loop3A_374 : i32 to index
        %parallel_loop3A_378 = arith.constant 0 : index
        %parallel_loop3A_379 = tpu.vector_load %arg9[%parallel_loop3A_375, %parallel_loop3A_376, %parallel_loop3A_377, %parallel_loop3A_378] {strides = array<i32>} : memref<50x4x8x16xf32, #tpu.memory_space<vmem>>, vector<16xf32>,
        tpu.vector_store %arg9[%parallel_loop3A_375, %parallel_loop3A_376, %parallel_loop3A_377, %parallel_loop3A_378], %parallel_loop3A_372 {strides = array<i32>} : memref<50x4x8x16xf32, #tpu.memory_space<vmem>>, vector<16xf32>,
        %parallel_loop3A_380 = arith.constant 24 : i32
        %parallel_loop3A_381 = vector.broadcast %parallel_loop3A_380 : i32 to vector<16xi32>
        %parallel_loop3A_382 = tpu.vector_load_idx %arg7[%parallel_loop3A_139, %parallel_loop3A_381] : memref<800x32xf32, #tpu.memory_space<vmem>>[vector<16xi32>, vector<16xi32>], vector<16xf32>,
        %parallel_loop3A_383 = arith.constant 3 : i32
        %parallel_loop3A_384 = arith.constant 0 : i32
        %parallel_loop3A_385 = arith.index_cast %parallel_loop3A_137 : i32 to index
        %parallel_loop3A_386 = arith.index_cast %parallel_loop3A_383 : i32 to index
        %parallel_loop3A_387 = arith.index_cast %parallel_loop3A_384 : i32 to index
        %parallel_loop3A_388 = arith.constant 0 : index
        %parallel_loop3A_389 = tpu.vector_load %arg9[%parallel_loop3A_385, %parallel_loop3A_386, %parallel_loop3A_387, %parallel_loop3A_388] {strides = array<i32>} : memref<50x4x8x16xf32, #tpu.memory_space<vmem>>, vector<16xf32>,
        tpu.vector_store %arg9[%parallel_loop3A_385, %parallel_loop3A_386, %parallel_loop3A_387, %parallel_loop3A_388], %parallel_loop3A_382 {strides = array<i32>} : memref<50x4x8x16xf32, #tpu.memory_space<vmem>>, vector<16xf32>,
        %parallel_loop3A_390 = arith.constant 25 : i32
        %parallel_loop3A_391 = vector.broadcast %parallel_loop3A_390 : i32 to vector<16xi32>
        %parallel_loop3A_392 = tpu.vector_load_idx %arg7[%parallel_loop3A_139, %parallel_loop3A_391] : memref<800x32xf32, #tpu.memory_space<vmem>>[vector<16xi32>, vector<16xi32>], vector<16xf32>,
        %parallel_loop3A_393 = arith.constant 3 : i32
        %parallel_loop3A_394 = arith.constant 1 : i32
        %parallel_loop3A_395 = arith.index_cast %parallel_loop3A_137 : i32 to index
        %parallel_loop3A_396 = arith.index_cast %parallel_loop3A_393 : i32 to index
        %parallel_loop3A_397 = arith.index_cast %parallel_loop3A_394 : i32 to index
        %parallel_loop3A_398 = arith.constant 0 : index
        %parallel_loop3A_399 = tpu.vector_load %arg9[%parallel_loop3A_395, %parallel_loop3A_396, %parallel_loop3A_397, %parallel_loop3A_398] {strides = array<i32>} : memref<50x4x8x16xf32, #tpu.memory_space<vmem>>, vector<16xf32>,
        tpu.vector_store %arg9[%parallel_loop3A_395, %parallel_loop3A_396, %parallel_loop3A_397, %parallel_loop3A_398], %parallel_loop3A_392 {strides = array<i32>} : memref<50x4x8x16xf32, #tpu.memory_space<vmem>>, vector<16xf32>,
        %parallel_loop3A_400 = arith.constant 26 : i32
        %parallel_loop3A_401 = vector.broadcast %parallel_loop3A_400 : i32 to vector<16xi32>
        %parallel_loop3A_402 = tpu.vector_load_idx %arg7[%parallel_loop3A_139, %parallel_loop3A_401] : memref<800x32xf32, #tpu.memory_space<vmem>>[vector<16xi32>, vector<16xi32>], vector<16xf32>,
        %parallel_loop3A_403 = arith.constant 3 : i32
        %parallel_loop3A_404 = arith.constant 2 : i32
        %parallel_loop3A_405 = arith.index_cast %parallel_loop3A_137 : i32 to index
        %parallel_loop3A_406 = arith.index_cast %parallel_loop3A_403 : i32 to index
        %parallel_loop3A_407 = arith.index_cast %parallel_loop3A_404 : i32 to index
        %parallel_loop3A_408 = arith.constant 0 : index
        %parallel_loop3A_409 = tpu.vector_load %arg9[%parallel_loop3A_405, %parallel_loop3A_406, %parallel_loop3A_407, %parallel_loop3A_408] {strides = array<i32>} : memref<50x4x8x16xf32, #tpu.memory_space<vmem>>, vector<16xf32>,
        tpu.vector_store %arg9[%parallel_loop3A_405, %parallel_loop3A_406, %parallel_loop3A_407, %parallel_loop3A_408], %parallel_loop3A_402 {strides = array<i32>} : memref<50x4x8x16xf32, #tpu.memory_space<vmem>>, vector<16xf32>,
        %parallel_loop3A_410 = arith.constant 27 : i32
        %parallel_loop3A_411 = vector.broadcast %parallel_loop3A_410 : i32 to vector<16xi32>
        %parallel_loop3A_412 = tpu.vector_load_idx %arg7[%parallel_loop3A_139, %parallel_loop3A_411] : memref<800x32xf32, #tpu.memory_space<vmem>>[vector<16xi32>, vector<16xi32>], vector<16xf32>,
        %parallel_loop3A_413 = arith.constant 3 : i32
        %parallel_loop3A_414 = arith.constant 3 : i32
        %parallel_loop3A_415 = arith.index_cast %parallel_loop3A_137 : i32 to index
        %parallel_loop3A_416 = arith.index_cast %parallel_loop3A_413 : i32 to index
        %parallel_loop3A_417 = arith.index_cast %parallel_loop3A_414 : i32 to index
        %parallel_loop3A_418 = arith.constant 0 : index
        %parallel_loop3A_419 = tpu.vector_load %arg9[%parallel_loop3A_415, %parallel_loop3A_416, %parallel_loop3A_417, %parallel_loop3A_418] {strides = array<i32>} : memref<50x4x8x16xf32, #tpu.memory_space<vmem>>, vector<16xf32>,
        tpu.vector_store %arg9[%parallel_loop3A_415, %parallel_loop3A_416, %parallel_loop3A_417, %parallel_loop3A_418], %parallel_loop3A_412 {strides = array<i32>} : memref<50x4x8x16xf32, #tpu.memory_space<vmem>>, vector<16xf32>,
        %parallel_loop3A_420 = arith.constant 28 : i32
        %parallel_loop3A_421 = vector.broadcast %parallel_loop3A_420 : i32 to vector<16xi32>
        %parallel_loop3A_422 = tpu.vector_load_idx %arg7[%parallel_loop3A_139, %parallel_loop3A_421] : memref<800x32xf32, #tpu.memory_space<vmem>>[vector<16xi32>, vector<16xi32>], vector<16xf32>,
        %parallel_loop3A_423 = arith.constant 3 : i32
        %parallel_loop3A_424 = arith.constant 4 : i32
        %parallel_loop3A_425 = arith.index_cast %parallel_loop3A_137 : i32 to index
        %parallel_loop3A_426 = arith.index_cast %parallel_loop3A_423 : i32 to index
        %parallel_loop3A_427 = arith.index_cast %parallel_loop3A_424 : i32 to index
        %parallel_loop3A_428 = arith.constant 0 : index
        %parallel_loop3A_429 = tpu.vector_load %arg9[%parallel_loop3A_425, %parallel_loop3A_426, %parallel_loop3A_427, %parallel_loop3A_428] {strides = array<i32>} : memref<50x4x8x16xf32, #tpu.memory_space<vmem>>, vector<16xf32>,
        tpu.vector_store %arg9[%parallel_loop3A_425, %parallel_loop3A_426, %parallel_loop3A_427, %parallel_loop3A_428], %parallel_loop3A_422 {strides = array<i32>} : memref<50x4x8x16xf32, #tpu.memory_space<vmem>>, vector<16xf32>,
        %parallel_loop3A_430 = arith.constant 29 : i32
        %parallel_loop3A_431 = vector.broadcast %parallel_loop3A_430 : i32 to vector<16xi32>
        %parallel_loop3A_432 = tpu.vector_load_idx %arg7[%parallel_loop3A_139, %parallel_loop3A_431] : memref<800x32xf32, #tpu.memory_space<vmem>>[vector<16xi32>, vector<16xi32>], vector<16xf32>,
        %parallel_loop3A_433 = arith.constant 3 : i32
        %parallel_loop3A_434 = arith.constant 5 : i32
        %parallel_loop3A_435 = arith.index_cast %parallel_loop3A_137 : i32 to index
        %parallel_loop3A_436 = arith.index_cast %parallel_loop3A_433 : i32 to index
        %parallel_loop3A_437 = arith.index_cast %parallel_loop3A_434 : i32 to index
        %parallel_loop3A_438 = arith.constant 0 : index
        %parallel_loop3A_439 = tpu.vector_load %arg9[%parallel_loop3A_435, %parallel_loop3A_436, %parallel_loop3A_437, %parallel_loop3A_438] {strides = array<i32>} : memref<50x4x8x16xf32, #tpu.memory_space<vmem>>, vector<16xf32>,
        tpu.vector_store %arg9[%parallel_loop3A_435, %parallel_loop3A_436, %parallel_loop3A_437, %parallel_loop3A_438], %parallel_loop3A_432 {strides = array<i32>} : memref<50x4x8x16xf32, #tpu.memory_space<vmem>>, vector<16xf32>,
        %parallel_loop3A_440 = arith.constant 30 : i32
        %parallel_loop3A_441 = vector.broadcast %parallel_loop3A_440 : i32 to vector<16xi32>
        %parallel_loop3A_442 = tpu.vector_load_idx %arg7[%parallel_loop3A_139, %parallel_loop3A_441] : memref<800x32xf32, #tpu.memory_space<vmem>>[vector<16xi32>, vector<16xi32>], vector<16xf32>,
        %parallel_loop3A_443 = arith.constant 3 : i32
        %parallel_loop3A_444 = arith.constant 6 : i32
        %parallel_loop3A_445 = arith.index_cast %parallel_loop3A_137 : i32 to index
        %parallel_loop3A_446 = arith.index_cast %parallel_loop3A_443 : i32 to index
        %parallel_loop3A_447 = arith.index_cast %parallel_loop3A_444 : i32 to index
        %parallel_loop3A_448 = arith.constant 0 : index
        %parallel_loop3A_449 = tpu.vector_load %arg9[%parallel_loop3A_445, %parallel_loop3A_446, %parallel_loop3A_447, %parallel_loop3A_448] {strides = array<i32>} : memref<50x4x8x16xf32, #tpu.memory_space<vmem>>, vector<16xf32>,
        tpu.vector_store %arg9[%parallel_loop3A_445, %parallel_loop3A_446, %parallel_loop3A_447, %parallel_loop3A_448], %parallel_loop3A_442 {strides = array<i32>} : memref<50x4x8x16xf32, #tpu.memory_space<vmem>>, vector<16xf32>,
        %parallel_loop3A_450 = arith.constant 31 : i32
        %parallel_loop3A_451 = vector.broadcast %parallel_loop3A_450 : i32 to vector<16xi32>
        %parallel_loop3A_452 = tpu.vector_load_idx %arg7[%parallel_loop3A_139, %parallel_loop3A_451] : memref<800x32xf32, #tpu.memory_space<vmem>>[vector<16xi32>, vector<16xi32>], vector<16xf32>,
        %parallel_loop3A_453 = arith.constant 3 : i32
        %parallel_loop3A_454 = arith.constant 7 : i32
        %parallel_loop3A_455 = arith.index_cast %parallel_loop3A_137 : i32 to index
        %parallel_loop3A_456 = arith.index_cast %parallel_loop3A_453 : i32 to index
        %parallel_loop3A_457 = arith.index_cast %parallel_loop3A_454 : i32 to index
        %parallel_loop3A_458 = arith.constant 0 : index
        %parallel_loop3A_459 = tpu.vector_load %arg9[%parallel_loop3A_455, %parallel_loop3A_456, %parallel_loop3A_457, %parallel_loop3A_458] {strides = array<i32>} : memref<50x4x8x16xf32, #tpu.memory_space<vmem>>, vector<16xf32>,
        tpu.vector_store %arg9[%parallel_loop3A_455, %parallel_loop3A_456, %parallel_loop3A_457, %parallel_loop3A_458], %parallel_loop3A_452 {strides = array<i32>} : memref<50x4x8x16xf32, #tpu.memory_space<vmem>>, vector<16xf32>,
      } {sc.loop_unroll_factor = 2 : i64, sc.parallel_access}
      %mul3A_41 = arith.constant 16 : i32
      %mul3A_42 = arith.muli %mul3A_15, %mul3A_41 : i32
      %add3A_43 = arith.addi %mul3A_4, %mul3A_42 : i32
      %jit3A = arith.constant 128 : i32
      %div3A = arith.divsi %add3A_43, %jit3A : i32
      %sign3A = arith.constant 0 : i32
      %sign3A_44 = arith.cmpi sgt, %add3A_43, %sign3A : i32
      %sign3A_45 = arith.extui %sign3A_44 : i1 to i32
      %sign3A_46 = arith.constant 0 : i32
      %sign3A_47 = arith.cmpi slt, %add3A_43, %sign3A_46 : i32
      %sign3A_48 = arith.extui %sign3A_47 : i1 to i32
      %sign3A_49 = arith.subi %sign3A_45, %sign3A_48 : i32
      %sign3A_50 = arith.constant 0 : i32
      %sign3A_51 = arith.cmpi sgt, %jit3A, %sign3A_50 : i32
      %sign3A_52 = arith.extui %sign3A_51 : i1 to i32
      %sign3A_53 = arith.constant 0 : i32
      %sign3A_54 = arith.cmpi slt, %jit3A, %sign3A_53 : i32
      %sign3A_55 = arith.extui %sign3A_54 : i1 to i32
      %sign3A_56 = arith.subi %sign3A_52, %sign3A_55 : i32
      %ne3A = arith.cmpi ne, %sign3A_49, %sign3A_56 : i32
      %rem3A = arith.remsi %add3A_43, %jit3A : i32
      %ne3A_57 = arith.constant 0 : i32
      %ne3A_58 = arith.cmpi ne, %rem3A, %ne3A_57 : i32
      %and3A = arith.andi %ne3A, %ne3A_58 : i1
      %sub3A = arith.constant 1 : i32
      %sub3A_59 = arith.subi %div3A, %sub3A : i32
      %select_n3A = arith.select %and3A, %sub3A_59, %div3A : i32
      %rem3A_60 = arith.constant 128 : i32
      %rem3A_61 = arith.remsi %add3A_43, %rem3A_60 : i32
      %dma_start3A_62 = arith.constant 0 : i32
      %dma_start3A_63 = arith.constant 0 : i32
      %dma_start3A_64 = arith.constant 0 : i32
      %dma_start3A_65 = tpu.memref_slice %arg4[%dma_start3A_62, %dma_start3A_63, %select_n3A, %dma_start3A_64, %rem3A_61] : memref<50x4x128x8x128xf32, #tpu.memory_space<hbm>> -> memref<50x4x1x8x16xf32, #tpu.memory_space<hbm>>
      %dma_start3A_66 = tpu.memref_squeeze %dma_start3A_65 : memref<50x4x1x8x16xf32, #tpu.memory_space<hbm>> -> memref<50x4x8x16xf32, #tpu.memory_space<hbm>>
      %dma_start3A_67 = arith.constant 0 : i32
      %dma_start3A_68 = arith.constant 0 : i32
      %dma_start3A_69 = arith.constant 0 : i32
      %dma_start3A_70 = tpu.memref_slice %arg4[%dma_start3A_67, %dma_start3A_68, %select_n3A, %dma_start3A_69, %rem3A_61] : memref<50x4x128x8x128xf32, #tpu.memory_space<hbm>> -> memref<50x4x1x8x16xf32, #tpu.memory_space<hbm>>
      %dma_start3A_71 = tpu.memref_squeeze %dma_start3A_70 : memref<50x4x1x8x16xf32, #tpu.memory_space<hbm>> -> memref<50x4x8x16xf32, #tpu.memory_space<hbm>>
      tpu.enqueue_dma source(%arg9 : memref<50x4x8x16xf32, #tpu.memory_space<vmem>>) target(%dma_start3A_71 : memref<50x4x8x16xf32, #tpu.memory_space<hbm>>) target_semaphore(%arg15 : memref<!tpu.dma_semaphore, #tpu.memory_space<semaphore_mem>>)
      %dma_wait3A_72 = arith.constant 0 : i32
      %dma_wait3A_73 = arith.constant 0 : i32
      %dma_wait3A_74 = tpu.memref_slice %arg2[%dma_wait3A_72, %dma_wait3A_73] : memref<1000000x32xf32, #tpu.memory_space<hbm>> -> memref<1000000x32xf32, #tpu.memory_space<hbm>>
      tpu.wait_indirect_dma semaphore(%arg14 : memref<!tpu.dma_semaphore, #tpu.memory_space<semaphore_mem>>) src(%dma_wait3A_74 : memref<1000000x32xf32, #tpu.memory_space<hbm>>) dst(%arg8 : memref<800x32xf32, #tpu.memory_space<vmem>>)
      %parallel_loop3A_75 = arith.constant 0 : i32
      %parallel_loop3A_76 = arith.constant 50 : i32
      %parallel_loop3A_77 = arith.constant 1 : i32
      scf.for %parallel_loop3A_137 = %parallel_loop3A_75 to %parallel_loop3A_76 step %parallel_loop3A_77  : i32 {
        %parallel_loop3A_138 = vector.broadcast %parallel_loop3A_137 : i32 to vector<16xi32>
        %parallel_loop3A_139 = arith.addi %mul3A_7, %parallel_loop3A_138 : vector<16xi32>
        %parallel_loop3A_140 = arith.constant 0 : i32
        %parallel_loop3A_141 = vector.broadcast %parallel_loop3A_140 : i32 to vector<16xi32>
        %parallel_loop3A_142 = tpu.vector_load_idx %arg8[%parallel_loop3A_139, %parallel_loop3A_141] : memref<800x32xf32, #tpu.memory_space<vmem>>[vector<16xi32>, vector<16xi32>], vector<16xf32>,
        %parallel_loop3A_143 = arith.constant 0 : i32
        %parallel_loop3A_144 = arith.constant 0 : i32
        %parallel_loop3A_145 = arith.index_cast %parallel_loop3A_137 : i32 to index
        %parallel_loop3A_146 = arith.index_cast %parallel_loop3A_143 : i32 to index
        %parallel_loop3A_147 = arith.index_cast %parallel_loop3A_144 : i32 to index
        %parallel_loop3A_148 = arith.constant 0 : index
        %parallel_loop3A_149 = tpu.vector_load %arg10[%parallel_loop3A_145, %parallel_loop3A_146, %parallel_loop3A_147, %parallel_loop3A_148] {strides = array<i32>} : memref<50x4x8x16xf32, #tpu.memory_space<vmem>>, vector<16xf32>,
        tpu.vector_store %arg10[%parallel_loop3A_145, %parallel_loop3A_146, %parallel_loop3A_147, %parallel_loop3A_148], %parallel_loop3A_142 {strides = array<i32>} : memref<50x4x8x16xf32, #tpu.memory_space<vmem>>, vector<16xf32>,
        %parallel_loop3A_150 = arith.constant 1 : i32
        %parallel_loop3A_151 = vector.broadcast %parallel_loop3A_150 : i32 to vector<16xi32>
        %parallel_loop3A_152 = tpu.vector_load_idx %arg8[%parallel_loop3A_139, %parallel_loop3A_151] : memref<800x32xf32, #tpu.memory_space<vmem>>[vector<16xi32>, vector<16xi32>], vector<16xf32>,
        %parallel_loop3A_153 = arith.constant 0 : i32
        %parallel_loop3A_154 = arith.constant 1 : i32
        %parallel_loop3A_155 = arith.index_cast %parallel_loop3A_137 : i32 to index
        %parallel_loop3A_156 = arith.index_cast %parallel_loop3A_153 : i32 to index
        %parallel_loop3A_157 = arith.index_cast %parallel_loop3A_154 : i32 to index
        %parallel_loop3A_158 = arith.constant 0 : index
        %parallel_loop3A_159 = tpu.vector_load %arg10[%parallel_loop3A_155, %parallel_loop3A_156, %parallel_loop3A_157, %parallel_loop3A_158] {strides = array<i32>} : memref<50x4x8x16xf32, #tpu.memory_space<vmem>>, vector<16xf32>,
        tpu.vector_store %arg10[%parallel_loop3A_155, %parallel_loop3A_156, %parallel_loop3A_157, %parallel_loop3A_158], %parallel_loop3A_152 {strides = array<i32>} : memref<50x4x8x16xf32, #tpu.memory_space<vmem>>, vector<16xf32>,
        %parallel_loop3A_160 = arith.constant 2 : i32
        %parallel_loop3A_161 = vector.broadcast %parallel_loop3A_160 : i32 to vector<16xi32>
        %parallel_loop3A_162 = tpu.vector_load_idx %arg8[%parallel_loop3A_139, %parallel_loop3A_161] : memref<800x32xf32, #tpu.memory_space<vmem>>[vector<16xi32>, vector<16xi32>], vector<16xf32>,
        %parallel_loop3A_163 = arith.constant 0 : i32
        %parallel_loop3A_164 = arith.constant 2 : i32
        %parallel_loop3A_165 = arith.index_cast %parallel_loop3A_137 : i32 to index
        %parallel_loop3A_166 = arith.index_cast %parallel_loop3A_163 : i32 to index
        %parallel_loop3A_167 = arith.index_cast %parallel_loop3A_164 : i32 to index
        %parallel_loop3A_168 = arith.constant 0 : index
        %parallel_loop3A_169 = tpu.vector_load %arg10[%parallel_loop3A_165, %parallel_loop3A_166, %parallel_loop3A_167, %parallel_loop3A_168] {strides = array<i32>} : memref<50x4x8x16xf32, #tpu.memory_space<vmem>>, vector<16xf32>,
        tpu.vector_store %arg10[%parallel_loop3A_165, %parallel_loop3A_166, %parallel_loop3A_167, %parallel_loop3A_168], %parallel_loop3A_162 {strides = array<i32>} : memref<50x4x8x16xf32, #tpu.memory_space<vmem>>, vector<16xf32>,
        %parallel_loop3A_170 = arith.constant 3 : i32
        %parallel_loop3A_171 = vector.broadcast %parallel_loop3A_170 : i32 to vector<16xi32>
        %parallel_loop3A_172 = tpu.vector_load_idx %arg8[%parallel_loop3A_139, %parallel_loop3A_171] : memref<800x32xf32, #tpu.memory_space<vmem>>[vector<16xi32>, vector<16xi32>], vector<16xf32>,
        %parallel_loop3A_173 = arith.constant 0 : i32
        %parallel_loop3A_174 = arith.constant 3 : i32
        %parallel_loop3A_175 = arith.index_cast %parallel_loop3A_137 : i32 to index
        %parallel_loop3A_176 = arith.index_cast %parallel_loop3A_173 : i32 to index
        %parallel_loop3A_177 = arith.index_cast %parallel_loop3A_174 : i32 to index
        %parallel_loop3A_178 = arith.constant 0 : index
        %parallel_loop3A_179 = tpu.vector_load %arg10[%parallel_loop3A_175, %parallel_loop3A_176, %parallel_loop3A_177, %parallel_loop3A_178] {strides = array<i32>} : memref<50x4x8x16xf32, #tpu.memory_space<vmem>>, vector<16xf32>,
        tpu.vector_store %arg10[%parallel_loop3A_175, %parallel_loop3A_176, %parallel_loop3A_177, %parallel_loop3A_178], %parallel_loop3A_172 {strides = array<i32>} : memref<50x4x8x16xf32, #tpu.memory_space<vmem>>, vector<16xf32>,
        %parallel_loop3A_180 = arith.constant 4 : i32
        %parallel_loop3A_181 = vector.broadcast %parallel_loop3A_180 : i32 to vector<16xi32>
        %parallel_loop3A_182 = tpu.vector_load_idx %arg8[%parallel_loop3A_139, %parallel_loop3A_181] : memref<800x32xf32, #tpu.memory_space<vmem>>[vector<16xi32>, vector<16xi32>], vector<16xf32>,
        %parallel_loop3A_183 = arith.constant 0 : i32
        %parallel_loop3A_184 = arith.constant 4 : i32
        %parallel_loop3A_185 = arith.index_cast %parallel_loop3A_137 : i32 to index
        %parallel_loop3A_186 = arith.index_cast %parallel_loop3A_183 : i32 to index
        %parallel_loop3A_187 = arith.index_cast %parallel_loop3A_184 : i32 to index
        %parallel_loop3A_188 = arith.constant 0 : index
        %parallel_loop3A_189 = tpu.vector_load %arg10[%parallel_loop3A_185, %parallel_loop3A_186, %parallel_loop3A_187, %parallel_loop3A_188] {strides = array<i32>} : memref<50x4x8x16xf32, #tpu.memory_space<vmem>>, vector<16xf32>,
        tpu.vector_store %arg10[%parallel_loop3A_185, %parallel_loop3A_186, %parallel_loop3A_187, %parallel_loop3A_188], %parallel_loop3A_182 {strides = array<i32>} : memref<50x4x8x16xf32, #tpu.memory_space<vmem>>, vector<16xf32>,
        %parallel_loop3A_190 = arith.constant 5 : i32
        %parallel_loop3A_191 = vector.broadcast %parallel_loop3A_190 : i32 to vector<16xi32>
        %parallel_loop3A_192 = tpu.vector_load_idx %arg8[%parallel_loop3A_139, %parallel_loop3A_191] : memref<800x32xf32, #tpu.memory_space<vmem>>[vector<16xi32>, vector<16xi32>], vector<16xf32>,
        %parallel_loop3A_193 = arith.constant 0 : i32
        %parallel_loop3A_194 = arith.constant 5 : i32
        %parallel_loop3A_195 = arith.index_cast %parallel_loop3A_137 : i32 to index
        %parallel_loop3A_196 = arith.index_cast %parallel_loop3A_193 : i32 to index
        %parallel_loop3A_197 = arith.index_cast %parallel_loop3A_194 : i32 to index
        %parallel_loop3A_198 = arith.constant 0 : index
        %parallel_loop3A_199 = tpu.vector_load %arg10[%parallel_loop3A_195, %parallel_loop3A_196, %parallel_loop3A_197, %parallel_loop3A_198] {strides = array<i32>} : memref<50x4x8x16xf32, #tpu.memory_space<vmem>>, vector<16xf32>,
        tpu.vector_store %arg10[%parallel_loop3A_195, %parallel_loop3A_196, %parallel_loop3A_197, %parallel_loop3A_198], %parallel_loop3A_192 {strides = array<i32>} : memref<50x4x8x16xf32, #tpu.memory_space<vmem>>, vector<16xf32>,
        %parallel_loop3A_200 = arith.constant 6 : i32
        %parallel_loop3A_201 = vector.broadcast %parallel_loop3A_200 : i32 to vector<16xi32>
        %parallel_loop3A_202 = tpu.vector_load_idx %arg8[%parallel_loop3A_139, %parallel_loop3A_201] : memref<800x32xf32, #tpu.memory_space<vmem>>[vector<16xi32>, vector<16xi32>], vector<16xf32>,
        %parallel_loop3A_203 = arith.constant 0 : i32
        %parallel_loop3A_204 = arith.constant 6 : i32
        %parallel_loop3A_205 = arith.index_cast %parallel_loop3A_137 : i32 to index
        %parallel_loop3A_206 = arith.index_cast %parallel_loop3A_203 : i32 to index
        %parallel_loop3A_207 = arith.index_cast %parallel_loop3A_204 : i32 to index
        %parallel_loop3A_208 = arith.constant 0 : index
        %parallel_loop3A_209 = tpu.vector_load %arg10[%parallel_loop3A_205, %parallel_loop3A_206, %parallel_loop3A_207, %parallel_loop3A_208] {strides = array<i32>} : memref<50x4x8x16xf32, #tpu.memory_space<vmem>>, vector<16xf32>,
        tpu.vector_store %arg10[%parallel_loop3A_205, %parallel_loop3A_206, %parallel_loop3A_207, %parallel_loop3A_208], %parallel_loop3A_202 {strides = array<i32>} : memref<50x4x8x16xf32, #tpu.memory_space<vmem>>, vector<16xf32>,
        %parallel_loop3A_210 = arith.constant 7 : i32
        %parallel_loop3A_211 = vector.broadcast %parallel_loop3A_210 : i32 to vector<16xi32>
        %parallel_loop3A_212 = tpu.vector_load_idx %arg8[%parallel_loop3A_139, %parallel_loop3A_211] : memref<800x32xf32, #tpu.memory_space<vmem>>[vector<16xi32>, vector<16xi32>], vector<16xf32>,
        %parallel_loop3A_213 = arith.constant 0 : i32
        %parallel_loop3A_214 = arith.constant 7 : i32
        %parallel_loop3A_215 = arith.index_cast %parallel_loop3A_137 : i32 to index
        %parallel_loop3A_216 = arith.index_cast %parallel_loop3A_213 : i32 to index
        %parallel_loop3A_217 = arith.index_cast %parallel_loop3A_214 : i32 to index
        %parallel_loop3A_218 = arith.constant 0 : index
        %parallel_loop3A_219 = tpu.vector_load %arg10[%parallel_loop3A_215, %parallel_loop3A_216, %parallel_loop3A_217, %parallel_loop3A_218] {strides = array<i32>} : memref<50x4x8x16xf32, #tpu.memory_space<vmem>>, vector<16xf32>,
        tpu.vector_store %arg10[%parallel_loop3A_215, %parallel_loop3A_216, %parallel_loop3A_217, %parallel_loop3A_218], %parallel_loop3A_212 {strides = array<i32>} : memref<50x4x8x16xf32, #tpu.memory_space<vmem>>, vector<16xf32>,
        %parallel_loop3A_220 = arith.constant 8 : i32
        %parallel_loop3A_221 = vector.broadcast %parallel_loop3A_220 : i32 to vector<16xi32>
        %parallel_loop3A_222 = tpu.vector_load_idx %arg8[%parallel_loop3A_139, %parallel_loop3A_221] : memref<800x32xf32, #tpu.memory_space<vmem>>[vector<16xi32>, vector<16xi32>], vector<16xf32>,
        %parallel_loop3A_223 = arith.constant 1 : i32
        %parallel_loop3A_224 = arith.constant 0 : i32
        %parallel_loop3A_225 = arith.index_cast %parallel_loop3A_137 : i32 to index
        %parallel_loop3A_226 = arith.index_cast %parallel_loop3A_223 : i32 to index
        %parallel_loop3A_227 = arith.index_cast %parallel_loop3A_224 : i32 to index
        %parallel_loop3A_228 = arith.constant 0 : index
        %parallel_loop3A_229 = tpu.vector_load %arg10[%parallel_loop3A_225, %parallel_loop3A_226, %parallel_loop3A_227, %parallel_loop3A_228] {strides = array<i32>} : memref<50x4x8x16xf32, #tpu.memory_space<vmem>>, vector<16xf32>,
        tpu.vector_store %arg10[%parallel_loop3A_225, %parallel_loop3A_226, %parallel_loop3A_227, %parallel_loop3A_228], %parallel_loop3A_222 {strides = array<i32>} : memref<50x4x8x16xf32, #tpu.memory_space<vmem>>, vector<16xf32>,
        %parallel_loop3A_230 = arith.constant 9 : i32
        %parallel_loop3A_231 = vector.broadcast %parallel_loop3A_230 : i32 to vector<16xi32>
        %parallel_loop3A_232 = tpu.vector_load_idx %arg8[%parallel_loop3A_139, %parallel_loop3A_231] : memref<800x32xf32, #tpu.memory_space<vmem>>[vector<16xi32>, vector<16xi32>], vector<16xf32>,
        %parallel_loop3A_233 = arith.constant 1 : i32
        %parallel_loop3A_234 = arith.constant 1 : i32
        %parallel_loop3A_235 = arith.index_cast %parallel_loop3A_137 : i32 to index
        %parallel_loop3A_236 = arith.index_cast %parallel_loop3A_233 : i32 to index
        %parallel_loop3A_237 = arith.index_cast %parallel_loop3A_234 : i32 to index
        %parallel_loop3A_238 = arith.constant 0 : index
        %parallel_loop3A_239 = tpu.vector_load %arg10[%parallel_loop3A_235, %parallel_loop3A_236, %parallel_loop3A_237, %parallel_loop3A_238] {strides = array<i32>} : memref<50x4x8x16xf32, #tpu.memory_space<vmem>>, vector<16xf32>,
        tpu.vector_store %arg10[%parallel_loop3A_235, %parallel_loop3A_236, %parallel_loop3A_237, %parallel_loop3A_238], %parallel_loop3A_232 {strides = array<i32>} : memref<50x4x8x16xf32, #tpu.memory_space<vmem>>, vector<16xf32>,
        %parallel_loop3A_240 = arith.constant 10 : i32
        %parallel_loop3A_241 = vector.broadcast %parallel_loop3A_240 : i32 to vector<16xi32>
        %parallel_loop3A_242 = tpu.vector_load_idx %arg8[%parallel_loop3A_139, %parallel_loop3A_241] : memref<800x32xf32, #tpu.memory_space<vmem>>[vector<16xi32>, vector<16xi32>], vector<16xf32>,
        %parallel_loop3A_243 = arith.constant 1 : i32
        %parallel_loop3A_244 = arith.constant 2 : i32
        %parallel_loop3A_245 = arith.index_cast %parallel_loop3A_137 : i32 to index
        %parallel_loop3A_246 = arith.index_cast %parallel_loop3A_243 : i32 to index
        %parallel_loop3A_247 = arith.index_cast %parallel_loop3A_244 : i32 to index
        %parallel_loop3A_248 = arith.constant 0 : index
        %parallel_loop3A_249 = tpu.vector_load %arg10[%parallel_loop3A_245, %parallel_loop3A_246, %parallel_loop3A_247, %parallel_loop3A_248] {strides = array<i32>} : memref<50x4x8x16xf32, #tpu.memory_space<vmem>>, vector<16xf32>,
        tpu.vector_store %arg10[%parallel_loop3A_245, %parallel_loop3A_246, %parallel_loop3A_247, %parallel_loop3A_248], %parallel_loop3A_242 {strides = array<i32>} : memref<50x4x8x16xf32, #tpu.memory_space<vmem>>, vector<16xf32>,
        %parallel_loop3A_250 = arith.constant 11 : i32
        %parallel_loop3A_251 = vector.broadcast %parallel_loop3A_250 : i32 to vector<16xi32>
        %parallel_loop3A_252 = tpu.vector_load_idx %arg8[%parallel_loop3A_139, %parallel_loop3A_251] : memref<800x32xf32, #tpu.memory_space<vmem>>[vector<16xi32>, vector<16xi32>], vector<16xf32>,
        %parallel_loop3A_253 = arith.constant 1 : i32
        %parallel_loop3A_254 = arith.constant 3 : i32
        %parallel_loop3A_255 = arith.index_cast %parallel_loop3A_137 : i32 to index
        %parallel_loop3A_256 = arith.index_cast %parallel_loop3A_253 : i32 to index
        %parallel_loop3A_257 = arith.index_cast %parallel_loop3A_254 : i32 to index
        %parallel_loop3A_258 = arith.constant 0 : index
        %parallel_loop3A_259 = tpu.vector_load %arg10[%parallel_loop3A_255, %parallel_loop3A_256, %parallel_loop3A_257, %parallel_loop3A_258] {strides = array<i32>} : memref<50x4x8x16xf32, #tpu.memory_space<vmem>>, vector<16xf32>,
        tpu.vector_store %arg10[%parallel_loop3A_255, %parallel_loop3A_256, %parallel_loop3A_257, %parallel_loop3A_258], %parallel_loop3A_252 {strides = array<i32>} : memref<50x4x8x16xf32, #tpu.memory_space<vmem>>, vector<16xf32>,
        %parallel_loop3A_260 = arith.constant 12 : i32
        %parallel_loop3A_261 = vector.broadcast %parallel_loop3A_260 : i32 to vector<16xi32>
        %parallel_loop3A_262 = tpu.vector_load_idx %arg8[%parallel_loop3A_139, %parallel_loop3A_261] : memref<800x32xf32, #tpu.memory_space<vmem>>[vector<16xi32>, vector<16xi32>], vector<16xf32>,
        %parallel_loop3A_263 = arith.constant 1 : i32
        %parallel_loop3A_264 = arith.constant 4 : i32
        %parallel_loop3A_265 = arith.index_cast %parallel_loop3A_137 : i32 to index
        %parallel_loop3A_266 = arith.index_cast %parallel_loop3A_263 : i32 to index
        %parallel_loop3A_267 = arith.index_cast %parallel_loop3A_264 : i32 to index
        %parallel_loop3A_268 = arith.constant 0 : index
        %parallel_loop3A_269 = tpu.vector_load %arg10[%parallel_loop3A_265, %parallel_loop3A_266, %parallel_loop3A_267, %parallel_loop3A_268] {strides = array<i32>} : memref<50x4x8x16xf32, #tpu.memory_space<vmem>>, vector<16xf32>,
        tpu.vector_store %arg10[%parallel_loop3A_265, %parallel_loop3A_266, %parallel_loop3A_267, %parallel_loop3A_268], %parallel_loop3A_262 {strides = array<i32>} : memref<50x4x8x16xf32, #tpu.memory_space<vmem>>, vector<16xf32>,
        %parallel_loop3A_270 = arith.constant 13 : i32
        %parallel_loop3A_271 = vector.broadcast %parallel_loop3A_270 : i32 to vector<16xi32>
        %parallel_loop3A_272 = tpu.vector_load_idx %arg8[%parallel_loop3A_139, %parallel_loop3A_271] : memref<800x32xf32, #tpu.memory_space<vmem>>[vector<16xi32>, vector<16xi32>], vector<16xf32>,
        %parallel_loop3A_273 = arith.constant 1 : i32
        %parallel_loop3A_274 = arith.constant 5 : i32
        %parallel_loop3A_275 = arith.index_cast %parallel_loop3A_137 : i32 to index
        %parallel_loop3A_276 = arith.index_cast %parallel_loop3A_273 : i32 to index
        %parallel_loop3A_277 = arith.index_cast %parallel_loop3A_274 : i32 to index
        %parallel_loop3A_278 = arith.constant 0 : index
        %parallel_loop3A_279 = tpu.vector_load %arg10[%parallel_loop3A_275, %parallel_loop3A_276, %parallel_loop3A_277, %parallel_loop3A_278] {strides = array<i32>} : memref<50x4x8x16xf32, #tpu.memory_space<vmem>>, vector<16xf32>,
        tpu.vector_store %arg10[%parallel_loop3A_275, %parallel_loop3A_276, %parallel_loop3A_277, %parallel_loop3A_278], %parallel_loop3A_272 {strides = array<i32>} : memref<50x4x8x16xf32, #tpu.memory_space<vmem>>, vector<16xf32>,
        %parallel_loop3A_280 = arith.constant 14 : i32
        %parallel_loop3A_281 = vector.broadcast %parallel_loop3A_280 : i32 to vector<16xi32>
        %parallel_loop3A_282 = tpu.vector_load_idx %arg8[%parallel_loop3A_139, %parallel_loop3A_281] : memref<800x32xf32, #tpu.memory_space<vmem>>[vector<16xi32>, vector<16xi32>], vector<16xf32>,
        %parallel_loop3A_283 = arith.constant 1 : i32
        %parallel_loop3A_284 = arith.constant 6 : i32
        %parallel_loop3A_285 = arith.index_cast %parallel_loop3A_137 : i32 to index
        %parallel_loop3A_286 = arith.index_cast %parallel_loop3A_283 : i32 to index
        %parallel_loop3A_287 = arith.index_cast %parallel_loop3A_284 : i32 to index
        %parallel_loop3A_288 = arith.constant 0 : index
        %parallel_loop3A_289 = tpu.vector_load %arg10[%parallel_loop3A_285, %parallel_loop3A_286, %parallel_loop3A_287, %parallel_loop3A_288] {strides = array<i32>} : memref<50x4x8x16xf32, #tpu.memory_space<vmem>>, vector<16xf32>,
        tpu.vector_store %arg10[%parallel_loop3A_285, %parallel_loop3A_286, %parallel_loop3A_287, %parallel_loop3A_288], %parallel_loop3A_282 {strides = array<i32>} : memref<50x4x8x16xf32, #tpu.memory_space<vmem>>, vector<16xf32>,
        %parallel_loop3A_290 = arith.constant 15 : i32
        %parallel_loop3A_291 = vector.broadcast %parallel_loop3A_290 : i32 to vector<16xi32>
        %parallel_loop3A_292 = tpu.vector_load_idx %arg8[%parallel_loop3A_139, %parallel_loop3A_291] : memref<800x32xf32, #tpu.memory_space<vmem>>[vector<16xi32>, vector<16xi32>], vector<16xf32>,
        %parallel_loop3A_293 = arith.constant 1 : i32
        %parallel_loop3A_294 = arith.constant 7 : i32
        %parallel_loop3A_295 = arith.index_cast %parallel_loop3A_137 : i32 to index
        %parallel_loop3A_296 = arith.index_cast %parallel_loop3A_293 : i32 to index
        %parallel_loop3A_297 = arith.index_cast %parallel_loop3A_294 : i32 to index
        %parallel_loop3A_298 = arith.constant 0 : index
        %parallel_loop3A_299 = tpu.vector_load %arg10[%parallel_loop3A_295, %parallel_loop3A_296, %parallel_loop3A_297, %parallel_loop3A_298] {strides = array<i32>} : memref<50x4x8x16xf32, #tpu.memory_space<vmem>>, vector<16xf32>,
        tpu.vector_store %arg10[%parallel_loop3A_295, %parallel_loop3A_296, %parallel_loop3A_297, %parallel_loop3A_298], %parallel_loop3A_292 {strides = array<i32>} : memref<50x4x8x16xf32, #tpu.memory_space<vmem>>, vector<16xf32>,
        %parallel_loop3A_300 = arith.constant 16 : i32
        %parallel_loop3A_301 = vector.broadcast %parallel_loop3A_300 : i32 to vector<16xi32>
        %parallel_loop3A_302 = tpu.vector_load_idx %arg8[%parallel_loop3A_139, %parallel_loop3A_301] : memref<800x32xf32, #tpu.memory_space<vmem>>[vector<16xi32>, vector<16xi32>], vector<16xf32>,
        %parallel_loop3A_303 = arith.constant 2 : i32
        %parallel_loop3A_304 = arith.constant 0 : i32
        %parallel_loop3A_305 = arith.index_cast %parallel_loop3A_137 : i32 to index
        %parallel_loop3A_306 = arith.index_cast %parallel_loop3A_303 : i32 to index
        %parallel_loop3A_307 = arith.index_cast %parallel_loop3A_304 : i32 to index
        %parallel_loop3A_308 = arith.constant 0 : index
        %parallel_loop3A_309 = tpu.vector_load %arg10[%parallel_loop3A_305, %parallel_loop3A_306, %parallel_loop3A_307, %parallel_loop3A_308] {strides = array<i32>} : memref<50x4x8x16xf32, #tpu.memory_space<vmem>>, vector<16xf32>,
        tpu.vector_store %arg10[%parallel_loop3A_305, %parallel_loop3A_306, %parallel_loop3A_307, %parallel_loop3A_308], %parallel_loop3A_302 {strides = array<i32>} : memref<50x4x8x16xf32, #tpu.memory_space<vmem>>, vector<16xf32>,
        %parallel_loop3A_310 = arith.constant 17 : i32
        %parallel_loop3A_311 = vector.broadcast %parallel_loop3A_310 : i32 to vector<16xi32>
        %parallel_loop3A_312 = tpu.vector_load_idx %arg8[%parallel_loop3A_139, %parallel_loop3A_311] : memref<800x32xf32, #tpu.memory_space<vmem>>[vector<16xi32>, vector<16xi32>], vector<16xf32>,
        %parallel_loop3A_313 = arith.constant 2 : i32
        %parallel_loop3A_314 = arith.constant 1 : i32
        %parallel_loop3A_315 = arith.index_cast %parallel_loop3A_137 : i32 to index
        %parallel_loop3A_316 = arith.index_cast %parallel_loop3A_313 : i32 to index
        %parallel_loop3A_317 = arith.index_cast %parallel_loop3A_314 : i32 to index
        %parallel_loop3A_318 = arith.constant 0 : index
        %parallel_loop3A_319 = tpu.vector_load %arg10[%parallel_loop3A_315, %parallel_loop3A_316, %parallel_loop3A_317, %parallel_loop3A_318] {strides = array<i32>} : memref<50x4x8x16xf32, #tpu.memory_space<vmem>>, vector<16xf32>,
        tpu.vector_store %arg10[%parallel_loop3A_315, %parallel_loop3A_316, %parallel_loop3A_317, %parallel_loop3A_318], %parallel_loop3A_312 {strides = array<i32>} : memref<50x4x8x16xf32, #tpu.memory_space<vmem>>, vector<16xf32>,
        %parallel_loop3A_320 = arith.constant 18 : i32
        %parallel_loop3A_321 = vector.broadcast %parallel_loop3A_320 : i32 to vector<16xi32>
        %parallel_loop3A_322 = tpu.vector_load_idx %arg8[%parallel_loop3A_139, %parallel_loop3A_321] : memref<800x32xf32, #tpu.memory_space<vmem>>[vector<16xi32>, vector<16xi32>], vector<16xf32>,
        %parallel_loop3A_323 = arith.constant 2 : i32
        %parallel_loop3A_324 = arith.constant 2 : i32
        %parallel_loop3A_325 = arith.index_cast %parallel_loop3A_137 : i32 to index
        %parallel_loop3A_326 = arith.index_cast %parallel_loop3A_323 : i32 to index
        %parallel_loop3A_327 = arith.index_cast %parallel_loop3A_324 : i32 to index
        %parallel_loop3A_328 = arith.constant 0 : index
        %parallel_loop3A_329 = tpu.vector_load %arg10[%parallel_loop3A_325, %parallel_loop3A_326, %parallel_loop3A_327, %parallel_loop3A_328] {strides = array<i32>} : memref<50x4x8x16xf32, #tpu.memory_space<vmem>>, vector<16xf32>,
        tpu.vector_store %arg10[%parallel_loop3A_325, %parallel_loop3A_326, %parallel_loop3A_327, %parallel_loop3A_328], %parallel_loop3A_322 {strides = array<i32>} : memref<50x4x8x16xf32, #tpu.memory_space<vmem>>, vector<16xf32>,
        %parallel_loop3A_330 = arith.constant 19 : i32
        %parallel_loop3A_331 = vector.broadcast %parallel_loop3A_330 : i32 to vector<16xi32>
        %parallel_loop3A_332 = tpu.vector_load_idx %arg8[%parallel_loop3A_139, %parallel_loop3A_331] : memref<800x32xf32, #tpu.memory_space<vmem>>[vector<16xi32>, vector<16xi32>], vector<16xf32>,
        %parallel_loop3A_333 = arith.constant 2 : i32
        %parallel_loop3A_334 = arith.constant 3 : i32
        %parallel_loop3A_335 = arith.index_cast %parallel_loop3A_137 : i32 to index
        %parallel_loop3A_336 = arith.index_cast %parallel_loop3A_333 : i32 to index
        %parallel_loop3A_337 = arith.index_cast %parallel_loop3A_334 : i32 to index
        %parallel_loop3A_338 = arith.constant 0 : index
        %parallel_loop3A_339 = tpu.vector_load %arg10[%parallel_loop3A_335, %parallel_loop3A_336, %parallel_loop3A_337, %parallel_loop3A_338] {strides = array<i32>} : memref<50x4x8x16xf32, #tpu.memory_space<vmem>>, vector<16xf32>,
        tpu.vector_store %arg10[%parallel_loop3A_335, %parallel_loop3A_336, %parallel_loop3A_337, %parallel_loop3A_338], %parallel_loop3A_332 {strides = array<i32>} : memref<50x4x8x16xf32, #tpu.memory_space<vmem>>, vector<16xf32>,
        %parallel_loop3A_340 = arith.constant 20 : i32
        %parallel_loop3A_341 = vector.broadcast %parallel_loop3A_340 : i32 to vector<16xi32>
        %parallel_loop3A_342 = tpu.vector_load_idx %arg8[%parallel_loop3A_139, %parallel_loop3A_341] : memref<800x32xf32, #tpu.memory_space<vmem>>[vector<16xi32>, vector<16xi32>], vector<16xf32>,
        %parallel_loop3A_343 = arith.constant 2 : i32
        %parallel_loop3A_344 = arith.constant 4 : i32
        %parallel_loop3A_345 = arith.index_cast %parallel_loop3A_137 : i32 to index
        %parallel_loop3A_346 = arith.index_cast %parallel_loop3A_343 : i32 to index
        %parallel_loop3A_347 = arith.index_cast %parallel_loop3A_344 : i32 to index
        %parallel_loop3A_348 = arith.constant 0 : index
        %parallel_loop3A_349 = tpu.vector_load %arg10[%parallel_loop3A_345, %parallel_loop3A_346, %parallel_loop3A_347, %parallel_loop3A_348] {strides = array<i32>} : memref<50x4x8x16xf32, #tpu.memory_space<vmem>>, vector<16xf32>,
        tpu.vector_store %arg10[%parallel_loop3A_345, %parallel_loop3A_346, %parallel_loop3A_347, %parallel_loop3A_348], %parallel_loop3A_342 {strides = array<i32>} : memref<50x4x8x16xf32, #tpu.memory_space<vmem>>, vector<16xf32>,
        %parallel_loop3A_350 = arith.constant 21 : i32
        %parallel_loop3A_351 = vector.broadcast %parallel_loop3A_350 : i32 to vector<16xi32>
        %parallel_loop3A_352 = tpu.vector_load_idx %arg8[%parallel_loop3A_139, %parallel_loop3A_351] : memref<800x32xf32, #tpu.memory_space<vmem>>[vector<16xi32>, vector<16xi32>], vector<16xf32>,
        %parallel_loop3A_353 = arith.constant 2 : i32
        %parallel_loop3A_354 = arith.constant 5 : i32
        %parallel_loop3A_355 = arith.index_cast %parallel_loop3A_137 : i32 to index
        %parallel_loop3A_356 = arith.index_cast %parallel_loop3A_353 : i32 to index
        %parallel_loop3A_357 = arith.index_cast %parallel_loop3A_354 : i32 to index
        %parallel_loop3A_358 = arith.constant 0 : index
        %parallel_loop3A_359 = tpu.vector_load %arg10[%parallel_loop3A_355, %parallel_loop3A_356, %parallel_loop3A_357, %parallel_loop3A_358] {strides = array<i32>} : memref<50x4x8x16xf32, #tpu.memory_space<vmem>>, vector<16xf32>,
        tpu.vector_store %arg10[%parallel_loop3A_355, %parallel_loop3A_356, %parallel_loop3A_357, %parallel_loop3A_358], %parallel_loop3A_352 {strides = array<i32>} : memref<50x4x8x16xf32, #tpu.memory_space<vmem>>, vector<16xf32>,
        %parallel_loop3A_360 = arith.constant 22 : i32
        %parallel_loop3A_361 = vector.broadcast %parallel_loop3A_360 : i32 to vector<16xi32>
        %parallel_loop3A_362 = tpu.vector_load_idx %arg8[%parallel_loop3A_139, %parallel_loop3A_361] : memref<800x32xf32, #tpu.memory_space<vmem>>[vector<16xi32>, vector<16xi32>], vector<16xf32>,
        %parallel_loop3A_363 = arith.constant 2 : i32
        %parallel_loop3A_364 = arith.constant 6 : i32
        %parallel_loop3A_365 = arith.index_cast %parallel_loop3A_137 : i32 to index
        %parallel_loop3A_366 = arith.index_cast %parallel_loop3A_363 : i32 to index
        %parallel_loop3A_367 = arith.index_cast %parallel_loop3A_364 : i32 to index
        %parallel_loop3A_368 = arith.constant 0 : index
        %parallel_loop3A_369 = tpu.vector_load %arg10[%parallel_loop3A_365, %parallel_loop3A_366, %parallel_loop3A_367, %parallel_loop3A_368] {strides = array<i32>} : memref<50x4x8x16xf32, #tpu.memory_space<vmem>>, vector<16xf32>,
        tpu.vector_store %arg10[%parallel_loop3A_365, %parallel_loop3A_366, %parallel_loop3A_367, %parallel_loop3A_368], %parallel_loop3A_362 {strides = array<i32>} : memref<50x4x8x16xf32, #tpu.memory_space<vmem>>, vector<16xf32>,
        %parallel_loop3A_370 = arith.constant 23 : i32
        %parallel_loop3A_371 = vector.broadcast %parallel_loop3A_370 : i32 to vector<16xi32>
        %parallel_loop3A_372 = tpu.vector_load_idx %arg8[%parallel_loop3A_139, %parallel_loop3A_371] : memref<800x32xf32, #tpu.memory_space<vmem>>[vector<16xi32>, vector<16xi32>], vector<16xf32>,
        %parallel_loop3A_373 = arith.constant 2 : i32
        %parallel_loop3A_374 = arith.constant 7 : i32
        %parallel_loop3A_375 = arith.index_cast %parallel_loop3A_137 : i32 to index
        %parallel_loop3A_376 = arith.index_cast %parallel_loop3A_373 : i32 to index
        %parallel_loop3A_377 = arith.index_cast %parallel_loop3A_374 : i32 to index
        %parallel_loop3A_378 = arith.constant 0 : index
        %parallel_loop3A_379 = tpu.vector_load %arg10[%parallel_loop3A_375, %parallel_loop3A_376, %parallel_loop3A_377, %parallel_loop3A_378] {strides = array<i32>} : memref<50x4x8x16xf32, #tpu.memory_space<vmem>>, vector<16xf32>,
        tpu.vector_store %arg10[%parallel_loop3A_375, %parallel_loop3A_376, %parallel_loop3A_377, %parallel_loop3A_378], %parallel_loop3A_372 {strides = array<i32>} : memref<50x4x8x16xf32, #tpu.memory_space<vmem>>, vector<16xf32>,
        %parallel_loop3A_380 = arith.constant 24 : i32
        %parallel_loop3A_381 = vector.broadcast %parallel_loop3A_380 : i32 to vector<16xi32>
        %parallel_loop3A_382 = tpu.vector_load_idx %arg8[%parallel_loop3A_139, %parallel_loop3A_381] : memref<800x32xf32, #tpu.memory_space<vmem>>[vector<16xi32>, vector<16xi32>], vector<16xf32>,
        %parallel_loop3A_383 = arith.constant 3 : i32
        %parallel_loop3A_384 = arith.constant 0 : i32
        %parallel_loop3A_385 = arith.index_cast %parallel_loop3A_137 : i32 to index
        %parallel_loop3A_386 = arith.index_cast %parallel_loop3A_383 : i32 to index
        %parallel_loop3A_387 = arith.index_cast %parallel_loop3A_384 : i32 to index
        %parallel_loop3A_388 = arith.constant 0 : index
        %parallel_loop3A_389 = tpu.vector_load %arg10[%parallel_loop3A_385, %parallel_loop3A_386, %parallel_loop3A_387, %parallel_loop3A_388] {strides = array<i32>} : memref<50x4x8x16xf32, #tpu.memory_space<vmem>>, vector<16xf32>,
        tpu.vector_store %arg10[%parallel_loop3A_385, %parallel_loop3A_386, %parallel_loop3A_387, %parallel_loop3A_388], %parallel_loop3A_382 {strides = array<i32>} : memref<50x4x8x16xf32, #tpu.memory_space<vmem>>, vector<16xf32>,
        %parallel_loop3A_390 = arith.constant 25 : i32
        %parallel_loop3A_391 = vector.broadcast %parallel_loop3A_390 : i32 to vector<16xi32>
        %parallel_loop3A_392 = tpu.vector_load_idx %arg8[%parallel_loop3A_139, %parallel_loop3A_391] : memref<800x32xf32, #tpu.memory_space<vmem>>[vector<16xi32>, vector<16xi32>], vector<16xf32>,
        %parallel_loop3A_393 = arith.constant 3 : i32
        %parallel_loop3A_394 = arith.constant 1 : i32
        %parallel_loop3A_395 = arith.index_cast %parallel_loop3A_137 : i32 to index
        %parallel_loop3A_396 = arith.index_cast %parallel_loop3A_393 : i32 to index
        %parallel_loop3A_397 = arith.index_cast %parallel_loop3A_394 : i32 to index
        %parallel_loop3A_398 = arith.constant 0 : index
        %parallel_loop3A_399 = tpu.vector_load %arg10[%parallel_loop3A_395, %parallel_loop3A_396, %parallel_loop3A_397, %parallel_loop3A_398] {strides = array<i32>} : memref<50x4x8x16xf32, #tpu.memory_space<vmem>>, vector<16xf32>,
        tpu.vector_store %arg10[%parallel_loop3A_395, %parallel_loop3A_396, %parallel_loop3A_397, %parallel_loop3A_398], %parallel_loop3A_392 {strides = array<i32>} : memref<50x4x8x16xf32, #tpu.memory_space<vmem>>, vector<16xf32>,
        %parallel_loop3A_400 = arith.constant 26 : i32
        %parallel_loop3A_401 = vector.broadcast %parallel_loop3A_400 : i32 to vector<16xi32>
        %parallel_loop3A_402 = tpu.vector_load_idx %arg8[%parallel_loop3A_139, %parallel_loop3A_401] : memref<800x32xf32, #tpu.memory_space<vmem>>[vector<16xi32>, vector<16xi32>], vector<16xf32>,
        %parallel_loop3A_403 = arith.constant 3 : i32
        %parallel_loop3A_404 = arith.constant 2 : i32
        %parallel_loop3A_405 = arith.index_cast %parallel_loop3A_137 : i32 to index
        %parallel_loop3A_406 = arith.index_cast %parallel_loop3A_403 : i32 to index
        %parallel_loop3A_407 = arith.index_cast %parallel_loop3A_404 : i32 to index
        %parallel_loop3A_408 = arith.constant 0 : index
        %parallel_loop3A_409 = tpu.vector_load %arg10[%parallel_loop3A_405, %parallel_loop3A_406, %parallel_loop3A_407, %parallel_loop3A_408] {strides = array<i32>} : memref<50x4x8x16xf32, #tpu.memory_space<vmem>>, vector<16xf32>,
        tpu.vector_store %arg10[%parallel_loop3A_405, %parallel_loop3A_406, %parallel_loop3A_407, %parallel_loop3A_408], %parallel_loop3A_402 {strides = array<i32>} : memref<50x4x8x16xf32, #tpu.memory_space<vmem>>, vector<16xf32>,
        %parallel_loop3A_410 = arith.constant 27 : i32
        %parallel_loop3A_411 = vector.broadcast %parallel_loop3A_410 : i32 to vector<16xi32>
        %parallel_loop3A_412 = tpu.vector_load_idx %arg8[%parallel_loop3A_139, %parallel_loop3A_411] : memref<800x32xf32, #tpu.memory_space<vmem>>[vector<16xi32>, vector<16xi32>], vector<16xf32>,
        %parallel_loop3A_413 = arith.constant 3 : i32
        %parallel_loop3A_414 = arith.constant 3 : i32
        %parallel_loop3A_415 = arith.index_cast %parallel_loop3A_137 : i32 to index
        %parallel_loop3A_416 = arith.index_cast %parallel_loop3A_413 : i32 to index
        %parallel_loop3A_417 = arith.index_cast %parallel_loop3A_414 : i32 to index
        %parallel_loop3A_418 = arith.constant 0 : index
        %parallel_loop3A_419 = tpu.vector_load %arg10[%parallel_loop3A_415, %parallel_loop3A_416, %parallel_loop3A_417, %parallel_loop3A_418] {strides = array<i32>} : memref<50x4x8x16xf32, #tpu.memory_space<vmem>>, vector<16xf32>,
        tpu.vector_store %arg10[%parallel_loop3A_415, %parallel_loop3A_416, %parallel_loop3A_417, %parallel_loop3A_418], %parallel_loop3A_412 {strides = array<i32>} : memref<50x4x8x16xf32, #tpu.memory_space<vmem>>, vector<16xf32>,
        %parallel_loop3A_420 = arith.constant 28 : i32
        %parallel_loop3A_421 = vector.broadcast %parallel_loop3A_420 : i32 to vector<16xi32>
        %parallel_loop3A_422 = tpu.vector_load_idx %arg8[%parallel_loop3A_139, %parallel_loop3A_421] : memref<800x32xf32, #tpu.memory_space<vmem>>[vector<16xi32>, vector<16xi32>], vector<16xf32>,
        %parallel_loop3A_423 = arith.constant 3 : i32
        %parallel_loop3A_424 = arith.constant 4 : i32
        %parallel_loop3A_425 = arith.index_cast %parallel_loop3A_137 : i32 to index
        %parallel_loop3A_426 = arith.index_cast %parallel_loop3A_423 : i32 to index
        %parallel_loop3A_427 = arith.index_cast %parallel_loop3A_424 : i32 to index
        %parallel_loop3A_428 = arith.constant 0 : index
        %parallel_loop3A_429 = tpu.vector_load %arg10[%parallel_loop3A_425, %parallel_loop3A_426, %parallel_loop3A_427, %parallel_loop3A_428] {strides = array<i32>} : memref<50x4x8x16xf32, #tpu.memory_space<vmem>>, vector<16xf32>,
        tpu.vector_store %arg10[%parallel_loop3A_425, %parallel_loop3A_426, %parallel_loop3A_427, %parallel_loop3A_428], %parallel_loop3A_422 {strides = array<i32>} : memref<50x4x8x16xf32, #tpu.memory_space<vmem>>, vector<16xf32>,
        %parallel_loop3A_430 = arith.constant 29 : i32
        %parallel_loop3A_431 = vector.broadcast %parallel_loop3A_430 : i32 to vector<16xi32>
        %parallel_loop3A_432 = tpu.vector_load_idx %arg8[%parallel_loop3A_139, %parallel_loop3A_431] : memref<800x32xf32, #tpu.memory_space<vmem>>[vector<16xi32>, vector<16xi32>], vector<16xf32>,
        %parallel_loop3A_433 = arith.constant 3 : i32
        %parallel_loop3A_434 = arith.constant 5 : i32
        %parallel_loop3A_435 = arith.index_cast %parallel_loop3A_137 : i32 to index
        %parallel_loop3A_436 = arith.index_cast %parallel_loop3A_433 : i32 to index
        %parallel_loop3A_437 = arith.index_cast %parallel_loop3A_434 : i32 to index
        %parallel_loop3A_438 = arith.constant 0 : index
        %parallel_loop3A_439 = tpu.vector_load %arg10[%parallel_loop3A_435, %parallel_loop3A_436, %parallel_loop3A_437, %parallel_loop3A_438] {strides = array<i32>} : memref<50x4x8x16xf32, #tpu.memory_space<vmem>>, vector<16xf32>,
        tpu.vector_store %arg10[%parallel_loop3A_435, %parallel_loop3A_436, %parallel_loop3A_437, %parallel_loop3A_438], %parallel_loop3A_432 {strides = array<i32>} : memref<50x4x8x16xf32, #tpu.memory_space<vmem>>, vector<16xf32>,
        %parallel_loop3A_440 = arith.constant 30 : i32
        %parallel_loop3A_441 = vector.broadcast %parallel_loop3A_440 : i32 to vector<16xi32>
        %parallel_loop3A_442 = tpu.vector_load_idx %arg8[%parallel_loop3A_139, %parallel_loop3A_441] : memref<800x32xf32, #tpu.memory_space<vmem>>[vector<16xi32>, vector<16xi32>], vector<16xf32>,
        %parallel_loop3A_443 = arith.constant 3 : i32
        %parallel_loop3A_444 = arith.constant 6 : i32
        %parallel_loop3A_445 = arith.index_cast %parallel_loop3A_137 : i32 to index
        %parallel_loop3A_446 = arith.index_cast %parallel_loop3A_443 : i32 to index
        %parallel_loop3A_447 = arith.index_cast %parallel_loop3A_444 : i32 to index
        %parallel_loop3A_448 = arith.constant 0 : index
        %parallel_loop3A_449 = tpu.vector_load %arg10[%parallel_loop3A_445, %parallel_loop3A_446, %parallel_loop3A_447, %parallel_loop3A_448] {strides = array<i32>} : memref<50x4x8x16xf32, #tpu.memory_space<vmem>>, vector<16xf32>,
        tpu.vector_store %arg10[%parallel_loop3A_445, %parallel_loop3A_446, %parallel_loop3A_447, %parallel_loop3A_448], %parallel_loop3A_442 {strides = array<i32>} : memref<50x4x8x16xf32, #tpu.memory_space<vmem>>, vector<16xf32>,
        %parallel_loop3A_450 = arith.constant 31 : i32
        %parallel_loop3A_451 = vector.broadcast %parallel_loop3A_450 : i32 to vector<16xi32>
        %parallel_loop3A_452 = tpu.vector_load_idx %arg8[%parallel_loop3A_139, %parallel_loop3A_451] : memref<800x32xf32, #tpu.memory_space<vmem>>[vector<16xi32>, vector<16xi32>], vector<16xf32>,
        %parallel_loop3A_453 = arith.constant 3 : i32
        %parallel_loop3A_454 = arith.constant 7 : i32
        %parallel_loop3A_455 = arith.index_cast %parallel_loop3A_137 : i32 to index
        %parallel_loop3A_456 = arith.index_cast %parallel_loop3A_453 : i32 to index
        %parallel_loop3A_457 = arith.index_cast %parallel_loop3A_454 : i32 to index
        %parallel_loop3A_458 = arith.constant 0 : index
        %parallel_loop3A_459 = tpu.vector_load %arg10[%parallel_loop3A_455, %parallel_loop3A_456, %parallel_loop3A_457, %parallel_loop3A_458] {strides = array<i32>} : memref<50x4x8x16xf32, #tpu.memory_space<vmem>>, vector<16xf32>,
        tpu.vector_store %arg10[%parallel_loop3A_455, %parallel_loop3A_456, %parallel_loop3A_457, %parallel_loop3A_458], %parallel_loop3A_452 {strides = array<i32>} : memref<50x4x8x16xf32, #tpu.memory_space<vmem>>, vector<16xf32>,
      } {sc.loop_unroll_factor = 2 : i64, sc.parallel_access}
      %mul3A_78 = arith.constant 16 : i32
      %mul3A_79 = arith.muli %add3A_17, %mul3A_78 : i32
      %add3A_80 = arith.addi %mul3A_4, %mul3A_79 : i32
      %jit3A_81 = arith.constant 128 : i32
      %div3A_82 = arith.divsi %add3A_80, %jit3A_81 : i32
      %sign3A_83 = arith.constant 0 : i32
      %sign3A_84 = arith.cmpi sgt, %add3A_80, %sign3A_83 : i32
      %sign3A_85 = arith.extui %sign3A_84 : i1 to i32
      %sign3A_86 = arith.constant 0 : i32
      %sign3A_87 = arith.cmpi slt, %add3A_80, %sign3A_86 : i32
      %sign3A_88 = arith.extui %sign3A_87 : i1 to i32
      %sign3A_89 = arith.subi %sign3A_85, %sign3A_88 : i32
      %sign3A_90 = arith.constant 0 : i32
      %sign3A_91 = arith.cmpi sgt, %jit3A_81, %sign3A_90 : i32
      %sign3A_92 = arith.extui %sign3A_91 : i1 to i32
      %sign3A_93 = arith.constant 0 : i32
      %sign3A_94 = arith.cmpi slt, %jit3A_81, %sign3A_93 : i32
      %sign3A_95 = arith.extui %sign3A_94 : i1 to i32
      %sign3A_96 = arith.subi %sign3A_92, %sign3A_95 : i32
      %ne3A_97 = arith.cmpi ne, %sign3A_89, %sign3A_96 : i32
      %rem3A_98 = arith.remsi %add3A_80, %jit3A_81 : i32
      %ne3A_99 = arith.constant 0 : i32
      %ne3A_100 = arith.cmpi ne, %rem3A_98, %ne3A_99 : i32
      %and3A_101 = arith.andi %ne3A_97, %ne3A_100 : i1
      %sub3A_102 = arith.constant 1 : i32
      %sub3A_103 = arith.subi %div3A_82, %sub3A_102 : i32
      %select_n3A_104 = arith.select %and3A_101, %sub3A_103, %div3A_82 : i32
      %rem3A_105 = arith.constant 128 : i32
      %rem3A_106 = arith.remsi %add3A_80, %rem3A_105 : i32
      %dma_start3A_107 = arith.constant 0 : i32
      %dma_start3A_108 = arith.constant 0 : i32
      %dma_start3A_109 = arith.constant 0 : i32
      %dma_start3A_110 = tpu.memref_slice %arg4[%dma_start3A_107, %dma_start3A_108, %select_n3A_104, %dma_start3A_109, %rem3A_106] : memref<50x4x128x8x128xf32, #tpu.memory_space<hbm>> -> memref<50x4x1x8x16xf32, #tpu.memory_space<hbm>>
      %dma_start3A_111 = tpu.memref_squeeze %dma_start3A_110 : memref<50x4x1x8x16xf32, #tpu.memory_space<hbm>> -> memref<50x4x8x16xf32, #tpu.memory_space<hbm>>
      %dma_start3A_112 = arith.constant 0 : i32
      %dma_start3A_113 = arith.constant 0 : i32
      %dma_start3A_114 = arith.constant 0 : i32
      %dma_start3A_115 = tpu.memref_slice %arg4[%dma_start3A_112, %dma_start3A_113, %select_n3A_104, %dma_start3A_114, %rem3A_106] : memref<50x4x128x8x128xf32, #tpu.memory_space<hbm>> -> memref<50x4x1x8x16xf32, #tpu.memory_space<hbm>>
      %dma_start3A_116 = tpu.memref_squeeze %dma_start3A_115 : memref<50x4x1x8x16xf32, #tpu.memory_space<hbm>> -> memref<50x4x8x16xf32, #tpu.memory_space<hbm>>
      tpu.enqueue_dma source(%arg10 : memref<50x4x8x16xf32, #tpu.memory_space<vmem>>) target(%dma_start3A_116 : memref<50x4x8x16xf32, #tpu.memory_space<hbm>>) target_semaphore(%arg16 : memref<!tpu.dma_semaphore, #tpu.memory_space<semaphore_mem>>)
      %dma_wait3A_117 = arith.constant 0 : i32
      %dma_wait3A_118 = arith.constant 0 : i32
      %dma_wait3A_119 = arith.constant 0 : i32
      %dma_wait3A_120 = tpu.memref_slice %arg4[%dma_wait3A_117, %dma_wait3A_118, %select_n3A, %dma_wait3A_119, %rem3A_61] : memref<50x4x128x8x128xf32, #tpu.memory_space<hbm>> -> memref<50x4x1x8x16xf32, #tpu.memory_space<hbm>>
      %dma_wait3A_121 = tpu.memref_squeeze %dma_wait3A_120 : memref<50x4x1x8x16xf32, #tpu.memory_space<hbm>> -> memref<50x4x8x16xf32, #tpu.memory_space<hbm>>
      %dma_wait3A_122 = arith.constant 0 : i32
      %dma_wait3A_123 = arith.constant 0 : i32
      %dma_wait3A_124 = arith.constant 0 : i32
      %dma_wait3A_125 = tpu.memref_slice %arg4[%dma_wait3A_122, %dma_wait3A_123, %select_n3A, %dma_wait3A_124, %rem3A_61] : memref<50x4x128x8x128xf32, #tpu.memory_space<hbm>> -> memref<50x4x1x8x16xf32, #tpu.memory_space<hbm>>
      %dma_wait3A_126 = tpu.memref_squeeze %dma_wait3A_125 : memref<50x4x1x8x16xf32, #tpu.memory_space<hbm>> -> memref<50x4x8x16xf32, #tpu.memory_space<hbm>>
      tpu.wait_dma2 semaphore(%arg15 : memref<!tpu.dma_semaphore, #tpu.memory_space<semaphore_mem>>) src(%arg9 : memref<50x4x8x16xf32, #tpu.memory_space<vmem>>) dst(%dma_wait3A_126 : memref<50x4x8x16xf32, #tpu.memory_space<hbm>>)
      %dma_wait3A_127 = arith.constant 0 : i32
      %dma_wait3A_128 = arith.constant 0 : i32
      %dma_wait3A_129 = arith.constant 0 : i32
      %dma_wait3A_130 = tpu.memref_slice %arg4[%dma_wait3A_127, %dma_wait3A_128, %select_n3A_104, %dma_wait3A_129, %rem3A_106] : memref<50x4x128x8x128xf32, #tpu.memory_space<hbm>> -> memref<50x4x1x8x16xf32, #tpu.memory_space<hbm>>
      %dma_wait3A_131 = tpu.memref_squeeze %dma_wait3A_130 : memref<50x4x1x8x16xf32, #tpu.memory_space<hbm>> -> memref<50x4x8x16xf32, #tpu.memory_space<hbm>>
      %dma_wait3A_132 = arith.constant 0 : i32
      %dma_wait3A_133 = arith.constant 0 : i32
      %dma_wait3A_134 = arith.constant 0 : i32
      %dma_wait3A_135 = tpu.memref_slice %arg4[%dma_wait3A_132, %dma_wait3A_133, %select_n3A_104, %dma_wait3A_134, %rem3A_106] : memref<50x4x128x8x128xf32, #tpu.memory_space<hbm>> -> memref<50x4x1x8x16xf32, #tpu.memory_space<hbm>>
      %dma_wait3A_136 = tpu.memref_squeeze %dma_wait3A_135 : memref<50x4x1x8x16xf32, #tpu.memory_space<hbm>> -> memref<50x4x8x16xf32, #tpu.memory_space<hbm>>
      tpu.wait_dma2 semaphore(%arg16 : memref<!tpu.dma_semaphore, #tpu.memory_space<semaphore_mem>>) src(%arg10 : memref<50x4x8x16xf32, #tpu.memory_space<vmem>>) dst(%dma_wait3A_136 : memref<50x4x8x16xf32, #tpu.memory_space<hbm>>)
    }
    %scan3A_12 = arith.constant 16 : i32
    return
  }
}

</mosaic_0001>

<sc_bundles>
// kernel: kernel.3.cloned.1.call-start
scs
__scs_entry_jumppad:
0x0: {  	(pc) =	sbr.rel $0x88, $3  }
0x1: {  	(tag) =	ssettag $0x0;
	lr =	simm.s32 $0x1  }
0x2: {  	[smem:$0x3F9F] =	sst lr;
	_ =	strace $0xD0000000  }
0x3: {  	_ = 	snop  }
0x4: {  	_ = 	snop  }
0x5: {  	_ = 	snop  }
0x6: {  	_ = 	snop  }
0x7: {  	_ = 	snop  }
__scs_overlays_trampoline_lowered:
0x8: {  	[smem:$0x3FAE] =	sst s0  }
0x9: {  	[smem:$0x3FAF] =	sst s1  }
0xa: {  	[smem:$0x3FB0] =	sst s2  }
0xb: {  	[smem:$0x3FB1] =	sst s3  }
0xc: {  	[smem:$0x3FB2] =	sst s4  }
0xd: {  	[smem:$0x3FB3] =	sst s5  }
0xe: {  	[smem:$0x3FB4] =	sst s6  }
0xf: {  	[smem:$0x3FB5] =	sst s7  }
0x10: {  	[smem:$0x3FB6] =	sst s8  }
0x11: {  	[smem:$0x3FB7] =	sst s9;
	s0 =	simm.s32 @!p0 $0x0  }
0x12: {  	s1 =	sld [smem:$0x3F9D];
	s0 =	simm.s32 @p0 $0x1  }
0x13: {  	[smem:$0x3FB8] =	sst s0;
	s0 =	simm.s32 @!p1 $0x0  }
0x14: {  	s2 =	sld [smem:$0x3F9C];
	s0 =	simm.s32 @p1 $0x1  }
0x15: {  	[smem:$0x3FB9] =	sst s0;
	s0 =	simm.s32 @!p2 $0x0  }
0x16: {  	s3 =	sld [smem:$0x3FDB];
	s0 =	simm.s32 @p2 $0x1  }
0x17: {  	s4 =	simm.s32 $0x1BF5;
	[smem:$0x3FBB] =	sst s0  }
0x18: {  	s0 =	sld [smem:$0x3F9E];
	_ =	swait.ge [sflag:s4], $0x0  }
0x19: {  	s7 =	sld [smem:$0x3F9F]  }
0x1a: {  	s8 =	sadd.s32 $0xFFFFE003, lr  }
0x1b: {  	s9 =	sadd.s32 $0xFFFFFEF7, lr;
	s5 =	simm.s32 $0xFFFFFFFF;
	p2 =	slt.u32 s8, $0xFFFFF086  }
0x1c: {  	p1 =	slt.u32 s9, $0xF7A;
	s5 =	simm.s32 @!p2 $0x0  }
0x1d: {  	s5 =	simm.s32 @p1 $0x1;
	p0 =	seq.s32 s7, s2  }
0x1e: {  	s7 =	smul.u32 @!p0 $0xF7A, s2;
	p2 =	seq.s32 @!p0 s5, $0x0  }
0x1f: {  	s9 =	smul.u32 $0xF7A, s1;
	s8 =	simm.s32 @!p0 $0x1BF5;
	p2 =	por !p2, p0  }
0x20: {  	[sflag:s8] =	ssyncset.s32 @!p0 $0xFFFFF086;
	s6 =	sadd.s32 @!p0 s3, s7;
	s7 =	simm.s32 @!p0 $0x108  }
0x21: {  	s3 =	sadd.s32 s3, s9;
	s6 =	sadd.s32 @!p0 $0x88, s6;
	s7 =	simm.s32 @p2 $0x1082  }
0x22: {  	[simem:s7], [sflag:s8] =	dma.local @!p0 [hbm:s6], $0xF7A  }
0x23: {  	s9 =	sor.u32 $0xD0000000, s2;
	s6 =	simm.s32 $0x108;
	_ =	swait.ge @!p0 [sflag:s8], $0x0  }
0x24: {  	s3 =	sadd.s32 $0x88, s3;
	s6 =	simm.s32 @!p1 $0x1082;
	[sflag:s4] =	ssyncset.s32 $0xFFFFF086  }
0x25: {  	[simem:s6], [sflag:s4] =	dma.local [hbm:s3], $0xF7A  }
0x26: {  	[smem:$0x3F9F] =	sst s1;
	(tag) =	ssettag s2;
	_ =	strace s9  }
0x27: {  	s1 =	sld [smem:$0x3FAF]  }
0x28: {  	s2 =	sld [smem:$0x3FB0]  }
0x29: {  	s4 =	sld [smem:$0x3FB2]  }
0x2a: {  	p0 =	seq.s32 s5, $0x0;
	s5 =	sld [smem:$0x3FB3]  }
0x2b: {  	s6 =	sld [smem:$0x3FB4]  }
0x2c: {  	s7 =	sld [smem:$0x3FB5]  }
0x2d: {  	s3 =	simm.s32 $0x108;
	s8 =	sld [smem:$0x3FB6]  }
0x2e: {  	s3 =	simm.s32 @!p0 $0x1082;
	s9 =	sld [smem:$0x3FB7]  }
0x2f: {  	lr =	sadd.s32 s0, s3;
	s0 =	sld [smem:$0x3FAE]  }
0x30: {  	s3 =	sld [smem:$0x3FB1]  }
0x31: {  	[smem:$0x3FBA] =	sst s10  }
0x32: {  	s10 =	sld [smem:$0x3FB8];
	_ =	sdelay $0x3  }
0x33: {  	p0 =	seq.s32 s10, $0x1;
	s10 =	sld [smem:$0x3FBA];
	_ =	sdelay $0x3  }
0x34: {  	[smem:$0x3FBA] =	sst s10  }
0x35: {  	s10 =	sld [smem:$0x3FB9];
	_ =	sdelay $0x3  }
0x36: {  	p1 =	seq.s32 s10, $0x1;
	s10 =	sld [smem:$0x3FBA];
	_ =	sdelay $0x3  }
0x37: {  	[smem:$0x3FBA] =	sst s10  }
0x38: {  	s10 =	sld [smem:$0x3FBB]  }
0x39: {  	_ = 	snop;
	(pc) =	sbr.ind lr, $3  }
0x3a: {  	_ = 	snop  }
0x3b: {  	_ = 	snop  }
0x3c: {  	p2 =	seq.s32 s10, $0x1;
	s10 =	sld [smem:$0x3FBA]  }
0x3d: {  	_ =	shalt  }
0x3e: {  	_ =	shalt  }
0x3f: {  	_ =	shalt  }
0x40: {  	_ =	shalt  }
0x41: {  	_ =	shalt  }
0x42: {  	_ =	shalt  }
0x43: {  	_ =	shalt  }
0x44: {  	_ =	shalt  }
0x45: {  	_ =	shalt  }
0x46: {  	_ =	shalt  }
0x47: {  	_ =	shalt  }
0x48: {  	_ =	shalt  }
0x49: {  	_ =	shalt  }
0x4a: {  	_ =	shalt  }
0x4b: {  	_ =	shalt  }
0x4c: {  	_ =	shalt  }
0x4d: {  	_ =	shalt  }
0x4e: {  	_ =	shalt  }
0x4f: {  	_ =	shalt  }
0x50: {  	_ =	shalt  }
0x51: {  	_ =	shalt  }
0x52: {  	_ =	shalt  }
0x53: {  	_ =	shalt  }
0x54: {  	_ =	shalt  }
0x55: {  	_ =	shalt  }
0x56: {  	_ =	shalt  }
0x57: {  	_ =	shalt  }
0x58: {  	_ =	shalt  }
0x59: {  	_ =	shalt  }
0x5a: {  	_ =	shalt  }
0x5b: {  	_ =	shalt  }
0x5c: {  	_ =	shalt  }
0x5d: {  	_ =	shalt  }
0x5e: {  	_ =	shalt  }
0x5f: {  	_ =	shalt  }
0x60: {  	_ =	shalt  }
0x61: {  	_ =	shalt  }
0x62: {  	_ =	shalt  }
0x63: {  	_ =	shalt  }
0x64: {  	_ =	shalt  }
0x65: {  	_ =	shalt  }
0x66: {  	_ =	shalt  }
0x67: {  	_ =	shalt  }
0x68: {  	_ =	shalt  }
0x69: {  	_ =	shalt  }
0x6a: {  	_ =	shalt  }
0x6b: {  	_ =	shalt  }
0x6c: {  	_ =	shalt  }
0x6d: {  	_ =	shalt  }
0x6e: {  	_ =	shalt  }
0x6f: {  	_ =	shalt  }
0x70: {  	_ =	shalt  }
0x71: {  	_ =	shalt  }
0x72: {  	_ =	shalt  }
0x73: {  	_ =	shalt  }
0x74: {  	_ =	shalt  }
0x75: {  	_ =	shalt  }
0x76: {  	_ =	shalt  }
0x77: {  	_ =	shalt  }
0x78: {  	_ =	shalt  }
0x79: {  	_ =	shalt  }
0x7a: {  	_ =	shalt  }
0x7b: {  	_ =	shalt  }
0x7c: {  	_ =	shalt  }
0x7d: {  	_ =	shalt  }
0x7e: {  	_ =	shalt  }
0x7f: {  	_ =	shalt  }
0x80: {  	_ =	shalt  }
0x81: {  	_ =	shalt  }
0x82: {  	_ =	shalt  }
0x83: {  	_ =	shalt  }
0x84: {  	_ =	shalt  }
0x85: {  	_ =	shalt  }
0x86: {  	_ =	shalt  }
0x87: {  	_ =	shalt  }
.Lfunc_end0:
.L_simem_size_0:
called_computation_lowered:
.L_overlay_start_0:
0x88: {  	s2 =	sld [smem:$0x3FD9]  }
0x89: {  	s3 =	sld [smem:$0x3FFE];
	_ =	sdelay $0x1  }
0x8a: {  	s1 =	srdreg.scid  }
0x8b: {  	s0 =	sand.u32 $0x1, s1  }
0x8c: {  	s17 =	sshll.u32 s0, $0xA;
	s2 =	sadd.s32 s3, s2  }
0x8d: {  	s2 =	sadd.s32 s2, s17  }
0x8e: {  	[smem:$0x3FC6] =	sst s2  }
0x8f: {  	_ = 	snop  }
0x90: {  	s2 =	sld [smem:$0x3FD0];
	(tm) =	ssettm $0x1  }
0x91: {  	s18 =	sld [smem:$0x3FFB];
	_ =	sdelay $0x3  }
0x92: {  	_ =	strace s18  }
0x93: {  	s3 =	sld [smem:$0x3FFC];
	_ =	sdelay $0x3  }
0x94: {  	_ =	strace s3  }
0x95: {  	s3 =	sld [smem:$0x3FFD];
	_ =	sdelay $0x3  }
0x96: {  	_ =	strace s3  }
0x97: {  	_ =	strace $0x8FFFFFFF  }
0x98: {  	s19 =	sld [smem:$0x3FDB];
	_ =	sdelay $0x1  }
0x99: {  	s4 =	simm.s32 $_scs_section_size  }
0x9a: {  	s5 =	simm.s32 $_size__tile_overlayer_lowered;
	s6 =	simm.s32 $_tile_overlayer_lowered  }
0x9b: {  	s22 =	simm.s32 $0x1BFF;
	s21 =	sshll.u32 s6, $0x1;
	s3 =	sadd.s32 s4, s19  }
0x9c: {  	s7 =	simm.s32 $0x0;
	s20 =	sshll.u32 s5, $0x1;
	s5 =	sadd.s32 s21, s3  }
0x9d: {  	[timem:s7], [sflag:s22] =	dma.local [hbm:s5], s20  }
0x9e: {  	_ =	swait.ge [sflag:s22], s20  }
0x9f: {  	s4 =	ssub.s32 $0x0, s20;
	[sflag:s22] =	ssyncset.done $0x0  }
0xa0: {  	[sflag:s22] =	ssyncadd.s32 s4;
	_ =	sdelay $0x1  }
0xa1: {  	s23 =	simm.s32 $0x1B8B  }
0xa2: {  	_ =	swait.ge [sflag:s23], $0x1  }
0xa3: {  	[sflag:s23] =	ssyncset.done $0x0  }
0xa4: {  	s25 =	simm.s32 $0x1B8E;
	s24 =	sld [smem:$0x3FFE];
	[sflag:s23] =	ssyncadd.s32 $0xFFFFFFFF  }
0xa5: {  	s26 =	simm.s32 $execute0_lowered;
	[smem:$0x3FD2] =	sst s25  }
0xa6: {  	s5 =	sshll.u32 s26, $0x1;
	_ =	strace $0x80000046;
	[dreg:$0x1] =	wrdreg $0xFFFFFFFF  }
0xa7: {  	s28 =	simm.s32 $_size_execute0_lowered;
	s3 =	sadd.s32 s3, s5;
	[dreg:$0x0] =	wrdreg $0x0  }
0xa8: {  	s5 =	sshll.u32 s28, $0x1;
	[dreg:$0x2] =	wrdreg s3  }
0xa9: {  	[dreg:$0x3] =	wrdreg s5  }
0xaa: {  	[dreg:$0x4] =	wrdreg $0xC0  }
0xab: {  	_ =	task [dreg:s7], $0x5FFFF  }
0xac: {  	[dreg:$0x1] =	wrdreg $0xFFFFFFFF  }
0xad: {  	[dreg:$0x0] =	wrdreg $0x60  }
0xae: {  	[dreg:$0x2] =	wrdreg s24  }
0xaf: {  	[dreg:$0x3] =	wrdreg s2  }
0xb0: {  	[dreg:$0x4] =	wrdreg $0x9  }
0xb1: {  	_ =	task.clear_ibuf [dreg:s7], $0x5FFFF;
	_ =	strace $0x90000046  }
0xb2: {  	s29 =	simm.s32 $0x9;
	_ =	strace $0x80000048  }
0xb3: {  	_ =	swait.ge [sflag:s29], $0x1  }
0xb4: {  	[sflag:s29] =	ssyncadd.s32 $0xFFFFFFFF  }
0xb5: {  	_ =	strace $0x90000048  }
0xb6: {  	_ =	sfence  }
0xb7: {  	s30 =	sld [smem:$0x0];
	_ =	sdelay $0x2  }
0xb8: {  	s31 =	sshll.u32 s1, $0xD;
	s1 =	sshrl.u32 s1, $0x2  }
0xb9: {  	s3 =	sand.u32 $0x4000, s31;
	s1 =	sadd.s32 s1, s30  }
0xba: {  	s0 =	sor.u32 s3, s0;
	s1 =	sshll.u32 s1, $0x11  }
0xbb: {  	s0 =	sor.u32 s1, s0  }
0xbc: {  	s0 =	sadd.s32 $0x8F2B, s0  }
0xbd: {  	[sflag:s0] =	ssyncadd.remote.s32 $0x1  }
0xbe: {  	_ =	sfence.sel $0xFFFF  }
0xbf: {  	[dreg:$0x0] =	wrdreg $0xFFFFFFFF;
	(pc) =	sbr.abs _section_cstart, $3  }
0xc0: {  	[dreg:$0x1] =	wrdreg $0xFFFFFFFF  }
0xc1: {  	_ =	task.clear_ibuf [dreg:s7], $0x2FFFF;
	_ =	strace $0x9FFFFFFF  }
0xc2: {  	(tm) =	ssettm $0x7FFFFFFF  }
0xc3: {  	_ =	shalt  }
tec
execute0_lowered:
.L_overlay_start_1:
0x0: {  	(tag) =	ssettag $0x1  }
0x1: {  	s5 =	rddreg [dreg:$0x0]  }
0x2: {  	s1 =	rddreg [dreg:$0x1]  }
0x3: {  	s0 =	rddreg [dreg:$0x2]  }
0x4: {  	s3 =	simm.s32 $0x0;
	s4 =	srdreg.scid;
	s2 =	stileid.u32  }
0x5: {  	s10 =	simm.s32 $0x1;
	s11 =	simm.s32 $0x640;
	s12 =	simm.s32 $0x2  }
0x6: {  	s13 =	simm.s32 $0x6A40;
	s14 =	simm.s32 $0x3;
	s15 =	simm.s32 $0x10  }
0x7: {  	s16 =	simm.s32 $0x80;
	s17 =	simm.s32 $0x4;
	s18 =	simm.s32 $0x5  }
0x8: {  	s19 =	simm.s32 $0x6;
	[smem:$0x7FF] =	sst s3;
	s6 =	sand.u32 $0x1, s4  }
0x9: {  	s4 =	sadd.s32 $0xF42A00, s5;
	s8 =	sshll.u32 s2, $0x1;
	s7 =	ssub.s32 $0x2, s6  }
0xa: {  	s5 =	sadd.s32 $0x600, s5;
	s8 =	sor.u32 s6, s8;
	s9 =	sshrl.u32 s7, $0x1  }
0xb: {  	v0 =	vlaneseq.u32;
	_ =	strace $0x80000047;
	s6 =	smul.u32 $0x6400, s8;
	s9 =	ssub.s32 s7, s9  }
0xc: {  	v0 =	vmul.u32 $0x640, v0;
	s7 =	sshll.u32 s8, $0x9;
	s8 =	smax.u32 s9, $0x1;
	s9 =	simm.s32 $0x320  }
.LBB2_1:
0xd: {  	s20 =	simm.s32 $0x0  }
.LBB2_2:
0xe: {  	s21 =	smul.u32 $0x640, s20;
	_ =	sdelay $0x1  }
0xf: {  	s22 =	sadd.s32 s6, s21  }
0x10: {  	s21 =	sshllo.u32 s20, $0x1;
	s22 =	sshrl.u32 s22, $0x3  }
0x11: {  	s23 =	simm.s32 $0x0;
	s24 =	smul.u32 $0x320, s21;
	s22 =	sadd.s32 s5, s22  }
0x12: {  	[tilespmem:s23], [sflag:$0x1] =	stream.linear.gather [hbm4b:s22+s23], $0x320, $0x38;
	[tilespmem:$0x19640] =	vst v63  }
0x13: {  	s31 =	sadd.s32 s6, s24  }
0x14: {  	s22 =	sshrl.u32 s31, $0x3  }
0x15: {  	s22 =	sadd.s32 s5, s22  }
0x16: {  	[tilespmem:s9], [sflag:$0x2] =	stream.linear.gather [hbm4b:s22+s23], $0x320, $0x38;
	[tilespmem:$0x19640] =	vst v63  }
0x17: {  	_ =	swait.ge [sflag:s10], $0x320  }
0x18: {  	[sflag:s10] =	ssyncset.done $0x0  }
0x19: {  	s24 =	simm.s32 $0x1;
	[sflag:s10] =	ssyncadd.s32 $0xFFFFFCE0  }
0x1a: {  	[tilespmem:s11], [sflag:$0x3] =	stream.indirect.gather [hbm4b:s4+s9], $0x20, s23, s9, $0xb8;
	[tilespmem:$0x19640] =	vst v63  }
0x1b: {  	v1 =	vmov s24;
	_ =	swait.ge [sflag:s12], $0x320  }
0x1c: {  	v1 =	vshll.u32 v1, $0x5;
	[sflag:s12] =	ssyncset.done $0x0  }
0x1d: {  	v7 =	vadd.s32 v0, v1;
	[sflag:s12] =	ssyncadd.s32 $0xFFFFFCE0  }
0x1e: {  	[tilespmem:s13], [sflag:$0x4] =	stream.indirect.gather [hbm4b:s4+s9], $0x20, s9, s9, $0xb8;
	[tilespmem:$0x19640] =	vst v63  }
0x1f: {  	_ =	swait.ge [sflag:s14], $0x6400  }
0x20: {  	v1 =	vmov s23;
	[sflag:s14] =	ssyncset.done $0x0  }
0x21: {  	v1 =	vshll.u32 v1, $0x5;
	[sflag:s14] =	ssyncadd.s32 $0xFFFF9C00  }
0x22: {  	v8 =	vadd.s32 v0, v1;
	v1 =	vld.idx.msk [tilespmem:v7+s11+$0x0], $0xffff  }
0x23: {  	v2 =	vor.u32 $0x1, v7;
	_ =	sdelay $0x2  }
0x24: {  	s24 =	simm.s32 $0xD040  }
0x25: {  	v3 =	vld.idx.msk [tilespmem:v8+s11+$0x0], $0xffff;
	[tilespmem:s24+$0x0] =	vst v1  }
0x26: {  	v1 =	vor.u32 $0x1, v8;
	v2 =	vld.idx.msk [tilespmem:v2+s11+$0x0], $0xffff  }
0x27: {  	v4 =	vor.u32 $0x2, v7;
	_ =	sdelay $0x2  }
0x28: {  	[tilespmem:s24+$0xFFFFFE00] =	vst v3  }
0x29: {  	v1 =	vld.idx.msk [tilespmem:v1+s11+$0x0], $0xffff;
	[tilespmem:s24+$0x10] =	vst v2  }
0x2a: {  	v2 =	vor.u32 $0x2, v8;
	v3 =	vld.idx.msk [tilespmem:v4+s11+$0x0], $0xffff  }
0x2b: {  	v4 =	vor.u32 $0x3, v7;
	_ =	sdelay $0x2  }
0x2c: {  	[tilespmem:s24+$0xFFFFFE10] =	vst v1  }
0x2d: {  	v1 =	vld.idx.msk [tilespmem:v2+s11+$0x0], $0xffff;
	[tilespmem:s24+$0x20] =	vst v3  }
0x2e: {  	v2 =	vor.u32 $0x3, v8;
	v3 =	vld.idx.msk [tilespmem:v4+s11+$0x0], $0xffff  }
0x2f: {  	v4 =	vor.u32 $0x4, v7;
	_ =	sdelay $0x2  }
0x30: {  	[tilespmem:s24+$0xFFFFFE20] =	vst v1  }
0x31: {  	v1 =	vld.idx.msk [tilespmem:v2+s11+$0x0], $0xffff;
	[tilespmem:s24+$0x30] =	vst v3  }
0x32: {  	v2 =	vor.u32 $0x4, v8;
	v3 =	vld.idx.msk [tilespmem:v4+s11+$0x0], $0xffff  }
0x33: {  	v4 =	vor.u32 $0x5, v7;
	_ =	sdelay $0x2  }
0x34: {  	[tilespmem:s24+$0xFFFFFE30] =	vst v1  }
0x35: {  	v1 =	vld.idx.msk [tilespmem:v2+s11+$0x0], $0xffff;
	[tilespmem:s24+$0x40] =	vst v3  }
0x36: {  	v2 =	vor.u32 $0x5, v8;
	v3 =	vld.idx.msk [tilespmem:v4+s11+$0x0], $0xffff  }
0x37: {  	v4 =	vor.u32 $0x6, v7;
	_ =	sdelay $0x2  }
0x38: {  	[tilespmem:s24+$0xFFFFFE40] =	vst v1  }
0x39: {  	v1 =	vld.idx.msk [tilespmem:v2+s11+$0x0], $0xffff;
	[tilespmem:s24+$0x50] =	vst v3  }
0x3a: {  	v2 =	vor.u32 $0x6, v8;
	v3 =	vld.idx.msk [tilespmem:v4+s11+$0x0], $0xffff  }
0x3b: {  	v4 =	vor.u32 $0x7, v7;
	_ =	sdelay $0x2  }
0x3c: {  	[tilespmem:s24+$0xFFFFFE50] =	vst v1  }
0x3d: {  	v1 =	vld.idx.msk [tilespmem:v2+s11+$0x0], $0xffff;
	[tilespmem:s24+$0x60] =	vst v3  }
0x3e: {  	v2 =	vor.u32 $0x7, v8;
	v3 =	vld.idx.msk [tilespmem:v4+s11+$0x0], $0xffff  }
0x3f: {  	v4 =	vor.u32 $0x8, v7;
	_ =	sdelay $0x2  }
0x40: {  	[tilespmem:s24+$0xFFFFFE60] =	vst v1  }
0x41: {  	s25 =	simm.s32 $0x3;
	v1 =	vld.idx.msk [tilespmem:v2+s11+$0x0], $0xffff;
	[tilespmem:s24+$0x70] =	vst v3  }
0x42: {  	v2 =	vor.u32 $0x8, v8;
	v3 =	vld.idx.msk [tilespmem:v4+s11+$0x0], $0xffff;
	v4 =	vmov s25  }
0x43: {  	v6 =	vor.u32 $0x9, v7;
	v4 =	vshll.u32 v4, $0x5  }
0x44: {  	s26 =	simm.s32 $0x2;
	v5 =	vadd.s32 v0, v4  }
0x45: {  	v4 =	vmov s26  }
0x46: {  	v4 =	vshll.u32 v4, $0x5;
	[tilespmem:s24+$0xFFFFFE70] =	vst v1  }
0x47: {  	v1 =	vadd.s32 v0, v4;
	v2 =	vld.idx.msk [tilespmem:v2+s11+$0x0], $0xffff;
	[tilespmem:s24+$0x80] =	vst v3  }
0x48: {  	v3 =	vor.u32 $0x9, v8;
	v4 =	vld.idx.msk [tilespmem:v6+s11+$0x0], $0xffff  }
0x49: {  	v9 =	vor.u32 $0xA, v7;
	v6 =	vld.idx.msk [tilespmem:v5+s11+$0x0], $0xffff  }
0x4a: {  	v10 =	vor.u32 $0x1, v5;
	_ =	sdelay $0x1  }
0x4b: {  	v11 =	vld.idx.msk [tilespmem:v1+s11+$0x0], $0xffff;
	[tilespmem:s24+$0xFFFFFE80] =	vst v2  }
0x4c: {  	s22 =	simm.s32 $0xD440;
	v2 =	vld.idx.msk [tilespmem:v3+s11+$0x0], $0xffff;
	v3 =	vor.u32 $0x1, v1;
	[tilespmem:s24+$0x90] =	vst v4  }
0x4d: {  	v4 =	vor.u32 $0xA, v8;
	[tilespmem:s22+$0x0] =	vst v6;
	v6 =	vld.idx.msk [tilespmem:v9+s11+$0x0], $0xffff  }
0x4e: {  	v9 =	vld.idx.msk [tilespmem:v10+s11+$0x0], $0xffff;
	v10 =	vor.u32 $0xB, v7  }
0x4f: {  	v12 =	vor.u32 $0x2, v5  }
0x50: {  	[tilespmem:s22+$0xFFFFFE00] =	vst v11  }
0x51: {  	v3 =	vld.idx.msk [tilespmem:v3+s11+$0x0], $0xffff;
	[tilespmem:s24+$0xFFFFFE90] =	vst v2  }
0x52: {  	v2 =	vld.idx.msk [tilespmem:v4+s11+$0x0], $0xffff;
	v4 =	vor.u32 $0x2, v1;
	[tilespmem:s24+$0xA0] =	vst v6  }
0x53: {  	v6 =	vor.u32 $0xB, v8;
	[tilespmem:s22+$0x10] =	vst v9;
	v9 =	vld.idx.msk [tilespmem:v10+s11+$0x0], $0xffff  }
0x54: {  	v11 =	vor.u32 $0xC, v7;
	v10 =	vld.idx.msk [tilespmem:v12+s11+$0x0], $0xffff  }
0x55: {  	v12 =	vor.u32 $0x3, v5  }
0x56: {  	[tilespmem:s22+$0xFFFFFE10] =	vst v3  }
0x57: {  	v3 =	vld.idx.msk [tilespmem:v4+s11+$0x0], $0xffff;
	[tilespmem:s24+$0xFFFFFEA0] =	vst v2  }
0x58: {  	v4 =	vor.u32 $0x3, v1;
	v2 =	vld.idx.msk [tilespmem:v6+s11+$0x0], $0xffff;
	[tilespmem:s24+$0xB0] =	vst v9  }
0x59: {  	v6 =	vor.u32 $0xC, v8;
	[tilespmem:s22+$0x20] =	vst v10;
	v9 =	vld.idx.msk [tilespmem:v11+s11+$0x0], $0xffff  }
0x5a: {  	v11 =	vor.u32 $0xD, v7;
	v10 =	vld.idx.msk [tilespmem:v12+s11+$0x0], $0xffff  }
0x5b: {  	v12 =	vor.u32 $0x4, v5  }
0x5c: {  	[tilespmem:s22+$0xFFFFFE20] =	vst v3  }
0x5d: {  	v3 =	vld.idx.msk [tilespmem:v4+s11+$0x0], $0xffff;
	[tilespmem:s24+$0xFFFFFEB0] =	vst v2  }
0x5e: {  	v4 =	vor.u32 $0x4, v1;
	v2 =	vld.idx.msk [tilespmem:v6+s11+$0x0], $0xffff;
	[tilespmem:s24+$0xC0] =	vst v9  }
0x5f: {  	v6 =	vor.u32 $0xD, v8;
	[tilespmem:s22+$0x30] =	vst v10;
	v9 =	vld.idx.msk [tilespmem:v11+s11+$0x0], $0xffff  }
0x60: {  	v11 =	vor.u32 $0xE, v7;
	v10 =	vld.idx.msk [tilespmem:v12+s11+$0x0], $0xffff  }
0x61: {  	v12 =	vor.u32 $0x5, v5  }
0x62: {  	[tilespmem:s22+$0xFFFFFE30] =	vst v3  }
0x63: {  	v3 =	vld.idx.msk [tilespmem:v4+s11+$0x0], $0xffff;
	[tilespmem:s24+$0xFFFFFEC0] =	vst v2  }
0x64: {  	v4 =	vor.u32 $0x5, v1;
	v2 =	vld.idx.msk [tilespmem:v6+s11+$0x0], $0xffff;
	[tilespmem:s24+$0xD0] =	vst v9  }
0x65: {  	v6 =	vor.u32 $0xE, v8;
	[tilespmem:s22+$0x40] =	vst v10;
	v9 =	vld.idx.msk [tilespmem:v11+s11+$0x0], $0xffff  }
0x66: {  	v11 =	vor.u32 $0xF, v7;
	v10 =	vld.idx.msk [tilespmem:v12+s11+$0x0], $0xffff  }
0x67: {  	v12 =	vor.u32 $0x6, v5  }
0x68: {  	[tilespmem:s22+$0xFFFFFE40] =	vst v3  }
0x69: {  	v3 =	vld.idx.msk [tilespmem:v4+s11+$0x0], $0xffff;
	[tilespmem:s24+$0xFFFFFED0] =	vst v2  }
0x6a: {  	v4 =	vor.u32 $0x6, v1;
	v2 =	vld.idx.msk [tilespmem:v6+s11+$0x0], $0xffff;
	[tilespmem:s24+$0xE0] =	vst v9  }
0x6b: {  	v6 =	vor.u32 $0xF, v8;
	[tilespmem:s22+$0x50] =	vst v10;
	v9 =	vld.idx.msk [tilespmem:v11+s11+$0x0], $0xffff  }
0x6c: {  	v11 =	vor.u32 $0x10, v7;
	v10 =	vld.idx.msk [tilespmem:v12+s11+$0x0], $0xffff  }
0x6d: {  	v12 =	vor.u32 $0x7, v5  }
0x6e: {  	[tilespmem:s22+$0xFFFFFE50] =	vst v3  }
0x6f: {  	v3 =	vld.idx.msk [tilespmem:v4+s11+$0x0], $0xffff;
	[tilespmem:s24+$0xFFFFFEE0] =	vst v2  }
0x70: {  	v4 =	vor.u32 $0x7, v1;
	v2 =	vld.idx.msk [tilespmem:v6+s11+$0x0], $0xffff;
	[tilespmem:s24+$0xF0] =	vst v9  }
0x71: {  	v6 =	vor.u32 $0x10, v8;
	[tilespmem:s22+$0x60] =	vst v10;
	v9 =	vld.idx.msk [tilespmem:v11+s11+$0x0], $0xffff  }
0x72: {  	v11 =	vor.u32 $0x11, v7;
	v10 =	vld.idx.msk [tilespmem:v12+s11+$0x0], $0xffff  }
0x73: {  	v12 =	vor.u32 $0x8, v5  }
0x74: {  	[tilespmem:s22+$0xFFFFFE60] =	vst v3  }
0x75: {  	v3 =	vld.idx.msk [tilespmem:v4+s11+$0x0], $0xffff;
	[tilespmem:s24+$0xFFFFFEF0] =	vst v2  }
0x76: {  	v4 =	vld.idx.msk [tilespmem:v6+s11+$0x0], $0xffff;
	v6 =	vor.u32 $0x8, v1;
	[tilespmem:s24+$0x100] =	vst v9  }
0x77: {  	s29 =	simm.s32 $0x5;
	v9 =	vor.u32 $0x11, v8;
	[tilespmem:s22+$0x70] =	vst v10;
	v10 =	vld.idx.msk [tilespmem:v11+s11+$0x0], $0xffff  }
0x78: {  	s25 =	simm.s32 $0x4;
	v2 =	vmov s29;
	v11 =	vld.idx.msk [tilespmem:v12+s11+$0x0], $0xffff;
	v12 =	vor.u32 $0x12, v7  }
0x79: {  	v13 =	vmov s25;
	v14 =	vor.u32 $0x9, v5;
	v2 =	vshll.u32 v2, $0x5  }
0x7a: {  	v13 =	vshll.u32 v13, $0x5;
	[tilespmem:s22+$0xFFFFFE70] =	vst v3;
	v3 =	vadd.s32 v0, v2  }
0x7b: {  	v2 =	vadd.s32 v0, v13;
	v6 =	vld.idx.msk [tilespmem:v6+s11+$0x0], $0xffff;
	[tilespmem:s24+$0xFFFFFF00] =	vst v4  }
0x7c: {  	v4 =	vld.idx.msk [tilespmem:v9+s11+$0x0], $0xffff;
	v9 =	vor.u32 $0x9, v1;
	[tilespmem:s24+$0x110] =	vst v10  }
0x7d: {  	v10 =	vor.u32 $0x12, v8;
	[tilespmem:s22+$0x80] =	vst v11;
	v11 =	vld.idx.msk [tilespmem:v12+s11+$0x0], $0xffff  }
0x7e: {  	v13 =	vor.u32 $0x13, v7;
	v12 =	vld.idx.msk [tilespmem:v14+s11+$0x0], $0xffff  }
0x7f: {  	v15 =	vor.u32 $0xA, v5;
	v14 =	vld.idx.msk [tilespmem:v3+s11+$0x0], $0xffff  }
0x80: {  	v16 =	vld.idx.msk [tilespmem:v2+s11+$0x0], $0xffff;
	[tilespmem:s22+$0xFFFFFE80] =	vst v6;
	v6 =	vor.u32 $0x1, v3  }
0x81: {  	[tilespmem:s24+$0xFFFFFF10] =	vst v4;
	v4 =	vld.idx.msk [tilespmem:v9+s11+$0x0], $0xffff;
	v9 =	vor.u32 $0x1, v2  }
0x82: {  	v17 =	vor.u32 $0xA, v1;
	v10 =	vld.idx.msk [tilespmem:v10+s11+$0x0], $0xffff;
	[tilespmem:s24+$0x120] =	vst v11  }
0x83: {  	s23 =	simm.s32 $0xD840;
	v11 =	vor.u32 $0x13, v8;
	[tilespmem:s22+$0x90] =	vst v12;
	v12 =	vld.idx.msk [tilespmem:v13+s11+$0x0], $0xffff  }
0x84: {  	[tilespmem:s23+$0x0] =	vst v14;
	v14 =	vor.u32 $0x14, v7;
	v13 =	vld.idx.msk [tilespmem:v15+s11+$0x0], $0xffff  }
0x85: {  	[tilespmem:s23+$0xFFFFFE00] =	vst v16;
	v6 =	vld.idx.msk [tilespmem:v6+s11+$0x0], $0xffff;
	v15 =	vor.u32 $0xB, v5  }
0x86: {  	v9 =	vld.idx.msk [tilespmem:v9+s11+$0x0], $0xffff;
	[tilespmem:s22+$0xFFFFFE90] =	vst v4;
	v4 =	vor.u32 $0x2, v3  }
0x87: {  	v16 =	vld.idx.msk [tilespmem:v17+s11+$0x0], $0xffff;
	[tilespmem:s24+$0xFFFFFF20] =	vst v10;
	v10 =	vor.u32 $0x2, v2  }
0x88: {  	v17 =	vor.u32 $0xB, v1;
	v11 =	vld.idx.msk [tilespmem:v11+s11+$0x0], $0xffff;
	[tilespmem:s24+$0x130] =	vst v12  }
0x89: {  	v12 =	vor.u32 $0x14, v8;
	[tilespmem:s22+$0xA0] =	vst v13;
	v13 =	vld.idx.msk [tilespmem:v14+s11+$0x0], $0xffff  }
0x8a: {  	[tilespmem:s23+$0x10] =	vst v6;
	v14 =	vor.u32 $0x15, v7;
	v6 =	vld.idx.msk [tilespmem:v15+s11+$0x0], $0xffff  }
0x8b: {  	[tilespmem:s23+$0xFFFFFE10] =	vst v9;
	v4 =	vld.idx.msk [tilespmem:v4+s11+$0x0], $0xffff;
	v9 =	vor.u32 $0xC, v5  }
0x8c: {  	v15 =	vor.u32 $0x3, v3;
	v10 =	vld.idx.msk [tilespmem:v10+s11+$0x0], $0xffff;
	[tilespmem:s22+$0xFFFFFEA0] =	vst v16  }
0x8d: {  	v16 =	vld.idx.msk [tilespmem:v17+s11+$0x0], $0xffff;
	[tilespmem:s24+$0xFFFFFF30] =	vst v11;
	v11 =	vor.u32 $0x3, v2  }
0x8e: {  	v17 =	vor.u32 $0xC, v1;
	v12 =	vld.idx.msk [tilespmem:v12+s11+$0x0], $0xffff;
	[tilespmem:s24+$0x140] =	vst v13  }
0x8f: {  	[tilespmem:s22+$0xB0] =	vst v6;
	v6 =	vor.u32 $0x15, v8;
	v13 =	vld.idx.msk [tilespmem:v14+s11+$0x0], $0xffff  }
0x90: {  	[tilespmem:s23+$0x20] =	vst v4;
	v4 =	vld.idx.msk [tilespmem:v9+s11+$0x0], $0xffff;
	v9 =	vor.u32 $0x16, v7  }
0x91: {  	v14 =	vor.u32 $0xD, v5;
	[tilespmem:s23+$0xFFFFFE20] =	vst v10;
	v10 =	vld.idx.msk [tilespmem:v15+s11+$0x0], $0xffff  }
0x92: {  	v15 =	vor.u32 $0x4, v3;
	v11 =	vld.idx.msk [tilespmem:v11+s11+$0x0], $0xffff;
	[tilespmem:s22+$0xFFFFFEB0] =	vst v16  }
0x93: {  	s30 =	simm.s32 $0x6;
	v16 =	vld.idx.msk [tilespmem:v17+s11+$0x0], $0xffff;
	[tilespmem:s24+$0xFFFFFF40] =	vst v12;
	v12 =	vor.u32 $0x4, v2  }
0x94: {  	v18 =	vor.u32 $0xD, v1;
	v17 =	vmov s30;
	v6 =	vld.idx.msk [tilespmem:v6+s11+$0x0], $0xffff;
	[tilespmem:s24+$0x150] =	vst v13  }
0x95: {  	v13 =	vshll.u32 v17, $0x5;
	v17 =	vor.u32 $0x16, v8;
	[tilespmem:s22+$0xC0] =	vst v4;
	v9 =	vld.idx.msk [tilespmem:v9+s11+$0x0], $0xffff  }
0x96: {  	v4 =	vadd.s32 v0, v13;
	[tilespmem:s23+$0x30] =	vst v10;
	v13 =	vor.u32 $0x17, v7;
	v10 =	vld.idx.msk [tilespmem:v14+s11+$0x0], $0xffff  }
0x97: {  	[tilespmem:s23+$0xFFFFFE30] =	vst v11;
	v11 =	vld.idx.msk [tilespmem:v15+s11+$0x0], $0xffff;
	v14 =	vor.u32 $0xE, v5  }
0x98: {  	v15 =	vor.u32 $0x5, v3;
	v12 =	vld.idx.msk [tilespmem:v12+s11+$0x0], $0xffff;
	[tilespmem:s22+$0xFFFFFEC0] =	vst v16  }
0x99: {  	v16 =	vld.idx.msk [tilespmem:v18+s11+$0x0], $0xffff;
	[tilespmem:s24+$0xFFFFFF50] =	vst v6;
	v6 =	vor.u32 $0x5, v2  }
0x9a: {  	v19 =	vor.u32 $0xE, v1;
	v17 =	vld.idx.msk [tilespmem:v17+s11+$0x0], $0xffff;
	[tilespmem:s24+$0x160] =	vst v9  }
0x9b: {  	v9 =	vor.u32 $0x17, v8;
	[tilespmem:s22+$0xD0] =	vst v10;
	v10 =	vld.idx.msk [tilespmem:v13+s11+$0x0], $0xffff  }
0x9c: {  	[tilespmem:s23+$0x40] =	vst v11;
	v13 =	vor.u32 $0x18, v7;
	v11 =	vld.idx.msk [tilespmem:v14+s11+$0x0], $0xffff  }
0x9d: {  	[tilespmem:s23+$0xFFFFFE40] =	vst v12;
	v12 =	vld.idx.msk [tilespmem:v15+s11+$0x0], $0xffff;
	v14 =	vor.u32 $0xF, v5  }
0x9e: {  	v15 =	vor.u32 $0x6, v3;
	[tilespmem:s22+$0xFFFFFED0] =	vst v16;
	v6 =	vld.idx.msk [tilespmem:v6+s11+$0x0], $0xffff  }
0x9f: {  	v16 =	vld.idx.msk [tilespmem:v19+s11+$0x0], $0xffff;
	[tilespmem:s24+$0xFFFFFF60] =	vst v17;
	v17 =	vor.u32 $0x6, v2  }
0xa0: {  	v19 =	vor.u32 $0xF, v1;
	v9 =	vld.idx.msk [tilespmem:v9+s11+$0x0], $0xffff;
	[tilespmem:s24+$0x170] =	vst v10  }
0xa1: {  	v10 =	vor.u32 $0x18, v8;
	[tilespmem:s22+$0xE0] =	vst v11;
	v11 =	vld.idx.msk [tilespmem:v13+s11+$0x0], $0xffff  }
0xa2: {  	[tilespmem:s23+$0x50] =	vst v12;
	v13 =	vor.u32 $0x19, v7;
	v12 =	vld.idx.msk [tilespmem:v14+s11+$0x0], $0xffff  }
0xa3: {  	v14 =	vor.u32 $0x10, v5;
	[tilespmem:s23+$0xFFFFFE50] =	vst v6;
	v6 =	vld.idx.msk [tilespmem:v15+s11+$0x0], $0xffff  }
0xa4: {  	[tilespmem:s22+$0xFFFFFEE0] =	vst v16;
	v16 =	vor.u32 $0x7, v3;
	v15 =	vld.idx.msk [tilespmem:v17+s11+$0x0], $0xffff  }
0xa5: {  	v17 =	vld.idx.msk [tilespmem:v19+s11+$0x0], $0xffff;
	[tilespmem:s24+$0xFFFFFF70] =	vst v9;
	v9 =	vor.u32 $0x7, v2  }
0xa6: {  	v19 =	vor.u32 $0x10, v1;
	v10 =	vld.idx.msk [tilespmem:v10+s11+$0x0], $0xffff;
	[tilespmem:s24+$0x180] =	vst v11  }
0xa7: {  	v11 =	vor.u32 $0x19, v8;
	[tilespmem:s22+$0xF0] =	vst v12;
	v12 =	vld.idx.msk [tilespmem:v13+s11+$0x0], $0xffff  }
0xa8: {  	v13 =	vor.u32 $0x1A, v7;
	[tilespmem:s23+$0x60] =	vst v6;
	v6 =	vld.idx.msk [tilespmem:v14+s11+$0x0], $0xffff  }
0xa9: {  	[tilespmem:s23+$0xFFFFFE60] =	vst v15;
	v14 =	vld.idx.msk [tilespmem:v16+s11+$0x0], $0xffff;
	v15 =	vor.u32 $0x11, v5  }
0xaa: {  	[tilespmem:s22+$0xFFFFFEF0] =	vst v17;
	v16 =	vor.u32 $0x8, v3;
	v9 =	vld.idx.msk [tilespmem:v9+s11+$0x0], $0xffff  }
0xab: {  	v17 =	vld.idx.msk [tilespmem:v19+s11+$0x0], $0xffff;
	[tilespmem:s24+$0xFFFFFF80] =	vst v10;
	v10 =	vor.u32 $0x8, v2  }
0xac: {  	v19 =	vor.u32 $0x11, v1;
	v11 =	vld.idx.msk [tilespmem:v11+s11+$0x0], $0xffff;
	[tilespmem:s24+$0x190] =	vst v12  }
0xad: {  	v12 =	vor.u32 $0x1A, v8;
	[tilespmem:s22+$0x100] =	vst v6;
	v13 =	vld.idx.msk [tilespmem:v13+s11+$0x0], $0xffff  }
0xae: {  	[tilespmem:s23+$0x70] =	vst v14;
	v14 =	vld.idx.msk [tilespmem:v15+s11+$0x0], $0xffff;
	v15 =	vor.u32 $0x1B, v7  }
0xaf: {  	s31 =	simm.s32 $0x7;
	[tilespmem:s23+$0xFFFFFE70] =	vst v9;
	v9 =	vld.idx.msk [tilespmem:v16+s11+$0x0], $0xffff;
	v16 =	vor.u32 $0x12, v5  }
0xb0: {  	v6 =	vmov s31;
	[tilespmem:s22+$0xFFFFFF00] =	vst v17;
	v17 =	vor.u32 $0x9, v3;
	v10 =	vld.idx.msk [tilespmem:v10+s11+$0x0], $0xffff  }
0xb1: {  	v6 =	vshll.u32 v6, $0x5;
	v19 =	vld.idx.msk [tilespmem:v19+s11+$0x0], $0xffff;
	[tilespmem:s24+$0xFFFFFF90] =	vst v11  }
0xb2: {  	v6 =	vadd.s32 v0, v6;
	v11 =	vld.idx.msk [tilespmem:v12+s11+$0x0], $0xffff;
	[tilespmem:s24+$0x1A0] =	vst v13  }
0xb3: {  	v12 =	vor.u32 $0x9, v2;
	[tilespmem:s22+$0x110] =	vst v14;
	v14 =	vld.idx.msk [tilespmem:v15+s11+$0x0], $0xffff  }
0xb4: {  	v13 =	vor.u32 $0x12, v1;
	[tilespmem:s23+$0x80] =	vst v9;
	v9 =	vld.idx.msk [tilespmem:v16+s11+$0x0], $0xffff  }
0xb5: {  	v16 =	vld.idx.msk [tilespmem:v17+s11+$0x0], $0xffff;
	v17 =	vor.u32 $0x1C, v7  }
0xb6: {  	v20 =	vor.u32 $0x13, v5;
	v18 =	vld.idx.msk [tilespmem:v4+s11+$0x0], $0xffff;
	[tilespmem:s23+$0xFFFFFE80] =	vst v10  }
0xb7: {  	v21 =	vor.u32 $0x1, v4;
	v10 =	vld.idx.msk [tilespmem:v6+s11+$0x0], $0xffff;
	[tilespmem:s22+$0xFFFFFF10] =	vst v19  }
0xb8: {  	v19 =	vor.u32 $0xA, v3;
	v12 =	vld.idx.msk [tilespmem:v12+s11+$0x0], $0xffff;
	[tilespmem:s24+$0xFFFFFFA0] =	vst v11  }
0xb9: {  	v15 =	vor.u32 $0x1B, v8;
	v13 =	vld.idx.msk [tilespmem:v13+s11+$0x0], $0xffff;
	[tilespmem:s24+$0x1B0] =	vst v14  }
0xba: {  	s25 =	simm.s32 $0xDC40;
	v11 =	vor.u32 $0x1, v6;
	[tilespmem:s22+$0x120] =	vst v9;
	v9 =	vld.idx.msk [tilespmem:v17+s11+$0x0], $0xffff  }
0xbb: {  	[tilespmem:s25+$0xFFFFFE00] =	vst v18;
	v14 =	vor.u32 $0xA, v2;
	v17 =	vld.idx.msk [tilespmem:v20+s11+$0x0], $0xffff  }
0xbc: {  	[tilespmem:s23+$0x90] =	vst v16;
	v16 =	vor.u32 $0x13, v1;
	v20 =	vld.idx.msk [tilespmem:v21+s11+$0x0], $0xffff  }
0xbd: {  	[tilespmem:s25+$0x0] =	vst v10;
	v10 =	vld.idx.msk [tilespmem:v19+s11+$0x0], $0xffff;
	v19 =	vor.u32 $0x1D, v7  }
0xbe: {  	v18 =	vor.u32 $0x14, v5;
	v15 =	vld.idx.msk [tilespmem:v15+s11+$0x0], $0xffff;
	[tilespmem:s23+$0xFFFFFE90] =	vst v12  }
0xbf: {  	v11 =	vld.idx.msk [tilespmem:v11+s11+$0x0], $0xffff;
	v12 =	vor.u32 $0xB, v3;
	[tilespmem:s22+$0xFFFFFF20] =	vst v13  }
0xc0: {  	v13 =	vor.u32 $0x2, v4;
	v14 =	vld.idx.msk [tilespmem:v14+s11+$0x0], $0xffff;
	[tilespmem:s24+$0x1C0] =	vst v9  }
0xc1: {  	v21 =	vor.u32 $0x2, v6;
	v16 =	vld.idx.msk [tilespmem:v16+s11+$0x0], $0xffff;
	[tilespmem:s22+$0x130] =	vst v17  }
0xc2: {  	v9 =	vor.u32 $0xB, v2;
	[tilespmem:s25+$0xFFFFFE10] =	vst v20;
	v17 =	vld.idx.msk [tilespmem:v19+s11+$0x0], $0xffff  }
0xc3: {  	[tilespmem:s23+$0xA0] =	vst v10;
	v10 =	vor.u32 $0x14, v1;
	v18 =	vld.idx.msk [tilespmem:v18+s11+$0x0], $0xffff  }
0xc4: {  	[tilespmem:s25+$0x10] =	vst v11;
	v11 =	vld.idx.msk [tilespmem:v12+s11+$0x0], $0xffff;
	v12 =	vor.u32 $0x1E, v7  }
0xc5: {  	v20 =	vor.u32 $0x15, v5;
	v13 =	vld.idx.msk [tilespmem:v13+s11+$0x0], $0xffff;
	[tilespmem:s23+$0xFFFFFEA0] =	vst v14  }
0xc6: {  	v19 =	vld.idx.msk [tilespmem:v21+s11+$0x0], $0xffff;
	v14 =	vor.u32 $0xC, v3;
	[tilespmem:s22+$0xFFFFFF30] =	vst v16  }
0xc7: {  	v21 =	vor.u32 $0x3, v6;
	v9 =	vld.idx.msk [tilespmem:v9+s11+$0x0], $0xffff;
	[tilespmem:s24+$0x1D0] =	vst v17  }
0xc8: {  	v16 =	vor.u32 $0x3, v4;
	v10 =	vld.idx.msk [tilespmem:v10+s11+$0x0], $0xffff;
	[tilespmem:s22+$0x140] =	vst v18  }
0xc9: {  	v17 =	vor.u32 $0xC, v2;
	v12 =	vld.idx.msk [tilespmem:v12+s11+$0x0], $0xffff;
	[tilespmem:s23+$0xB0] =	vst v11  }
0xca: {  	v11 =	vor.u32 $0x15, v1;
	v18 =	vld.idx.msk [tilespmem:v20+s11+$0x0], $0xffff;
	[tilespmem:s25+$0xFFFFFE20] =	vst v13  }
0xcb: {  	v7 =	vor.u32 $0x1F, v7;
	[tilespmem:s25+$0x20] =	vst v19;
	v14 =	vld.idx.msk [tilespmem:v14+s11+$0x0], $0xffff  }
0xcc: {  	v19 =	vor.u32 $0x16, v5;
	v13 =	vld.idx.msk [tilespmem:v21+s11+$0x0], $0xffff;
	[tilespmem:s23+$0xFFFFFEB0] =	vst v9  }
0xcd: {  	v16 =	vld.idx.msk [tilespmem:v16+s11+$0x0], $0xffff;
	v9 =	vor.u32 $0xD, v3;
	[tilespmem:s22+$0xFFFFFF40] =	vst v10  }
0xce: {  	v20 =	vor.u32 $0x4, v6;
	v17 =	vld.idx.msk [tilespmem:v17+s11+$0x0], $0xffff;
	[tilespmem:s24+$0x1E0] =	vst v12  }
0xcf: {  	s26 =	simm.s32 $0x8;
	v10 =	vor.u32 $0x4, v4;
	v11 =	vld.idx.msk [tilespmem:v11+s11+$0x0], $0xffff;
	[tilespmem:s22+$0x150] =	vst v18  }
0xd0: {  	v21 =	vor.u32 $0xD, v2;
	v12 =	vmov s26;
	v18 =	vld.idx.msk [tilespmem:v7+s11+$0x0], $0xffff;
	[tilespmem:s23+$0xC0] =	vst v14  }
0xd1: {  	v7 =	vshll.u32 v12, $0x5;
	v12 =	vor.u32 $0x16, v1;
	v14 =	vld.idx.msk [tilespmem:v19+s11+$0x0], $0xffff;
	[tilespmem:s25+$0x30] =	vst v13  }
0xd2: {  	v19 =	vor.u32 $0x17, v5;
	v13 =	vld.idx.msk [tilespmem:v9+s11+$0x0], $0xffff;
	[tilespmem:s25+$0xFFFFFE30] =	vst v16  }
0xd3: {  	v16 =	vld.idx.msk [tilespmem:v20+s11+$0x0], $0xffff;
	[tilespmem:s23+$0xFFFFFEC0] =	vst v17;
	v17 =	vor.u32 $0xE, v3  }
0xd4: {  	v20 =	vor.u32 $0x5, v6;
	v10 =	vld.idx.msk [tilespmem:v10+s11+$0x0], $0xffff;
	[tilespmem:s22+$0xFFFFFF50] =	vst v11  }
0xd5: {  	v21 =	vld.idx.msk [tilespmem:v21+s11+$0x0], $0xffff;
	v11 =	vor.u32 $0x5, v4;
	[tilespmem:s24+$0x1F0] =	vst v18  }
0xd6: {  	v12 =	vld.idx.msk [tilespmem:v12+s11+$0x0], $0xffff;
	v18 =	vor.u32 $0xE, v2;
	[tilespmem:s22+$0x160] =	vst v14  }
0xd7: {  	v14 =	vld.idx.msk [tilespmem:v19+s11+$0x0], $0xffff;
	[tilespmem:s23+$0xD0] =	vst v13;
	v13 =	vor.u32 $0x17, v1  }
0xd8: {  	[tilespmem:s25+$0x40] =	vst v16;
	v16 =	vld.idx.msk [tilespmem:v17+s11+$0x0], $0xffff;
	v17 =	vor.u32 $0x1C, v8  }
0xd9: {  	v19 =	vor.u32 $0x18, v5;
	[tilespmem:s25+$0xFFFFFE40] =	vst v10;
	v10 =	vld.idx.msk [tilespmem:v20+s11+$0x0], $0xffff  }
0xda: {  	v20 =	vor.u32 $0xF, v3;
	v11 =	vld.idx.msk [tilespmem:v11+s11+$0x0], $0xffff;
	[tilespmem:s23+$0xFFFFFED0] =	vst v21  }
0xdb: {  	v21 =	vor.u32 $0x6, v6;
	v18 =	vld.idx.msk [tilespmem:v18+s11+$0x0], $0xffff;
	[tilespmem:s22+$0xFFFFFF60] =	vst v12  }
0xdc: {  	[tilespmem:s24+$0xFFFFFFB0] =	vst v15;
	v12 =	vor.u32 $0x6, v4;
	v13 =	vld.idx.msk [tilespmem:v13+s11+$0x0], $0xffff  }
0xdd: {  	v15 =	vor.u32 $0xF, v2;
	[tilespmem:s22+$0x170] =	vst v14;
	v14 =	vld.idx.msk [tilespmem:v17+s11+$0x0], $0xffff  }
0xde: {  	[tilespmem:s23+$0xE0] =	vst v16;
	v16 =	vor.u32 $0x18, v1;
	v17 =	vld.idx.msk [tilespmem:v19+s11+$0x0], $0xffff  }
0xdf: {  	[tilespmem:s25+$0x50] =	vst v10;
	v19 =	vor.u32 $0x1D, v8;
	v10 =	vld.idx.msk [tilespmem:v20+s11+$0x0], $0xffff  }
0xe0: {  	[tilespmem:s25+$0xFFFFFE50] =	vst v11;
	v11 =	vld.idx.msk [tilespmem:v21+s11+$0x0], $0xffff;
	v20 =	vor.u32 $0x19, v5  }
0xe1: {  	v12 =	vld.idx.msk [tilespmem:v12+s11+$0x0], $0xffff;
	[tilespmem:s23+$0xFFFFFEE0] =	vst v18;
	v18 =	vor.u32 $0x10, v3  }
0xe2: {  	v21 =	vor.u32 $0x7, v6;
	v15 =	vld.idx.msk [tilespmem:v15+s11+$0x0], $0xffff;
	[tilespmem:s22+$0xFFFFFF70] =	vst v13  }
0xe3: {  	v13 =	vor.u32 $0x7, v4;
	v16 =	vld.idx.msk [tilespmem:v16+s11+$0x0], $0xffff;
	[tilespmem:s24+$0xFFFFFFC0] =	vst v14  }
0xe4: {  	v7 =	vadd.s32 v0, v7;
	[tilespmem:s22+$0x180] =	vst v17;
	v19 =	vld.idx.msk [tilespmem:v19+s11+$0x0], $0xffff  }
0xe5: {  	v14 =	vor.u32 $0x10, v2;
	[tilespmem:s23+$0xF0] =	vst v10;
	v20 =	vld.idx.msk [tilespmem:v20+s11+$0x0], $0xffff  }
0xe6: {  	v10 =	vor.u32 $0x19, v1;
	[tilespmem:s25+$0x60] =	vst v11;
	v11 =	vld.idx.msk [tilespmem:v18+s11+$0x0], $0xffff  }
0xe7: {  	v22 =	vor.u32 $0x1E, v8;
	[tilespmem:s25+$0xFFFFFE60] =	vst v12;
	v12 =	vld.idx.msk [tilespmem:v21+s11+$0x0], $0xffff  }
0xe8: {  	[tilespmem:s23+$0xFFFFFEF0] =	vst v15;
	v23 =	vld.idx.msk [tilespmem:v13+s11+$0x0], $0xffff;
	v13 =	vor.u32 $0x11, v3  }
0xe9: {  	v9 =	vld.idx.msk [tilespmem:v7+s11+$0x0], $0xffff;
	v21 =	vor.u32 $0x1A, v5;
	[tilespmem:s22+$0xFFFFFF80] =	vst v16  }
0xea: {  	v24 =	vor.u32 $0x8, v6;
	v18 =	vld.idx.msk [tilespmem:v14+s11+$0x0], $0xffff;
	[tilespmem:s24+$0xFFFFFFD0] =	vst v19  }
0xeb: {  	v17 =	vld.idx.msk [tilespmem:v10+s11+$0x0], $0xffff;
	[tilespmem:s22+$0x190] =	vst v20;
	v19 =	vor.u32 $0x8, v4  }
0xec: {  	v16 =	vor.u32 $0x11, v2;
	v14 =	vld.idx.msk [tilespmem:v22+s11+$0x0], $0xffff;
	[tilespmem:s23+$0x100] =	vst v11  }
0xed: {  	[tilespmem:s25+$0x70] =	vst v12;
	v12 =	vld.idx.msk [tilespmem:v13+s11+$0x0], $0xffff;
	v13 =	vor.u32 $0x1A, v1  }
0xee: {  	v15 =	vld.idx.msk [tilespmem:v21+s11+$0x0], $0xffff;
	v11 =	vor.u32 $0x1F, v8  }
0xef: {  	s28 =	simm.s32 $0x9;
	s26 =	simm.s32 $0xA;
	v10 =	vor.u32 $0x1B, v5;
	v20 =	vld.idx.msk [tilespmem:v24+s11+$0x0], $0xffff;
	[tilespmem:s25+$0xFFFFFE70] =	vst v23  }
.LBB2_3:
0xf0: {  	p0 =	slt.u32 s26, $0x30;
	v8 =	vmov s28;
	v19 =	vld.idx.msk [tilespmem:v19+s11+$0x0], $0xffff;
	[tilespmem:s23+$0xFFFFFF00] =	vst v18;
	v18 =	vor.u32 $0x12, v3  }
0xf1: {  	v21 =	vor.u32 $0x9, v6;
	v8 =	vshll.u32 v8, $0x5;
	v16 =	vld.idx.msk [tilespmem:v16+s11+$0x0], $0xffff;
	[tilespmem:s22+$0xFFFFFF90] =	vst v17  }
0xf2: {  	v17 =	vadd.s32 v0, v8;
	v8 =	vld.idx.msk [tilespmem:v13+s11+$0x0], $0xffff;
	[tilespmem:s24+$0xFFFFFFE0] =	vst v14  }
0xf3: {  	v13 =	vor.u32 $0x9, v4;
	[tilespmem:s22+$0x1A0] =	vst v15;
	v11 =	vld.idx.msk [tilespmem:v11+s11+$0x0], $0xffff  }
0xf4: {  	v14 =	vor.u32 $0x12, v2;
	[tilespmem:s23+$0x110] =	vst v12;
	v10 =	vld.idx.msk [tilespmem:v10+s11+$0x0], $0xffff  }
0xf5: {  	v15 =	vor.u32 $0x1B, v1;
	[tilespmem:s25+$0x80] =	vst v20;
	v12 =	vld.idx.msk [tilespmem:v18+s11+$0x0], $0xffff  }
0xf6: {  	[tilespmem:s25+$0xFFFFFE80] =	vst v19;
	v18 =	vld.idx.msk [tilespmem:v21+s11+$0x0], $0xffff;
	v19 =	vor.u32 $0x1C, v5  }
0xf7: {  	v20 =	vld.idx.msk [tilespmem:v17+s11+$0x0], $0xffff;
	[tilespmem:s23+$0xFFFFFF10] =	vst v16;
	v16 =	vor.u32 $0x13, v3  }
0xf8: {  	v21 =	vor.u32 $0xA, v6;
	v13 =	vld.idx.msk [tilespmem:v13+s11+$0x0], $0xffff;
	[tilespmem:s22+$0xFFFFFFA0] =	vst v8  }
0xf9: {  	v22 =	vor.u32 $0x1, v17;
	v14 =	vld.idx.msk [tilespmem:v14+s11+$0x0], $0xffff;
	[tilespmem:s24+$0xFFFFFFF0] =	vst v11;
	s24 =	smov.u32 s22;
	s22 =	smov.u32 s23;
	s23 =	smov.u32 s25  }
0xfa: {  	v11 =	vor.u32 $0x1, v7;
	v8 =	vld.idx.msk [tilespmem:v15+s11+$0x0], $0xffff;
	[tilespmem:s24+$0x1B0] =	vst v10  }
0xfb: {  	v10 =	vor.u32 $0xA, v4;
	[tilespmem:s22+$0x120] =	vst v12;
	v12 =	vld.idx.msk [tilespmem:v19+s11+$0x0], $0xffff  }
0xfc: {  	s25 =	sadd.s32 $0x400, s25;
	v15 =	vor.u32 $0x13, v2;
	[tilespmem:s23+$0x90] =	vst v18;
	v16 =	vld.idx.msk [tilespmem:v16+s11+$0x0], $0xffff  }
0xfd: {  	v19 =	vor.u32 $0x1D, v5;
	[tilespmem:s25+$0x0] =	vst v20;
	v18 =	vld.idx.msk [tilespmem:v21+s11+$0x0], $0xffff  }
0xfe: {  	v20 =	vor.u32 $0x14, v3;
	[tilespmem:s25+$0xFFFFFE00] =	vst v9;
	v9 =	vld.idx.msk [tilespmem:v22+s11+$0x0], $0xffff  }
0xff: {  	v11 =	vld.idx.msk [tilespmem:v11+s11+$0x0], $0xffff;
	[tilespmem:s23+$0xFFFFFE90] =	vst v13;
	v13 =	vor.u32 $0xB, v6  }
0x100: {  	v21 =	vor.u32 $0x2, v17;
	v10 =	vld.idx.msk [tilespmem:v10+s11+$0x0], $0xffff;
	[tilespmem:s22+$0xFFFFFF20] =	vst v14  }
0x101: {  	v14 =	vor.u32 $0x2, v7;
	v15 =	vld.idx.msk [tilespmem:v15+s11+$0x0], $0xffff;
	[tilespmem:s24+$0x1C0] =	vst v12  }
0x102: {  	v12 =	vor.u32 $0xB, v4;
	[tilespmem:s22+$0x130] =	vst v16;
	v16 =	vld.idx.msk [tilespmem:v19+s11+$0x0], $0xffff  }
0x103: {  	[tilespmem:s23+$0xA0] =	vst v18;
	v18 =	vor.u32 $0x14, v2;
	v19 =	vld.idx.msk [tilespmem:v20+s11+$0x0], $0xffff  }
0x104: {  	[tilespmem:s25+$0x10] =	vst v9;
	v9 =	vld.idx.msk [tilespmem:v13+s11+$0x0], $0xffff;
	v13 =	vor.u32 $0x1E, v5  }
0x105: {  	v20 =	vor.u32 $0x15, v3;
	[tilespmem:s25+$0xFFFFFE10] =	vst v11;
	v11 =	vld.idx.msk [tilespmem:v21+s11+$0x0], $0xffff  }
0x106: {  	v14 =	vld.idx.msk [tilespmem:v14+s11+$0x0], $0xffff;
	[tilespmem:s23+$0xFFFFFEA0] =	vst v10;
	v10 =	vor.u32 $0xC, v6  }
0x107: {  	v21 =	vor.u32 $0x3, v17;
	v12 =	vld.idx.msk [tilespmem:v12+s11+$0x0], $0xffff;
	[tilespmem:s22+$0xFFFFFF30] =	vst v15  }
0x108: {  	v15 =	vor.u32 $0x3, v7;
	v18 =	vld.idx.msk [tilespmem:v18+s11+$0x0], $0xffff;
	[tilespmem:s24+$0x1D0] =	vst v16  }
0x109: {  	v16 =	vor.u32 $0xC, v4;
	[tilespmem:s22+$0x140] =	vst v19;
	v13 =	vld.idx.msk [tilespmem:v13+s11+$0x0], $0xffff  }
0x10a: {  	[tilespmem:s23+$0xB0] =	vst v9;
	v9 =	vor.u32 $0x15, v2;
	v19 =	vld.idx.msk [tilespmem:v20+s11+$0x0], $0xffff  }
0x10b: {  	[tilespmem:s25+$0x20] =	vst v11;
	v10 =	vld.idx.msk [tilespmem:v10+s11+$0x0], $0xffff;
	v11 =	vor.u32 $0x1F, v5;
	v5 =	vmovc v3;
	v3 =	vmov v6;
	v6 =	vmov v17  }
0x10c: {  	[tilespmem:s25+$0xFFFFFE20] =	vst v14;
	v14 =	vld.idx.msk [tilespmem:v21+s11+$0x0], $0xffff;
	v17 =	vor.u32 $0x16, v5  }
0x10d: {  	v15 =	vld.idx.msk [tilespmem:v15+s11+$0x0], $0xffff;
	[tilespmem:s23+$0xFFFFFEB0] =	vst v12;
	v12 =	vor.u32 $0xD, v3  }
0x10e: {  	v20 =	vor.u32 $0x4, v6;
	v16 =	vld.idx.msk [tilespmem:v16+s11+$0x0], $0xffff;
	[tilespmem:s22+$0xFFFFFF40] =	vst v18  }
0x10f: {  	v18 =	vor.u32 $0x4, v7;
	v9 =	vld.idx.msk [tilespmem:v9+s11+$0x0], $0xffff;
	[tilespmem:s24+$0x1E0] =	vst v13  }
0x110: {  	v21 =	vor.u32 $0xD, v4;
	v13 =	vmov s26;
	[tilespmem:s22+$0x150] =	vst v19;
	v11 =	vld.idx.msk [tilespmem:v11+s11+$0x0], $0xffff  }
0x111: {  	v13 =	vshll.u32 v13, $0x5;
	[tilespmem:s23+$0xC0] =	vst v10;
	v10 =	vor.u32 $0x16, v2;
	v17 =	vld.idx.msk [tilespmem:v17+s11+$0x0], $0xffff  }
0x112: {  	v22 =	vadd.s32 v0, v13;
	[tilespmem:s25+$0x30] =	vst v14;
	v12 =	vld.idx.msk [tilespmem:v12+s11+$0x0], $0xffff  }
0x113: {  	v14 =	vor.u32 $0x17, v5;
	[tilespmem:s25+$0xFFFFFE30] =	vst v15;
	v13 =	vld.idx.msk [tilespmem:v20+s11+$0x0], $0xffff  }
0x114: {  	v15 =	vld.idx.msk [tilespmem:v18+s11+$0x0], $0xffff;
	[tilespmem:s23+$0xFFFFFEC0] =	vst v16;
	v16 =	vor.u32 $0xE, v3  }
0x115: {  	v18 =	vor.u32 $0x5, v6;
	v19 =	vld.idx.msk [tilespmem:v21+s11+$0x0], $0xffff;
	[tilespmem:s22+$0xFFFFFF50] =	vst v9  }
0x116: {  	v20 =	vor.u32 $0x5, v7;
	v10 =	vld.idx.msk [tilespmem:v10+s11+$0x0], $0xffff;
	[tilespmem:s24+$0x1F0] =	vst v11  }
0x117: {  	v11 =	vor.u32 $0xE, v4;
	v9 =	vld.idx.msk [tilespmem:v22+s11+$0x0], $0xffff;
	[tilespmem:s22+$0x160] =	vst v17  }
0x118: {  	[tilespmem:s23+$0xD0] =	vst v12;
	v12 =	vor.u32 $0x17, v2;
	v14 =	vld.idx.msk [tilespmem:v14+s11+$0x0], $0xffff  }
0x119: {  	[tilespmem:s25+$0x40] =	vst v13;
	v13 =	vld.idx.msk [tilespmem:v16+s11+$0x0], $0xffff;
	v16 =	vor.u32 $0x1C, v1  }
0x11a: {  	v17 =	vor.u32 $0x18, v5;
	[tilespmem:s25+$0xFFFFFE40] =	vst v15;
	v15 =	vld.idx.msk [tilespmem:v18+s11+$0x0], $0xffff  }
0x11b: {  	v18 =	vld.idx.msk [tilespmem:v20+s11+$0x0], $0xffff;
	[tilespmem:s23+$0xFFFFFED0] =	vst v19;
	v19 =	vor.u32 $0xF, v3  }
0x11c: {  	v20 =	vor.u32 $0x6, v6;
	v11 =	vld.idx.msk [tilespmem:v11+s11+$0x0], $0xffff;
	[tilespmem:s22+$0xFFFFFF60] =	vst v10  }
0x11d: {  	v10 =	vor.u32 $0x6, v7;
	v12 =	vld.idx.msk [tilespmem:v12+s11+$0x0], $0xffff;
	[tilespmem:s24+$0xFFFFFFB0] =	vst v8  }
0x11e: {  	v8 =	vor.u32 $0xF, v4;
	[tilespmem:s22+$0x170] =	vst v14;
	v14 =	vld.idx.msk [tilespmem:v16+s11+$0x0], $0xffff  }
0x11f: {  	[tilespmem:s23+$0xE0] =	vst v13;
	v13 =	vor.u32 $0x18, v2;
	v16 =	vld.idx.msk [tilespmem:v17+s11+$0x0], $0xffff  }
0x120: {  	v17 =	vor.u32 $0x1D, v1;
	[tilespmem:s25+$0x50] =	vst v15;
	v15 =	vld.idx.msk [tilespmem:v19+s11+$0x0], $0xffff  }
0x121: {  	v19 =	vor.u32 $0x19, v5;
	[tilespmem:s25+$0xFFFFFE50] =	vst v18;
	v18 =	vld.idx.msk [tilespmem:v20+s11+$0x0], $0xffff  }
0x122: {  	v10 =	vld.idx.msk [tilespmem:v10+s11+$0x0], $0xffff;
	[tilespmem:s23+$0xFFFFFEE0] =	vst v11;
	v11 =	vor.u32 $0x10, v3  }
0x123: {  	v20 =	vor.u32 $0x7, v6;
	v8 =	vld.idx.msk [tilespmem:v8+s11+$0x0], $0xffff;
	[tilespmem:s22+$0xFFFFFF70] =	vst v12  }
0x124: {  	v12 =	vor.u32 $0x7, v7;
	v13 =	vld.idx.msk [tilespmem:v13+s11+$0x0], $0xffff;
	[tilespmem:s24+$0xFFFFFFC0] =	vst v14  }
0x125: {  	v14 =	vor.u32 $0x10, v4;
	[tilespmem:s22+$0x180] =	vst v16;
	v16 =	vld.idx.msk [tilespmem:v17+s11+$0x0], $0xffff  }
0x126: {  	[tilespmem:s23+$0xF0] =	vst v15;
	v15 =	vor.u32 $0x19, v2;
	v21 =	vld.idx.msk [tilespmem:v19+s11+$0x0], $0xffff  }
0x127: {  	v23 =	vor.u32 $0x1E, v1;
	[tilespmem:s25+$0x60] =	vst v18;
	v11 =	vld.idx.msk [tilespmem:v11+s11+$0x0], $0xffff  }
0x128: {  	[tilespmem:s25+$0xFFFFFE60] =	vst v10;
	v10 =	vld.idx.msk [tilespmem:v20+s11+$0x0], $0xffff;
	v20 =	vor.u32 $0x1A, v5  }
0x129: {  	v24 =	vld.idx.msk [tilespmem:v12+s11+$0x0], $0xffff;
	[tilespmem:s23+$0xFFFFFEF0] =	vst v8;
	v8 =	vor.u32 $0x11, v3  }
0x12a: {  	v25 =	vor.u32 $0x8, v6;
	v18 =	vld.idx.msk [tilespmem:v14+s11+$0x0], $0xffff;
	[tilespmem:s22+$0xFFFFFF80] =	vst v13  }
.Ltmp0:
0x12b: {  	v19 =	vor.u32 $0x8, v7;
	v17 =	vld.idx.msk [tilespmem:v15+s11+$0x0], $0xffff;
	[tilespmem:s24+$0xFFFFFFD0] =	vst v16;
	(pc) =	sbr.rel @p0 .LBB2_3-.Ltmp0, $4  }
0x12c: {  	v16 =	vor.u32 $0x11, v4;
	[tilespmem:s22+$0x190] =	vst v21;
	v14 =	vld.idx.msk [tilespmem:v23+s11+$0x0], $0xffff  }
0x12d: {  	v13 =	vor.u32 $0x1A, v2;
	[tilespmem:s23+$0x100] =	vst v11;
	v15 =	vld.idx.msk [tilespmem:v20+s11+$0x0], $0xffff  }
0x12e: {  	v11 =	vor.u32 $0x1F, v1;
	v1 =	vmovc v2;
	v2 =	vmovc v4;
	v4 =	vmov v7;
	v7 =	vmov v22;
	[tilespmem:s25+$0x70] =	vst v10;
	v12 =	vld.idx.msk [tilespmem:v8+s11+$0x0], $0xffff  }
0x12f: {  	s28 =	sadd.s32 $0x1, s26;
	s26 =	sadd.s32 $0x2, s26;
	v10 =	vor.u32 $0x1B, v5;
	[tilespmem:s25+$0xFFFFFE70] =	vst v24;
	v20 =	vld.idx.msk [tilespmem:v25+s11+$0x0], $0xffff  }
0x130: {  	v8 =	vmov s28  }
0x131: {  	v8 =	vshll.u32 v8, $0x5  }
0x132: {  	v8 =	vadd.s32 v0, v8;
	_ =	sdelay $0x3  }
0x133: {  	v23 =	vor.u32 $0x1, v7  }
0x134: {  	v21 =	vld.idx.msk [tilespmem:v8+s11+$0x0], $0xffff  }
0x135: {  	v22 =	vor.u32 $0x1, v8  }
0x136: {  	s26 =	sadd.s32 $0x400, s25  }
0x137: {  	[tilespmem:s26+$0xFFFFFE00] =	vst v9  }
0x138: {  	v26 =	vld.idx.msk [tilespmem:v23+s11+$0x0], $0xffff  }
0x139: {  	v28 =	vor.u32 $0x2, v7;
	[tilespmem:s26+$0x0] =	vst v21  }
0x13a: {  	v25 =	vld.idx.msk [tilespmem:v22+s11+$0x0], $0xffff  }
0x13b: {  	v27 =	vor.u32 $0x2, v8;
	_ =	sdelay $0x1  }
0x13c: {  	[tilespmem:s26+$0xFFFFFE10] =	vst v26  }
0x13d: {  	v21 =	vld.idx.msk [tilespmem:v28+s11+$0x0], $0xffff  }
0x13e: {  	v30 =	vor.u32 $0x3, v7;
	[tilespmem:s26+$0x10] =	vst v25  }
0x13f: {  	v9 =	vld.idx.msk [tilespmem:v27+s11+$0x0], $0xffff  }
0x140: {  	v29 =	vor.u32 $0x3, v8;
	_ =	sdelay $0x1  }
0x141: {  	[tilespmem:s26+$0xFFFFFE20] =	vst v21  }
0x142: {  	v21 =	vld.idx.msk [tilespmem:v30+s11+$0x0], $0xffff  }
0x143: {  	v32 =	vor.u32 $0x4, v7;
	[tilespmem:s26+$0x20] =	vst v9  }
0x144: {  	v9 =	vld.idx.msk [tilespmem:v29+s11+$0x0], $0xffff  }
0x145: {  	v31 =	vor.u32 $0x4, v8;
	_ =	sdelay $0x1  }
0x146: {  	[tilespmem:s26+$0xFFFFFE30] =	vst v21  }
0x147: {  	v21 =	vld.idx.msk [tilespmem:v32+s11+$0x0], $0xffff  }
0x148: {  	v34 =	vor.u32 $0x5, v7;
	[tilespmem:s26+$0x30] =	vst v9  }
0x149: {  	v9 =	vld.idx.msk [tilespmem:v31+s11+$0x0], $0xffff  }
0x14a: {  	v33 =	vor.u32 $0x5, v8;
	_ =	sdelay $0x1  }
0x14b: {  	[tilespmem:s26+$0xFFFFFE40] =	vst v21  }
0x14c: {  	v21 =	vld.idx.msk [tilespmem:v34+s11+$0x0], $0xffff  }
0x14d: {  	v36 =	vor.u32 $0x6, v7;
	[tilespmem:s26+$0x40] =	vst v9  }
0x14e: {  	v9 =	vld.idx.msk [tilespmem:v33+s11+$0x0], $0xffff  }
0x14f: {  	v35 =	vor.u32 $0x6, v8;
	_ =	sdelay $0x1  }
0x150: {  	[tilespmem:s26+$0xFFFFFE50] =	vst v21  }
0x151: {  	v21 =	vld.idx.msk [tilespmem:v36+s11+$0x0], $0xffff  }
0x152: {  	v38 =	vor.u32 $0x7, v7;
	[tilespmem:s26+$0x50] =	vst v9  }
0x153: {  	v9 =	vld.idx.msk [tilespmem:v35+s11+$0x0], $0xffff  }
0x154: {  	v37 =	vor.u32 $0x7, v8;
	_ =	sdelay $0x1  }
0x155: {  	[tilespmem:s26+$0xFFFFFE60] =	vst v21  }
0x156: {  	v21 =	vld.idx.msk [tilespmem:v38+s11+$0x0], $0xffff  }
0x157: {  	v40 =	vor.u32 $0x8, v7;
	[tilespmem:s26+$0x60] =	vst v9  }
0x158: {  	v9 =	vld.idx.msk [tilespmem:v37+s11+$0x0], $0xffff  }
0x159: {  	v39 =	vor.u32 $0x8, v8;
	_ =	sdelay $0x1  }
0x15a: {  	[tilespmem:s26+$0xFFFFFE70] =	vst v21  }
0x15b: {  	v24 =	vor.u32 $0x9, v6;
	v43 =	vld.idx.msk [tilespmem:v40+s11+$0x0], $0xffff  }
0x15c: {  	v19 =	vld.idx.msk [tilespmem:v19+s11+$0x0], $0xffff;
	v25 =	vor.u32 $0x9, v7;
	[tilespmem:s26+$0x70] =	vst v9  }
0x15d: {  	v41 =	vor.u32 $0x9, v4;
	v42 =	vld.idx.msk [tilespmem:v39+s11+$0x0], $0xffff  }
0x15e: {  	[tilespmem:s23+$0xFFFFFF00] =	vst v18;
	v44 =	vor.u32 $0x9, v8  }
0x15f: {  	[tilespmem:s25+$0x80] =	vst v20  }
0x160: {  	v45 =	vld.idx.msk [tilespmem:v24+s11+$0x0], $0xffff;
	[tilespmem:s26+$0xFFFFFE80] =	vst v43  }
0x161: {  	v46 =	vor.u32 $0xA, v6;
	[tilespmem:s25+$0xFFFFFE80] =	vst v19;
	v49 =	vld.idx.msk [tilespmem:v25+s11+$0x0], $0xffff  }
0x162: {  	v51 =	vor.u32 $0xA, v7;
	v9 =	vld.idx.msk [tilespmem:v41+s11+$0x0], $0xffff;
	[tilespmem:s26+$0x80] =	vst v42  }
0x163: {  	v47 =	vor.u32 $0xA, v4;
	[tilespmem:s22+$0xFFFFFF90] =	vst v17;
	v48 =	vld.idx.msk [tilespmem:v44+s11+$0x0], $0xffff  }
0x164: {  	[tilespmem:s24+$0xFFFFFFE0] =	vst v14;
	v50 =	vor.u32 $0xA, v8  }
0x165: {  	[tilespmem:s25+$0x90] =	vst v45  }
0x166: {  	v52 =	vld.idx.msk [tilespmem:v46+s11+$0x0], $0xffff;
	[tilespmem:s26+$0xFFFFFE90] =	vst v49  }
0x167: {  	v53 =	vor.u32 $0xB, v6;
	[tilespmem:s25+$0xFFFFFE90] =	vst v9;
	v17 =	vld.idx.msk [tilespmem:v51+s11+$0x0], $0xffff  }
0x168: {  	v58 =	vor.u32 $0xB, v7;
	v54 =	vld.idx.msk [tilespmem:v47+s11+$0x0], $0xffff;
	[tilespmem:s26+$0x90] =	vst v48  }
0x169: {  	v55 =	vor.u32 $0xB, v4;
	[tilespmem:s22+$0x1A0] =	vst v15;
	v56 =	vld.idx.msk [tilespmem:v50+s11+$0x0], $0xffff  }
0x16a: {  	v16 =	vld.idx.msk [tilespmem:v16+s11+$0x0], $0xffff;
	v57 =	vor.u32 $0xB, v8;
	[tilespmem:s23+$0x110] =	vst v12  }
0x16b: {  	v13 =	vld.idx.msk [tilespmem:v13+s11+$0x0], $0xffff;
	[tilespmem:s25+$0xA0] =	vst v52  }
0x16c: {  	v9 =	vld.idx.msk [tilespmem:v53+s11+$0x0], $0xffff;
	[tilespmem:s26+$0xFFFFFEA0] =	vst v17  }
0x16d: {  	v59 =	vor.u32 $0xC, v6;
	[tilespmem:s25+$0xFFFFFEA0] =	vst v54;
	v15 =	vld.idx.msk [tilespmem:v58+s11+$0x0], $0xffff  }
0x16e: {  	v62 =	vor.u32 $0xC, v7;
	v18 =	vld.idx.msk [tilespmem:v55+s11+$0x0], $0xffff;
	[tilespmem:s26+$0xA0] =	vst v56  }
0x16f: {  	v60 =	vor.u32 $0xC, v4;
	[tilespmem:s23+$0xFFFFFF10] =	vst v16;
	v14 =	vld.idx.msk [tilespmem:v57+s11+$0x0], $0xffff  }
0x170: {  	v11 =	vld.idx.msk [tilespmem:v11+s11+$0x0], $0xffff;
	v61 =	vor.u32 $0xC, v8;
	[tilespmem:s22+$0xFFFFFFA0] =	vst v13  }
0x171: {  	v10 =	vld.idx.msk [tilespmem:v10+s11+$0x0], $0xffff;
	v27 =	vor.u32 $0x12, v2;
	[tilespmem:s25+$0xB0] =	vst v9  }
0x172: {  	v63 =	vor.u32 $0x12, v3;
	v21 =	vld.idx.msk [tilespmem:v59+s11+$0x0], $0xffff;
	[tilespmem:s26+$0xFFFFFEB0] =	vst v15  }
0x173: {  	v22 =	vor.u32 $0xD, v6;
	[tilespmem:s25+$0xFFFFFEB0] =	vst v18;
	v15 =	vld.idx.msk [tilespmem:v62+s11+$0x0], $0xffff  }
0x174: {  	v26 =	vor.u32 $0xD, v7;
	v23 =	vld.idx.msk [tilespmem:v60+s11+$0x0], $0xffff;
	[tilespmem:s26+$0xB0] =	vst v14  }
0x175: {  	v24 =	vor.u32 $0xD, v4;
	[tilespmem:s24+$0xFFFFFFF0] =	vst v11;
	v12 =	vld.idx.msk [tilespmem:v61+s11+$0x0], $0xffff  }
0x176: {  	[tilespmem:s22+$0x1B0] =	vst v10;
	v32 =	vld.idx.msk [tilespmem:v27+s11+$0x0], $0xffff;
	v25 =	vor.u32 $0xD, v8  }
0x177: {  	v28 =	vor.u32 $0x1C, v5;
	v9 =	vld.idx.msk [tilespmem:v63+s11+$0x0], $0xffff;
	[tilespmem:s25+$0xC0] =	vst v21  }
0x178: {  	v34 =	vor.u32 $0x13, v3;
	v18 =	vld.idx.msk [tilespmem:v22+s11+$0x0], $0xffff;
	[tilespmem:s26+$0xFFFFFEC0] =	vst v15  }
0x179: {  	v29 =	vor.u32 $0xE, v6;
	[tilespmem:s25+$0xFFFFFEC0] =	vst v23;
	v11 =	vld.idx.msk [tilespmem:v26+s11+$0x0], $0xffff  }
0x17a: {  	v33 =	vor.u32 $0xE, v7;
	v14 =	vld.idx.msk [tilespmem:v24+s11+$0x0], $0xffff;
	[tilespmem:s26+$0xC0] =	vst v12  }
0x17b: {  	v30 =	vor.u32 $0xE, v4;
	[tilespmem:s23+$0xFFFFFF20] =	vst v32;
	v13 =	vld.idx.msk [tilespmem:v25+s11+$0x0], $0xffff  }
0x17c: {  	v31 =	vor.u32 $0xE, v8;
	v17 =	vld.idx.msk [tilespmem:v28+s11+$0x0], $0xffff;
	[tilespmem:s23+$0x120] =	vst v9  }
0x17d: {  	v41 =	vor.u32 $0x1D, v5;
	v39 =	vld.idx.msk [tilespmem:v34+s11+$0x0], $0xffff;
	[tilespmem:s25+$0xD0] =	vst v18  }
0x17e: {  	v35 =	vor.u32 $0x13, v2;
	v19 =	vld.idx.msk [tilespmem:v29+s11+$0x0], $0xffff;
	[tilespmem:s26+$0xFFFFFED0] =	vst v11  }
0x17f: {  	v36 =	vor.u32 $0xF, v6;
	[tilespmem:s25+$0xFFFFFED0] =	vst v14;
	v9 =	vld.idx.msk [tilespmem:v33+s11+$0x0], $0xffff  }
0x180: {  	v40 =	vor.u32 $0xF, v7;
	v12 =	vld.idx.msk [tilespmem:v30+s11+$0x0], $0xffff;
	[tilespmem:s26+$0xD0] =	vst v13  }
0x181: {  	v37 =	vor.u32 $0xF, v4;
	[tilespmem:s22+$0x1C0] =	vst v17;
	v10 =	vld.idx.msk [tilespmem:v31+s11+$0x0], $0xffff  }
0x182: {  	v38 =	vor.u32 $0xF, v8;
	v47 =	vld.idx.msk [tilespmem:v41+s11+$0x0], $0xffff;
	[tilespmem:s23+$0x130] =	vst v39  }
0x183: {  	v42 =	vor.u32 $0x14, v3;
	v18 =	vld.idx.msk [tilespmem:v35+s11+$0x0], $0xffff;
	[tilespmem:s25+$0xE0] =	vst v19  }
0x184: {  	v49 =	vor.u32 $0x14, v2;
	v14 =	vld.idx.msk [tilespmem:v36+s11+$0x0], $0xffff;
	[tilespmem:s26+$0xFFFFFEE0] =	vst v9  }
0x185: {  	v43 =	vor.u32 $0x10, v6;
	[tilespmem:s25+$0xFFFFFEE0] =	vst v12;
	v46 =	vld.idx.msk [tilespmem:v40+s11+$0x0], $0xffff  }
0x186: {  	v48 =	vor.u32 $0x10, v7;
	v13 =	vld.idx.msk [tilespmem:v37+s11+$0x0], $0xffff;
	[tilespmem:s26+$0xE0] =	vst v10  }
0x187: {  	v44 =	vor.u32 $0x10, v4;
	[tilespmem:s22+$0x1D0] =	vst v47;
	v11 =	vld.idx.msk [tilespmem:v38+s11+$0x0], $0xffff  }
0x188: {  	v45 =	vor.u32 $0x10, v8;
	[tilespmem:s23+$0xFFFFFF30] =	vst v18;
	v19 =	vld.idx.msk [tilespmem:v42+s11+$0x0], $0xffff  }
0x189: {  	v50 =	vor.u32 $0x1E, v5;
	v55 =	vld.idx.msk [tilespmem:v49+s11+$0x0], $0xffff;
	[tilespmem:s25+$0xF0] =	vst v14  }
0x18a: {  	v57 =	vor.u32 $0x15, v3;
	v12 =	vld.idx.msk [tilespmem:v43+s11+$0x0], $0xffff;
	[tilespmem:s26+$0xFFFFFEF0] =	vst v46  }
0x18b: {  	v51 =	vor.u32 $0x11, v6;
	[tilespmem:s25+$0xFFFFFEF0] =	vst v13;
	v54 =	vld.idx.msk [tilespmem:v48+s11+$0x0], $0xffff  }
0x18c: {  	v56 =	vor.u32 $0x11, v7;
	v10 =	vld.idx.msk [tilespmem:v44+s11+$0x0], $0xffff;
	[tilespmem:s26+$0xF0] =	vst v11  }
0x18d: {  	v52 =	vor.u32 $0x11, v4;
	[tilespmem:s23+$0x140] =	vst v19;
	v9 =	vld.idx.msk [tilespmem:v45+s11+$0x0], $0xffff  }
0x18e: {  	v53 =	vor.u32 $0x11, v8;
	[tilespmem:s23+$0xFFFFFF40] =	vst v55;
	v14 =	vld.idx.msk [tilespmem:v50+s11+$0x0], $0xffff  }
0x18f: {  	v58 =	vor.u32 $0x15, v2;
	v63 =	vld.idx.msk [tilespmem:v57+s11+$0x0], $0xffff;
	[tilespmem:s25+$0x100] =	vst v12  }
0x190: {  	v22 =	vor.u32 $0x1F, v5;
	v13 =	vld.idx.msk [tilespmem:v51+s11+$0x0], $0xffff;
	[tilespmem:s26+$0xFFFFFF00] =	vst v54  }
0x191: {  	v59 =	vor.u32 $0x12, v6;
	[tilespmem:s25+$0xFFFFFF00] =	vst v10;
	v62 =	vld.idx.msk [tilespmem:v56+s11+$0x0], $0xffff  }
0x192: {  	v21 =	vor.u32 $0x12, v7;
	v11 =	vld.idx.msk [tilespmem:v52+s11+$0x0], $0xffff;
	[tilespmem:s26+$0x100] =	vst v9  }
0x193: {  	v60 =	vor.u32 $0x12, v4;
	[tilespmem:s22+$0x1E0] =	vst v14;
	v15 =	vld.idx.msk [tilespmem:v53+s11+$0x0], $0xffff  }
0x194: {  	v61 =	vor.u32 $0x12, v8;
	[tilespmem:s23+$0x150] =	vst v63;
	v12 =	vld.idx.msk [tilespmem:v58+s11+$0x0], $0xffff  }
0x195: {  	v23 =	vor.u32 $0x16, v3;
	v5 =	vld.idx.msk [tilespmem:v22+s11+$0x0], $0xffff;
	[tilespmem:s25+$0x110] =	vst v13  }
0x196: {  	v28 =	vor.u32 $0x16, v2;
	v10 =	vld.idx.msk [tilespmem:v59+s11+$0x0], $0xffff;
	[tilespmem:s26+$0xFFFFFF10] =	vst v62  }
0x197: {  	v24 =	vor.u32 $0x13, v6;
	[tilespmem:s25+$0xFFFFFF10] =	vst v11;
	v14 =	vld.idx.msk [tilespmem:v21+s11+$0x0], $0xffff  }
0x198: {  	v27 =	vor.u32 $0x13, v7;
	v9 =	vld.idx.msk [tilespmem:v60+s11+$0x0], $0xffff;
	[tilespmem:s26+$0x110] =	vst v15  }
0x199: {  	v25 =	vor.u32 $0x13, v4;
	[tilespmem:s23+$0xFFFFFF50] =	vst v12;
	v16 =	vld.idx.msk [tilespmem:v61+s11+$0x0], $0xffff  }
0x19a: {  	v26 =	vor.u32 $0x13, v8;
	[tilespmem:s22+$0x1F0] =	vst v5;
	v13 =	vld.idx.msk [tilespmem:v23+s11+$0x0], $0xffff  }
0x19b: {  	v29 =	vor.u32 $0x1B, v1;
	v33 =	vld.idx.msk [tilespmem:v28+s11+$0x0], $0xffff;
	[tilespmem:s25+$0x120] =	vst v10  }
0x19c: {  	v35 =	vor.u32 $0x17, v3;
	v11 =	vld.idx.msk [tilespmem:v24+s11+$0x0], $0xffff;
	[tilespmem:s26+$0xFFFFFF20] =	vst v14  }
0x19d: {  	v30 =	vor.u32 $0x14, v6;
	[tilespmem:s25+$0xFFFFFF20] =	vst v9;
	v12 =	vld.idx.msk [tilespmem:v27+s11+$0x0], $0xffff  }
0x19e: {  	v34 =	vor.u32 $0x14, v7;
	v15 =	vld.idx.msk [tilespmem:v25+s11+$0x0], $0xffff;
	[tilespmem:s26+$0x120] =	vst v16  }
0x19f: {  	v31 =	vor.u32 $0x14, v4;
	[tilespmem:s23+$0x160] =	vst v13;
	v17 =	vld.idx.msk [tilespmem:v26+s11+$0x0], $0xffff  }
0x1a0: {  	v32 =	vor.u32 $0x14, v8;
	[tilespmem:s23+$0xFFFFFF60] =	vst v33;
	v10 =	vld.idx.msk [tilespmem:v29+s11+$0x0], $0xffff  }
0x1a1: {  	v36 =	vor.u32 $0x17, v2;
	v40 =	vld.idx.msk [tilespmem:v35+s11+$0x0], $0xffff;
	[tilespmem:s25+$0x130] =	vst v11  }
0x1a2: {  	v42 =	vor.u32 $0x1C, v1;
	v9 =	vld.idx.msk [tilespmem:v30+s11+$0x0], $0xffff;
	[tilespmem:s26+$0xFFFFFF30] =	vst v12  }
0x1a3: {  	v37 =	vor.u32 $0x15, v6;
	[tilespmem:s25+$0xFFFFFF30] =	vst v15;
	v13 =	vld.idx.msk [tilespmem:v34+s11+$0x0], $0xffff  }
0x1a4: {  	v41 =	vor.u32 $0x15, v7;
	v16 =	vld.idx.msk [tilespmem:v31+s11+$0x0], $0xffff;
	[tilespmem:s26+$0x130] =	vst v17  }
0x1a5: {  	v38 =	vor.u32 $0x15, v4;
	[tilespmem:s22+$0xFFFFFFB0] =	vst v10;
	v5 =	vld.idx.msk [tilespmem:v32+s11+$0x0], $0xffff  }
0x1a6: {  	v39 =	vor.u32 $0x15, v8;
	[tilespmem:s23+$0x170] =	vst v40;
	v11 =	vld.idx.msk [tilespmem:v36+s11+$0x0], $0xffff  }
0x1a7: {  	v43 =	vor.u32 $0x18, v3;
	v47 =	vld.idx.msk [tilespmem:v42+s11+$0x0], $0xffff;
	[tilespmem:s25+$0x140] =	vst v9  }
0x1a8: {  	v49 =	vor.u32 $0x18, v2;
	v15 =	vld.idx.msk [tilespmem:v37+s11+$0x0], $0xffff;
	[tilespmem:s26+$0xFFFFFF40] =	vst v13  }
0x1a9: {  	v44 =	vor.u32 $0x16, v6;
	[tilespmem:s25+$0xFFFFFF40] =	vst v16;
	v10 =	vld.idx.msk [tilespmem:v41+s11+$0x0], $0xffff  }
0x1aa: {  	v48 =	vor.u32 $0x16, v7;
	v17 =	vld.idx.msk [tilespmem:v38+s11+$0x0], $0xffff;
	[tilespmem:s26+$0x140] =	vst v5  }
0x1ab: {  	v45 =	vor.u32 $0x16, v4;
	[tilespmem:s23+$0xFFFFFF70] =	vst v11;
	v12 =	vld.idx.msk [tilespmem:v39+s11+$0x0], $0xffff  }
0x1ac: {  	v46 =	vor.u32 $0x16, v8;
	[tilespmem:s22+$0xFFFFFFC0] =	vst v47;
	v9 =	vld.idx.msk [tilespmem:v43+s11+$0x0], $0xffff  }
0x1ad: {  	v50 =	vor.u32 $0x1D, v1;
	v54 =	vld.idx.msk [tilespmem:v49+s11+$0x0], $0xffff;
	[tilespmem:s25+$0x150] =	vst v15  }
0x1ae: {  	v56 =	vor.u32 $0x19, v3;
	v16 =	vld.idx.msk [tilespmem:v44+s11+$0x0], $0xffff;
	[tilespmem:s26+$0xFFFFFF50] =	vst v10  }
0x1af: {  	v51 =	vor.u32 $0x17, v6;
	[tilespmem:s25+$0xFFFFFF50] =	vst v17;
	v11 =	vld.idx.msk [tilespmem:v48+s11+$0x0], $0xffff  }
0x1b0: {  	v55 =	vor.u32 $0x17, v7;
	v5 =	vld.idx.msk [tilespmem:v45+s11+$0x0], $0xffff;
	[tilespmem:s26+$0x150] =	vst v12  }
0x1b1: {  	v52 =	vor.u32 $0x17, v4;
	[tilespmem:s23+$0x180] =	vst v9;
	v13 =	vld.idx.msk [tilespmem:v46+s11+$0x0], $0xffff  }
0x1b2: {  	v53 =	vor.u32 $0x17, v8;
	[tilespmem:s23+$0xFFFFFF80] =	vst v54;
	v15 =	vld.idx.msk [tilespmem:v50+s11+$0x0], $0xffff  }
0x1b3: {  	v57 =	vor.u32 $0x19, v2;
	v61 =	vld.idx.msk [tilespmem:v56+s11+$0x0], $0xffff;
	[tilespmem:s25+$0x160] =	vst v16  }
0x1b4: {  	v63 =	vor.u32 $0x1E, v1;
	v17 =	vld.idx.msk [tilespmem:v51+s11+$0x0], $0xffff;
	[tilespmem:s26+$0xFFFFFF60] =	vst v11  }
0x1b5: {  	v58 =	vor.u32 $0x18, v6;
	[tilespmem:s25+$0xFFFFFF60] =	vst v5;
	v9 =	vld.idx.msk [tilespmem:v55+s11+$0x0], $0xffff  }
0x1b6: {  	v62 =	vor.u32 $0x18, v7;
	v12 =	vld.idx.msk [tilespmem:v52+s11+$0x0], $0xffff;
	[tilespmem:s26+$0x160] =	vst v13  }
0x1b7: {  	v59 =	vor.u32 $0x18, v4;
	[tilespmem:s22+$0xFFFFFFD0] =	vst v15;
	v10 =	vld.idx.msk [tilespmem:v53+s11+$0x0], $0xffff  }
0x1b8: {  	v60 =	vor.u32 $0x18, v8;
	[tilespmem:s23+$0x190] =	vst v61;
	v16 =	vld.idx.msk [tilespmem:v57+s11+$0x0], $0xffff  }
0x1b9: {  	v21 =	vor.u32 $0x1A, v3;
	v26 =	vld.idx.msk [tilespmem:v63+s11+$0x0], $0xffff;
	[tilespmem:s25+$0x170] =	vst v17  }
0x1ba: {  	v1 =	vor.u32 $0x1F, v1;
	v5 =	vld.idx.msk [tilespmem:v58+s11+$0x0], $0xffff;
	[tilespmem:s26+$0xFFFFFF70] =	vst v9  }
0x1bb: {  	v22 =	vor.u32 $0x19, v6;
	[tilespmem:s25+$0xFFFFFF70] =	vst v12;
	v25 =	vld.idx.msk [tilespmem:v62+s11+$0x0], $0xffff  }
0x1bc: {  	v27 =	vor.u32 $0x19, v7;
	v13 =	vld.idx.msk [tilespmem:v59+s11+$0x0], $0xffff;
	[tilespmem:s26+$0x170] =	vst v10  }
0x1bd: {  	v23 =	vor.u32 $0x19, v4;
	[tilespmem:s23+$0xFFFFFF90] =	vst v16;
	v11 =	vld.idx.msk [tilespmem:v60+s11+$0x0], $0xffff  }
0x1be: {  	v24 =	vor.u32 $0x19, v8;
	[tilespmem:s22+$0xFFFFFFE0] =	vst v26;
	v17 =	vld.idx.msk [tilespmem:v21+s11+$0x0], $0xffff  }
0x1bf: {  	v28 =	vor.u32 $0x1A, v2;
	v1 =	vld.idx.msk [tilespmem:v1+s11+$0x0], $0xffff;
	[tilespmem:s25+$0x180] =	vst v5  }
0x1c0: {  	v34 =	vor.u32 $0x1B, v3;
	v5 =	vld.idx.msk [tilespmem:v22+s11+$0x0], $0xffff;
	[tilespmem:s26+$0xFFFFFF80] =	vst v25  }
0x1c1: {  	v29 =	vor.u32 $0x1A, v6;
	[tilespmem:s25+$0xFFFFFF80] =	vst v13;
	v14 =	vld.idx.msk [tilespmem:v27+s11+$0x0], $0xffff  }
0x1c2: {  	v33 =	vor.u32 $0x1A, v7;
	v10 =	vld.idx.msk [tilespmem:v23+s11+$0x0], $0xffff;
	[tilespmem:s26+$0x180] =	vst v11  }
0x1c3: {  	v30 =	vor.u32 $0x1A, v4;
	[tilespmem:s23+$0x1A0] =	vst v17;
	v9 =	vld.idx.msk [tilespmem:v24+s11+$0x0], $0xffff  }
0x1c4: {  	v31 =	vor.u32 $0x1A, v8;
	v32 =	vld.idx.msk [tilespmem:v28+s11+$0x0], $0xffff;
	[tilespmem:s22+$0xFFFFFFF0] =	vst v1  }
0x1c5: {  	v35 =	vor.u32 $0x1B, v2;
	v40 =	vld.idx.msk [tilespmem:v34+s11+$0x0], $0xffff;
	[tilespmem:s25+$0x190] =	vst v5  }
0x1c6: {  	v41 =	vor.u32 $0x1C, v3;
	v12 =	vld.idx.msk [tilespmem:v29+s11+$0x0], $0xffff;
	[tilespmem:s26+$0xFFFFFF90] =	vst v14  }
0x1c7: {  	v36 =	vor.u32 $0x1B, v6;
	[tilespmem:s25+$0xFFFFFF90] =	vst v10;
	v39 =	vld.idx.msk [tilespmem:v33+s11+$0x0], $0xffff  }
0x1c8: {  	v1 =	vor.u32 $0x1B, v7;
	v11 =	vld.idx.msk [tilespmem:v30+s11+$0x0], $0xffff;
	[tilespmem:s26+$0x190] =	vst v9  }
0x1c9: {  	v37 =	vor.u32 $0x1B, v4;
	[tilespmem:s23+$0xFFFFFFA0] =	vst v32;
	v13 =	vld.idx.msk [tilespmem:v31+s11+$0x0], $0xffff  }
0x1ca: {  	v38 =	vor.u32 $0x1B, v8;
	[tilespmem:s23+$0x1B0] =	vst v40;
	v5 =	vld.idx.msk [tilespmem:v35+s11+$0x0], $0xffff  }
0x1cb: {  	v42 =	vor.u32 $0x1C, v2;
	v16 =	vld.idx.msk [tilespmem:v41+s11+$0x0], $0xffff;
	[tilespmem:s25+$0x1A0] =	vst v12  }
0x1cc: {  	v47 =	vor.u32 $0x1D, v3;
	v10 =	vld.idx.msk [tilespmem:v36+s11+$0x0], $0xffff;
	[tilespmem:s26+$0xFFFFFFA0] =	vst v39  }
0x1cd: {  	v43 =	vor.u32 $0x1C, v6;
	[tilespmem:s25+$0xFFFFFFA0] =	vst v11;
	v1 =	vld.idx.msk [tilespmem:v1+s11+$0x0], $0xffff  }
0x1ce: {  	v46 =	vor.u32 $0x1C, v7;
	v9 =	vld.idx.msk [tilespmem:v37+s11+$0x0], $0xffff;
	[tilespmem:s26+$0x1A0] =	vst v13  }
0x1cf: {  	v44 =	vor.u32 $0x1C, v4;
	[tilespmem:s23+$0xFFFFFFB0] =	vst v5;
	v14 =	vld.idx.msk [tilespmem:v38+s11+$0x0], $0xffff  }
0x1d0: {  	v45 =	vor.u32 $0x1C, v8;
	[tilespmem:s23+$0x1C0] =	vst v16;
	v12 =	vld.idx.msk [tilespmem:v42+s11+$0x0], $0xffff  }
0x1d1: {  	v48 =	vor.u32 $0x1D, v2;
	v16 =	vld.idx.msk [tilespmem:v47+s11+$0x0], $0xffff;
	[tilespmem:s25+$0x1B0] =	vst v10  }
0x1d2: {  	v52 =	vor.u32 $0x1E, v3;
	v11 =	vld.idx.msk [tilespmem:v43+s11+$0x0], $0xffff;
	[tilespmem:s26+$0xFFFFFFB0] =	vst v1  }
0x1d3: {  	v49 =	vor.u32 $0x1D, v6;
	[tilespmem:s25+$0xFFFFFFB0] =	vst v9;
	v5 =	vld.idx.msk [tilespmem:v46+s11+$0x0], $0xffff  }
0x1d4: {  	v51 =	vor.u32 $0x1D, v7;
	v13 =	vld.idx.msk [tilespmem:v44+s11+$0x0], $0xffff;
	[tilespmem:s26+$0x1B0] =	vst v14  }
0x1d5: {  	v50 =	vor.u32 $0x1D, v4;
	[tilespmem:s23+$0xFFFFFFC0] =	vst v12;
	v15 =	vld.idx.msk [tilespmem:v45+s11+$0x0], $0xffff  }
0x1d6: {  	[tilespmem:s23+$0x1D0] =	vst v16;
	v10 =	vld.idx.msk [tilespmem:v48+s11+$0x0], $0xffff;
	v1 =	vor.u32 $0x1D, v8  }
0x1d7: {  	v53 =	vor.u32 $0x1E, v2;
	v16 =	vld.idx.msk [tilespmem:v52+s11+$0x0], $0xffff;
	[tilespmem:s25+$0x1C0] =	vst v11  }
0x1d8: {  	v3 =	vor.u32 $0x1F, v3;
	v9 =	vld.idx.msk [tilespmem:v49+s11+$0x0], $0xffff;
	[tilespmem:s26+$0xFFFFFFC0] =	vst v5  }
0x1d9: {  	v54 =	vor.u32 $0x1E, v6;
	[tilespmem:s25+$0xFFFFFFC0] =	vst v13;
	v12 =	vld.idx.msk [tilespmem:v51+s11+$0x0], $0xffff  }
0x1da: {  	v57 =	vor.u32 $0x1E, v7;
	v14 =	vld.idx.msk [tilespmem:v50+s11+$0x0], $0xffff;
	[tilespmem:s26+$0x1C0] =	vst v15  }
0x1db: {  	v55 =	vor.u32 $0x1E, v4;
	[tilespmem:s23+$0xFFFFFFD0] =	vst v10;
	v1 =	vld.idx.msk [tilespmem:v1+s11+$0x0], $0xffff  }
0x1dc: {  	v56 =	vor.u32 $0x1E, v8;
	[tilespmem:s23+$0x1E0] =	vst v16;
	v11 =	vld.idx.msk [tilespmem:v53+s11+$0x0], $0xffff  }
0x1dd: {  	v3 =	vld.idx.msk [tilespmem:v3+s11+$0x0], $0xffff;
	[tilespmem:s25+$0x1D0] =	vst v9  }
0x1de: {  	v2 =	vor.u32 $0x1F, v2;
	v9 =	vld.idx.msk [tilespmem:v54+s11+$0x0], $0xffff;
	[tilespmem:s26+$0xFFFFFFD0] =	vst v12  }
0x1df: {  	v58 =	vor.u32 $0x1F, v6;
	[tilespmem:s25+$0xFFFFFFD0] =	vst v14;
	v62 =	vld.idx.msk [tilespmem:v57+s11+$0x0], $0xffff  }
0x1e0: {  	v63 =	vor.u32 $0x1F, v7;
	v59 =	vld.idx.msk [tilespmem:v55+s11+$0x0], $0xffff;
	[tilespmem:s26+$0x1D0] =	vst v1  }
0x1e1: {  	[tilespmem:s23+$0xFFFFFFE0] =	vst v11;
	v1 =	vor.u32 $0x1F, v4;
	v60 =	vld.idx.msk [tilespmem:v56+s11+$0x0], $0xffff  }
0x1e2: {  	s28 =	sshll.u32 s20, $0x5;
	v61 =	vor.u32 $0x1F, v8;
	[tilespmem:s23+$0x1F0] =	vst v3  }
0x1e3: {  	s29 =	sor.u32 s7, s28;
	s22 =	sand.u32 $0x60, s28;
	v2 =	vld.idx.msk [tilespmem:v2+s11+$0x0], $0xffff;
	[tilespmem:s25+$0x1E0] =	vst v9  }
0x1e4: {  	p0 =	seq.s32 s29, $0x0;
	p1 =	sne.s32 s22, $0x0;
	v6 =	vld.idx.msk [tilespmem:v58+s11+$0x0], $0xffff;
	[tilespmem:s26+$0xFFFFFFE0] =	vst v62  }
0x1e5: {  	p0 =	por !p0, !p1;
	[tilespmem:s25+$0xFFFFFFE0] =	vst v59;
	v3 =	vld.idx.msk [tilespmem:v63+s11+$0x0], $0xffff  }
0x1e6: {  	s28 =	simm.s32 $0x1;
	p0 =	por !p0, !p0;
	v1 =	vld.idx.msk [tilespmem:v1+s11+$0x0], $0xffff;
	[tilespmem:s26+$0x1E0] =	vst v60  }
0x1e7: {  	s24 =	sshrl.u32 s29, $0x7;
	s28 =	simm.s32 @!p0 $0x0;
	v4 =	vld.idx.msk [tilespmem:v61+s11+$0x0], $0xffff  }
0x1e8: {  	s30 =	ssub.s32 s24, s28;
	[tilespmem:s23+$0xFFFFFFF0] =	vst v2  }
0x1e9: {  	s23 =	sshll.u32 s30, $0xA;
	[tilespmem:s25+$0x1F0] =	vst v6  }
0x1ea: {  	s22 =	sor.u32 s22, s23;
	[tilespmem:s26+$0xFFFFFFF0] =	vst v3  }
0x1eb: {  	s22 =	sshrl.u32 s22, $0x3;
	[tilespmem:s25+$0xFFFFFFF0] =	vst v1  }
0x1ec: {  	s31 =	simm.s32 $0xCE40;
	s23 =	simm.s32 $0x200;
	s22 =	sadd.s32 s1, s22;
	[tilespmem:s26+$0x1F0] =	vst v4  }
0x1ed: {  	[hbm4b:s22+s15] =	stream.strided.scatter [tilespmem:s31], [sflag:$0x5], $0x80, s16, s15, $0x38;
	[tilespmem:$0x19640] =	vst v63  }
.LBB2_5:
0x1ee: {  	p0 =	sne.s32 s23, $0x18E00  }
.Ltmp1:
0x1ef: {  	_ = 	snop;
	(pc) =	sbr.rel @p0 .LBB2_5-.Ltmp1, $4  }
0x1f0: {  	_ = 	snop  }
0x1f1: {  	s24 =	sshra.s32 s23, $0x2;
	s23 =	sadd.s32 $0x200, s23  }
0x1f2: {  	s22 =	sadd.s32 $0x4000, s22;
	s24 =	sadd.s32 $0xCE40, s24  }
0x1f3: {  	[hbm4b:s22+s15] =	stream.strided.scatter [tilespmem:s24], [sflag:$0x5], $0x80, s16, s15, $0x38;
	[tilespmem:$0x19640] =	vst v63  }
0x1f4: {  	s22 =	simm.s32 $0x1  }
0x1f5: {  	v1 =	vmov s22  }
0x1f6: {  	v1 =	vshll.u32 v1, $0x5  }
0x1f7: {  	v7 =	vadd.s32 v0, v1;
	_ =	sdelay $0x1  }
0x1f8: {  	_ =	swait.ge [sflag:s17], $0x6400;
	s25 =	simm.s32 $0x0  }
0x1f9: {  	[sflag:s17] =	ssyncset.done $0x0;
	v1 =	vmov s25  }
0x1fa: {  	[sflag:s17] =	ssyncadd.s32 $0xFFFF9C00;
	v1 =	vshll.u32 v1, $0x5  }
0x1fb: {  	v8 =	vadd.s32 v0, v1;
	v1 =	vld.idx.msk [tilespmem:v7+s13+$0x0], $0xffff  }
0x1fc: {  	v2 =	vor.u32 $0x1, v7;
	_ =	sdelay $0x2  }
0x1fd: {  	s24 =	simm.s32 $0x13440  }
0x1fe: {  	v3 =	vld.idx.msk [tilespmem:v8+s13+$0x0], $0xffff;
	[tilespmem:s24+$0x0] =	vst v1  }
0x1ff: {  	v1 =	vor.u32 $0x1, v8;
	v2 =	vld.idx.msk [tilespmem:v2+s13+$0x0], $0xffff  }
0x200: {  	v4 =	vor.u32 $0x2, v7;
	_ =	sdelay $0x2  }
0x201: {  	[tilespmem:s24+$0xFFFFFE00] =	vst v3  }
0x202: {  	v1 =	vld.idx.msk [tilespmem:v1+s13+$0x0], $0xffff;
	[tilespmem:s24+$0x10] =	vst v2  }
0x203: {  	v2 =	vor.u32 $0x2, v8;
	v3 =	vld.idx.msk [tilespmem:v4+s13+$0x0], $0xffff  }
0x204: {  	v4 =	vor.u32 $0x3, v7;
	_ =	sdelay $0x2  }
0x205: {  	[tilespmem:s24+$0xFFFFFE10] =	vst v1  }
0x206: {  	v1 =	vld.idx.msk [tilespmem:v2+s13+$0x0], $0xffff;
	[tilespmem:s24+$0x20] =	vst v3  }
0x207: {  	v2 =	vor.u32 $0x3, v8;
	v3 =	vld.idx.msk [tilespmem:v4+s13+$0x0], $0xffff  }
0x208: {  	v4 =	vor.u32 $0x4, v7;
	_ =	sdelay $0x2  }
0x209: {  	[tilespmem:s24+$0xFFFFFE20] =	vst v1  }
0x20a: {  	v1 =	vld.idx.msk [tilespmem:v2+s13+$0x0], $0xffff;
	[tilespmem:s24+$0x30] =	vst v3  }
0x20b: {  	v2 =	vor.u32 $0x4, v8;
	v3 =	vld.idx.msk [tilespmem:v4+s13+$0x0], $0xffff  }
0x20c: {  	v4 =	vor.u32 $0x5, v7;
	_ =	sdelay $0x2  }
0x20d: {  	[tilespmem:s24+$0xFFFFFE30] =	vst v1  }
0x20e: {  	v1 =	vld.idx.msk [tilespmem:v2+s13+$0x0], $0xffff;
	[tilespmem:s24+$0x40] =	vst v3  }
0x20f: {  	v2 =	vor.u32 $0x5, v8;
	v3 =	vld.idx.msk [tilespmem:v4+s13+$0x0], $0xffff  }
0x210: {  	v4 =	vor.u32 $0x6, v7;
	_ =	sdelay $0x2  }
0x211: {  	[tilespmem:s24+$0xFFFFFE40] =	vst v1  }
0x212: {  	v1 =	vld.idx.msk [tilespmem:v2+s13+$0x0], $0xffff;
	[tilespmem:s24+$0x50] =	vst v3  }
0x213: {  	v2 =	vor.u32 $0x6, v8;
	v3 =	vld.idx.msk [tilespmem:v4+s13+$0x0], $0xffff  }
0x214: {  	v4 =	vor.u32 $0x7, v7;
	_ =	sdelay $0x2  }
0x215: {  	[tilespmem:s24+$0xFFFFFE50] =	vst v1  }
0x216: {  	v1 =	vld.idx.msk [tilespmem:v2+s13+$0x0], $0xffff;
	[tilespmem:s24+$0x60] =	vst v3  }
0x217: {  	v2 =	vor.u32 $0x7, v8;
	v3 =	vld.idx.msk [tilespmem:v4+s13+$0x0], $0xffff  }
0x218: {  	v4 =	vor.u32 $0x8, v7;
	_ =	sdelay $0x2  }
0x219: {  	[tilespmem:s24+$0xFFFFFE60] =	vst v1  }
0x21a: {  	s26 =	simm.s32 $0x3;
	v1 =	vld.idx.msk [tilespmem:v2+s13+$0x0], $0xffff;
	[tilespmem:s24+$0x70] =	vst v3  }
0x21b: {  	v2 =	vor.u32 $0x8, v8;
	v3 =	vld.idx.msk [tilespmem:v4+s13+$0x0], $0xffff;
	v4 =	vmov s26  }
0x21c: {  	v6 =	vor.u32 $0x9, v7;
	v4 =	vshll.u32 v4, $0x5  }
0x21d: {  	s29 =	simm.s32 $0x2;
	v5 =	vadd.s32 v0, v4  }
0x21e: {  	v4 =	vmov s29  }
0x21f: {  	v4 =	vshll.u32 v4, $0x5;
	[tilespmem:s24+$0xFFFFFE70] =	vst v1  }
0x220: {  	v1 =	vadd.s32 v0, v4;
	v2 =	vld.idx.msk [tilespmem:v2+s13+$0x0], $0xffff;
	[tilespmem:s24+$0x80] =	vst v3  }
0x221: {  	v3 =	vor.u32 $0x9, v8;
	v4 =	vld.idx.msk [tilespmem:v6+s13+$0x0], $0xffff  }
0x222: {  	v9 =	vor.u32 $0xA, v7;
	v6 =	vld.idx.msk [tilespmem:v5+s13+$0x0], $0xffff  }
0x223: {  	v10 =	vor.u32 $0x1, v5;
	_ =	sdelay $0x1  }
0x224: {  	v11 =	vld.idx.msk [tilespmem:v1+s13+$0x0], $0xffff;
	[tilespmem:s24+$0xFFFFFE80] =	vst v2  }
0x225: {  	s22 =	simm.s32 $0x13840;
	v2 =	vld.idx.msk [tilespmem:v3+s13+$0x0], $0xffff;
	v3 =	vor.u32 $0x1, v1;
	[tilespmem:s24+$0x90] =	vst v4  }
0x226: {  	v4 =	vor.u32 $0xA, v8;
	[tilespmem:s22+$0x0] =	vst v6;
	v6 =	vld.idx.msk [tilespmem:v9+s13+$0x0], $0xffff  }
0x227: {  	v9 =	vld.idx.msk [tilespmem:v10+s13+$0x0], $0xffff;
	v10 =	vor.u32 $0xB, v7  }
0x228: {  	v12 =	vor.u32 $0x2, v5  }
0x229: {  	[tilespmem:s22+$0xFFFFFE00] =	vst v11  }
0x22a: {  	v3 =	vld.idx.msk [tilespmem:v3+s13+$0x0], $0xffff;
	[tilespmem:s24+$0xFFFFFE90] =	vst v2  }
0x22b: {  	v2 =	vld.idx.msk [tilespmem:v4+s13+$0x0], $0xffff;
	v4 =	vor.u32 $0x2, v1;
	[tilespmem:s24+$0xA0] =	vst v6  }
0x22c: {  	v6 =	vor.u32 $0xB, v8;
	[tilespmem:s22+$0x10] =	vst v9;
	v9 =	vld.idx.msk [tilespmem:v10+s13+$0x0], $0xffff  }
0x22d: {  	v11 =	vor.u32 $0xC, v7;
	v10 =	vld.idx.msk [tilespmem:v12+s13+$0x0], $0xffff  }
0x22e: {  	v12 =	vor.u32 $0x3, v5  }
0x22f: {  	[tilespmem:s22+$0xFFFFFE10] =	vst v3  }
0x230: {  	v3 =	vld.idx.msk [tilespmem:v4+s13+$0x0], $0xffff;
	[tilespmem:s24+$0xFFFFFEA0] =	vst v2  }
0x231: {  	v4 =	vor.u32 $0x3, v1;
	v2 =	vld.idx.msk [tilespmem:v6+s13+$0x0], $0xffff;
	[tilespmem:s24+$0xB0] =	vst v9  }
0x232: {  	v6 =	vor.u32 $0xC, v8;
	[tilespmem:s22+$0x20] =	vst v10;
	v9 =	vld.idx.msk [tilespmem:v11+s13+$0x0], $0xffff  }
0x233: {  	v11 =	vor.u32 $0xD, v7;
	v10 =	vld.idx.msk [tilespmem:v12+s13+$0x0], $0xffff  }
0x234: {  	v12 =	vor.u32 $0x4, v5  }
0x235: {  	[tilespmem:s22+$0xFFFFFE20] =	vst v3  }
0x236: {  	v3 =	vld.idx.msk [tilespmem:v4+s13+$0x0], $0xffff;
	[tilespmem:s24+$0xFFFFFEB0] =	vst v2  }
0x237: {  	v4 =	vor.u32 $0x4, v1;
	v2 =	vld.idx.msk [tilespmem:v6+s13+$0x0], $0xffff;
	[tilespmem:s24+$0xC0] =	vst v9  }
0x238: {  	v6 =	vor.u32 $0xD, v8;
	[tilespmem:s22+$0x30] =	vst v10;
	v9 =	vld.idx.msk [tilespmem:v11+s13+$0x0], $0xffff  }
0x239: {  	v11 =	vor.u32 $0xE, v7;
	v10 =	vld.idx.msk [tilespmem:v12+s13+$0x0], $0xffff  }
0x23a: {  	v12 =	vor.u32 $0x5, v5  }
0x23b: {  	[tilespmem:s22+$0xFFFFFE30] =	vst v3  }
0x23c: {  	v3 =	vld.idx.msk [tilespmem:v4+s13+$0x0], $0xffff;
	[tilespmem:s24+$0xFFFFFEC0] =	vst v2  }
0x23d: {  	v4 =	vor.u32 $0x5, v1;
	v2 =	vld.idx.msk [tilespmem:v6+s13+$0x0], $0xffff;
	[tilespmem:s24+$0xD0] =	vst v9  }
0x23e: {  	v6 =	vor.u32 $0xE, v8;
	[tilespmem:s22+$0x40] =	vst v10;
	v9 =	vld.idx.msk [tilespmem:v11+s13+$0x0], $0xffff  }
0x23f: {  	v11 =	vor.u32 $0xF, v7;
	v10 =	vld.idx.msk [tilespmem:v12+s13+$0x0], $0xffff  }
0x240: {  	v12 =	vor.u32 $0x6, v5  }
0x241: {  	[tilespmem:s22+$0xFFFFFE40] =	vst v3  }
0x242: {  	v3 =	vld.idx.msk [tilespmem:v4+s13+$0x0], $0xffff;
	[tilespmem:s24+$0xFFFFFED0] =	vst v2  }
0x243: {  	v4 =	vor.u32 $0x6, v1;
	v2 =	vld.idx.msk [tilespmem:v6+s13+$0x0], $0xffff;
	[tilespmem:s24+$0xE0] =	vst v9  }
0x244: {  	v6 =	vor.u32 $0xF, v8;
	[tilespmem:s22+$0x50] =	vst v10;
	v9 =	vld.idx.msk [tilespmem:v11+s13+$0x0], $0xffff  }
0x245: {  	v11 =	vor.u32 $0x10, v7;
	v10 =	vld.idx.msk [tilespmem:v12+s13+$0x0], $0xffff  }
0x246: {  	v12 =	vor.u32 $0x7, v5  }
0x247: {  	[tilespmem:s22+$0xFFFFFE50] =	vst v3  }
0x248: {  	v3 =	vld.idx.msk [tilespmem:v4+s13+$0x0], $0xffff;
	[tilespmem:s24+$0xFFFFFEE0] =	vst v2  }
0x249: {  	v4 =	vor.u32 $0x7, v1;
	v2 =	vld.idx.msk [tilespmem:v6+s13+$0x0], $0xffff;
	[tilespmem:s24+$0xF0] =	vst v9  }
0x24a: {  	v6 =	vor.u32 $0x10, v8;
	[tilespmem:s22+$0x60] =	vst v10;
	v9 =	vld.idx.msk [tilespmem:v11+s13+$0x0], $0xffff  }
0x24b: {  	v11 =	vor.u32 $0x11, v7;
	v10 =	vld.idx.msk [tilespmem:v12+s13+$0x0], $0xffff  }
0x24c: {  	v12 =	vor.u32 $0x8, v5  }
0x24d: {  	[tilespmem:s22+$0xFFFFFE60] =	vst v3  }
0x24e: {  	v3 =	vld.idx.msk [tilespmem:v4+s13+$0x0], $0xffff;
	[tilespmem:s24+$0xFFFFFEF0] =	vst v2  }
0x24f: {  	v4 =	vld.idx.msk [tilespmem:v6+s13+$0x0], $0xffff;
	v6 =	vor.u32 $0x8, v1;
	[tilespmem:s24+$0x100] =	vst v9  }
0x250: {  	s23 =	simm.s32 $0x5;
	v9 =	vor.u32 $0x11, v8;
	[tilespmem:s22+$0x70] =	vst v10;
	v10 =	vld.idx.msk [tilespmem:v11+s13+$0x0], $0xffff  }
0x251: {  	s25 =	simm.s32 $0x4;
	v2 =	vmov s23;
	v11 =	vld.idx.msk [tilespmem:v12+s13+$0x0], $0xffff;
	v12 =	vor.u32 $0x12, v7  }
0x252: {  	v13 =	vmov s25;
	v14 =	vor.u32 $0x9, v5;
	v2 =	vshll.u32 v2, $0x5  }
0x253: {  	v13 =	vshll.u32 v13, $0x5;
	[tilespmem:s22+$0xFFFFFE70] =	vst v3;
	v3 =	vadd.s32 v0, v2  }
0x254: {  	v2 =	vadd.s32 v0, v13;
	v6 =	vld.idx.msk [tilespmem:v6+s13+$0x0], $0xffff;
	[tilespmem:s24+$0xFFFFFF00] =	vst v4  }
0x255: {  	v4 =	vld.idx.msk [tilespmem:v9+s13+$0x0], $0xffff;
	v9 =	vor.u32 $0x9, v1;
	[tilespmem:s24+$0x110] =	vst v10  }
0x256: {  	v10 =	vor.u32 $0x12, v8;
	[tilespmem:s22+$0x80] =	vst v11;
	v11 =	vld.idx.msk [tilespmem:v12+s13+$0x0], $0xffff  }
0x257: {  	v13 =	vor.u32 $0x13, v7;
	v12 =	vld.idx.msk [tilespmem:v14+s13+$0x0], $0xffff  }
0x258: {  	v15 =	vor.u32 $0xA, v5;
	v14 =	vld.idx.msk [tilespmem:v3+s13+$0x0], $0xffff  }
0x259: {  	v16 =	vld.idx.msk [tilespmem:v2+s13+$0x0], $0xffff;
	[tilespmem:s22+$0xFFFFFE80] =	vst v6;
	v6 =	vor.u32 $0x1, v3  }
0x25a: {  	[tilespmem:s24+$0xFFFFFF10] =	vst v4;
	v4 =	vld.idx.msk [tilespmem:v9+s13+$0x0], $0xffff;
	v9 =	vor.u32 $0x1, v2  }
0x25b: {  	v17 =	vor.u32 $0xA, v1;
	v10 =	vld.idx.msk [tilespmem:v10+s13+$0x0], $0xffff;
	[tilespmem:s24+$0x120] =	vst v11  }
0x25c: {  	s23 =	simm.s32 $0x13C40;
	v11 =	vor.u32 $0x13, v8;
	[tilespmem:s22+$0x90] =	vst v12;
	v12 =	vld.idx.msk [tilespmem:v13+s13+$0x0], $0xffff  }
0x25d: {  	[tilespmem:s23+$0x0] =	vst v14;
	v14 =	vor.u32 $0x14, v7;
	v13 =	vld.idx.msk [tilespmem:v15+s13+$0x0], $0xffff  }
0x25e: {  	[tilespmem:s23+$0xFFFFFE00] =	vst v16;
	v6 =	vld.idx.msk [tilespmem:v6+s13+$0x0], $0xffff;
	v15 =	vor.u32 $0xB, v5  }
0x25f: {  	v9 =	vld.idx.msk [tilespmem:v9+s13+$0x0], $0xffff;
	[tilespmem:s22+$0xFFFFFE90] =	vst v4;
	v4 =	vor.u32 $0x2, v3  }
0x260: {  	v16 =	vld.idx.msk [tilespmem:v17+s13+$0x0], $0xffff;
	[tilespmem:s24+$0xFFFFFF20] =	vst v10;
	v10 =	vor.u32 $0x2, v2  }
0x261: {  	v17 =	vor.u32 $0xB, v1;
	v11 =	vld.idx.msk [tilespmem:v11+s13+$0x0], $0xffff;
	[tilespmem:s24+$0x130] =	vst v12  }
0x262: {  	v12 =	vor.u32 $0x14, v8;
	[tilespmem:s22+$0xA0] =	vst v13;
	v13 =	vld.idx.msk [tilespmem:v14+s13+$0x0], $0xffff  }
0x263: {  	[tilespmem:s23+$0x10] =	vst v6;
	v14 =	vor.u32 $0x15, v7;
	v6 =	vld.idx.msk [tilespmem:v15+s13+$0x0], $0xffff  }
0x264: {  	[tilespmem:s23+$0xFFFFFE10] =	vst v9;
	v4 =	vld.idx.msk [tilespmem:v4+s13+$0x0], $0xffff;
	v9 =	vor.u32 $0xC, v5  }
0x265: {  	v15 =	vor.u32 $0x3, v3;
	v10 =	vld.idx.msk [tilespmem:v10+s13+$0x0], $0xffff;
	[tilespmem:s22+$0xFFFFFEA0] =	vst v16  }
0x266: {  	v16 =	vld.idx.msk [tilespmem:v17+s13+$0x0], $0xffff;
	[tilespmem:s24+$0xFFFFFF30] =	vst v11;
	v11 =	vor.u32 $0x3, v2  }
0x267: {  	v17 =	vor.u32 $0xC, v1;
	v12 =	vld.idx.msk [tilespmem:v12+s13+$0x0], $0xffff;
	[tilespmem:s24+$0x140] =	vst v13  }
0x268: {  	[tilespmem:s22+$0xB0] =	vst v6;
	v6 =	vor.u32 $0x15, v8;
	v13 =	vld.idx.msk [tilespmem:v14+s13+$0x0], $0xffff  }
0x269: {  	[tilespmem:s23+$0x20] =	vst v4;
	v4 =	vld.idx.msk [tilespmem:v9+s13+$0x0], $0xffff;
	v9 =	vor.u32 $0x16, v7  }
0x26a: {  	v14 =	vor.u32 $0xD, v5;
	[tilespmem:s23+$0xFFFFFE20] =	vst v10;
	v10 =	vld.idx.msk [tilespmem:v15+s13+$0x0], $0xffff  }
0x26b: {  	v15 =	vor.u32 $0x4, v3;
	v11 =	vld.idx.msk [tilespmem:v11+s13+$0x0], $0xffff;
	[tilespmem:s22+$0xFFFFFEB0] =	vst v16  }
0x26c: {  	s30 =	simm.s32 $0x6;
	v16 =	vld.idx.msk [tilespmem:v17+s13+$0x0], $0xffff;
	[tilespmem:s24+$0xFFFFFF40] =	vst v12;
	v12 =	vor.u32 $0x4, v2  }
0x26d: {  	v18 =	vor.u32 $0xD, v1;
	v17 =	vmov s30;
	v6 =	vld.idx.msk [tilespmem:v6+s13+$0x0], $0xffff;
	[tilespmem:s24+$0x150] =	vst v13  }
0x26e: {  	v13 =	vshll.u32 v17, $0x5;
	v17 =	vor.u32 $0x16, v8;
	[tilespmem:s22+$0xC0] =	vst v4;
	v9 =	vld.idx.msk [tilespmem:v9+s13+$0x0], $0xffff  }
0x26f: {  	v4 =	vadd.s32 v0, v13;
	[tilespmem:s23+$0x30] =	vst v10;
	v13 =	vor.u32 $0x17, v7;
	v10 =	vld.idx.msk [tilespmem:v14+s13+$0x0], $0xffff  }
0x270: {  	[tilespmem:s23+$0xFFFFFE30] =	vst v11;
	v11 =	vld.idx.msk [tilespmem:v15+s13+$0x0], $0xffff;
	v14 =	vor.u32 $0xE, v5  }
0x271: {  	v15 =	vor.u32 $0x5, v3;
	v12 =	vld.idx.msk [tilespmem:v12+s13+$0x0], $0xffff;
	[tilespmem:s22+$0xFFFFFEC0] =	vst v16  }
0x272: {  	v16 =	vld.idx.msk [tilespmem:v18+s13+$0x0], $0xffff;
	[tilespmem:s24+$0xFFFFFF50] =	vst v6;
	v6 =	vor.u32 $0x5, v2  }
0x273: {  	v19 =	vor.u32 $0xE, v1;
	v17 =	vld.idx.msk [tilespmem:v17+s13+$0x0], $0xffff;
	[tilespmem:s24+$0x160] =	vst v9  }
0x274: {  	v9 =	vor.u32 $0x17, v8;
	[tilespmem:s22+$0xD0] =	vst v10;
	v10 =	vld.idx.msk [tilespmem:v13+s13+$0x0], $0xffff  }
0x275: {  	[tilespmem:s23+$0x40] =	vst v11;
	v13 =	vor.u32 $0x18, v7;
	v11 =	vld.idx.msk [tilespmem:v14+s13+$0x0], $0xffff  }
0x276: {  	[tilespmem:s23+$0xFFFFFE40] =	vst v12;
	v12 =	vld.idx.msk [tilespmem:v15+s13+$0x0], $0xffff;
	v14 =	vor.u32 $0xF, v5  }
0x277: {  	v15 =	vor.u32 $0x6, v3;
	[tilespmem:s22+$0xFFFFFED0] =	vst v16;
	v6 =	vld.idx.msk [tilespmem:v6+s13+$0x0], $0xffff  }
0x278: {  	v16 =	vld.idx.msk [tilespmem:v19+s13+$0x0], $0xffff;
	[tilespmem:s24+$0xFFFFFF60] =	vst v17;
	v17 =	vor.u32 $0x6, v2  }
0x279: {  	v19 =	vor.u32 $0xF, v1;
	v9 =	vld.idx.msk [tilespmem:v9+s13+$0x0], $0xffff;
	[tilespmem:s24+$0x170] =	vst v10  }
0x27a: {  	v10 =	vor.u32 $0x18, v8;
	[tilespmem:s22+$0xE0] =	vst v11;
	v11 =	vld.idx.msk [tilespmem:v13+s13+$0x0], $0xffff  }
0x27b: {  	[tilespmem:s23+$0x50] =	vst v12;
	v13 =	vor.u32 $0x19, v7;
	v12 =	vld.idx.msk [tilespmem:v14+s13+$0x0], $0xffff  }
0x27c: {  	v14 =	vor.u32 $0x10, v5;
	[tilespmem:s23+$0xFFFFFE50] =	vst v6;
	v6 =	vld.idx.msk [tilespmem:v15+s13+$0x0], $0xffff  }
0x27d: {  	[tilespmem:s22+$0xFFFFFEE0] =	vst v16;
	v16 =	vor.u32 $0x7, v3;
	v15 =	vld.idx.msk [tilespmem:v17+s13+$0x0], $0xffff  }
0x27e: {  	v17 =	vld.idx.msk [tilespmem:v19+s13+$0x0], $0xffff;
	[tilespmem:s24+$0xFFFFFF70] =	vst v9;
	v9 =	vor.u32 $0x7, v2  }
0x27f: {  	v19 =	vor.u32 $0x10, v1;
	v10 =	vld.idx.msk [tilespmem:v10+s13+$0x0], $0xffff;
	[tilespmem:s24+$0x180] =	vst v11  }
0x280: {  	v11 =	vor.u32 $0x19, v8;
	[tilespmem:s22+$0xF0] =	vst v12;
	v12 =	vld.idx.msk [tilespmem:v13+s13+$0x0], $0xffff  }
0x281: {  	v13 =	vor.u32 $0x1A, v7;
	[tilespmem:s23+$0x60] =	vst v6;
	v6 =	vld.idx.msk [tilespmem:v14+s13+$0x0], $0xffff  }
0x282: {  	[tilespmem:s23+$0xFFFFFE60] =	vst v15;
	v14 =	vld.idx.msk [tilespmem:v16+s13+$0x0], $0xffff;
	v15 =	vor.u32 $0x11, v5  }
0x283: {  	[tilespmem:s22+$0xFFFFFEF0] =	vst v17;
	v16 =	vor.u32 $0x8, v3;
	v9 =	vld.idx.msk [tilespmem:v9+s13+$0x0], $0xffff  }
0x284: {  	v17 =	vld.idx.msk [tilespmem:v19+s13+$0x0], $0xffff;
	[tilespmem:s24+$0xFFFFFF80] =	vst v10;
	v10 =	vor.u32 $0x8, v2  }
0x285: {  	v19 =	vor.u32 $0x11, v1;
	v11 =	vld.idx.msk [tilespmem:v11+s13+$0x0], $0xffff;
	[tilespmem:s24+$0x190] =	vst v12  }
0x286: {  	v12 =	vor.u32 $0x1A, v8;
	[tilespmem:s22+$0x100] =	vst v6;
	v13 =	vld.idx.msk [tilespmem:v13+s13+$0x0], $0xffff  }
0x287: {  	[tilespmem:s23+$0x70] =	vst v14;
	v14 =	vld.idx.msk [tilespmem:v15+s13+$0x0], $0xffff;
	v15 =	vor.u32 $0x1B, v7  }
0x288: {  	s31 =	simm.s32 $0x7;
	[tilespmem:s23+$0xFFFFFE70] =	vst v9;
	v9 =	vld.idx.msk [tilespmem:v16+s13+$0x0], $0xffff;
	v16 =	vor.u32 $0x12, v5  }
0x289: {  	v6 =	vmov s31;
	[tilespmem:s22+$0xFFFFFF00] =	vst v17;
	v17 =	vor.u32 $0x9, v3;
	v10 =	vld.idx.msk [tilespmem:v10+s13+$0x0], $0xffff  }
0x28a: {  	v6 =	vshll.u32 v6, $0x5;
	v19 =	vld.idx.msk [tilespmem:v19+s13+$0x0], $0xffff;
	[tilespmem:s24+$0xFFFFFF90] =	vst v11  }
0x28b: {  	v6 =	vadd.s32 v0, v6;
	v11 =	vld.idx.msk [tilespmem:v12+s13+$0x0], $0xffff;
	[tilespmem:s24+$0x1A0] =	vst v13  }
0x28c: {  	v12 =	vor.u32 $0x9, v2;
	[tilespmem:s22+$0x110] =	vst v14;
	v14 =	vld.idx.msk [tilespmem:v15+s13+$0x0], $0xffff  }
0x28d: {  	v13 =	vor.u32 $0x12, v1;
	[tilespmem:s23+$0x80] =	vst v9;
	v9 =	vld.idx.msk [tilespmem:v16+s13+$0x0], $0xffff  }
0x28e: {  	v16 =	vld.idx.msk [tilespmem:v17+s13+$0x0], $0xffff;
	v17 =	vor.u32 $0x1C, v7  }
0x28f: {  	v20 =	vor.u32 $0x13, v5;
	v18 =	vld.idx.msk [tilespmem:v4+s13+$0x0], $0xffff;
	[tilespmem:s23+$0xFFFFFE80] =	vst v10  }
0x290: {  	v21 =	vor.u32 $0x1, v4;
	v10 =	vld.idx.msk [tilespmem:v6+s13+$0x0], $0xffff;
	[tilespmem:s22+$0xFFFFFF10] =	vst v19  }
0x291: {  	v19 =	vor.u32 $0xA, v3;
	v12 =	vld.idx.msk [tilespmem:v12+s13+$0x0], $0xffff;
	[tilespmem:s24+$0xFFFFFFA0] =	vst v11  }
0x292: {  	v15 =	vor.u32 $0x1B, v8;
	v13 =	vld.idx.msk [tilespmem:v13+s13+$0x0], $0xffff;
	[tilespmem:s24+$0x1B0] =	vst v14  }
0x293: {  	s25 =	simm.s32 $0x14040;
	v11 =	vor.u32 $0x1, v6;
	[tilespmem:s22+$0x120] =	vst v9;
	v9 =	vld.idx.msk [tilespmem:v17+s13+$0x0], $0xffff  }
0x294: {  	[tilespmem:s25+$0xFFFFFE00] =	vst v18;
	v14 =	vor.u32 $0xA, v2;
	v17 =	vld.idx.msk [tilespmem:v20+s13+$0x0], $0xffff  }
0x295: {  	[tilespmem:s23+$0x90] =	vst v16;
	v16 =	vor.u32 $0x13, v1;
	v20 =	vld.idx.msk [tilespmem:v21+s13+$0x0], $0xffff  }
0x296: {  	[tilespmem:s25+$0x0] =	vst v10;
	v10 =	vld.idx.msk [tilespmem:v19+s13+$0x0], $0xffff;
	v19 =	vor.u32 $0x1D, v7  }
0x297: {  	v18 =	vor.u32 $0x14, v5;
	v15 =	vld.idx.msk [tilespmem:v15+s13+$0x0], $0xffff;
	[tilespmem:s23+$0xFFFFFE90] =	vst v12  }
0x298: {  	v11 =	vld.idx.msk [tilespmem:v11+s13+$0x0], $0xffff;
	v12 =	vor.u32 $0xB, v3;
	[tilespmem:s22+$0xFFFFFF20] =	vst v13  }
0x299: {  	v13 =	vor.u32 $0x2, v4;
	v14 =	vld.idx.msk [tilespmem:v14+s13+$0x0], $0xffff;
	[tilespmem:s24+$0x1C0] =	vst v9  }
0x29a: {  	v21 =	vor.u32 $0x2, v6;
	v16 =	vld.idx.msk [tilespmem:v16+s13+$0x0], $0xffff;
	[tilespmem:s22+$0x130] =	vst v17  }
0x29b: {  	v9 =	vor.u32 $0xB, v2;
	[tilespmem:s25+$0xFFFFFE10] =	vst v20;
	v17 =	vld.idx.msk [tilespmem:v19+s13+$0x0], $0xffff  }
0x29c: {  	[tilespmem:s23+$0xA0] =	vst v10;
	v10 =	vor.u32 $0x14, v1;
	v18 =	vld.idx.msk [tilespmem:v18+s13+$0x0], $0xffff  }
0x29d: {  	[tilespmem:s25+$0x10] =	vst v11;
	v11 =	vld.idx.msk [tilespmem:v12+s13+$0x0], $0xffff;
	v12 =	vor.u32 $0x1E, v7  }
0x29e: {  	v20 =	vor.u32 $0x15, v5;
	v13 =	vld.idx.msk [tilespmem:v13+s13+$0x0], $0xffff;
	[tilespmem:s23+$0xFFFFFEA0] =	vst v14  }
0x29f: {  	v19 =	vld.idx.msk [tilespmem:v21+s13+$0x0], $0xffff;
	v14 =	vor.u32 $0xC, v3;
	[tilespmem:s22+$0xFFFFFF30] =	vst v16  }
0x2a0: {  	v21 =	vor.u32 $0x3, v6;
	v9 =	vld.idx.msk [tilespmem:v9+s13+$0x0], $0xffff;
	[tilespmem:s24+$0x1D0] =	vst v17  }
0x2a1: {  	v16 =	vor.u32 $0x3, v4;
	v10 =	vld.idx.msk [tilespmem:v10+s13+$0x0], $0xffff;
	[tilespmem:s22+$0x140] =	vst v18  }
0x2a2: {  	v17 =	vor.u32 $0xC, v2;
	v12 =	vld.idx.msk [tilespmem:v12+s13+$0x0], $0xffff;
	[tilespmem:s23+$0xB0] =	vst v11  }
0x2a3: {  	v11 =	vor.u32 $0x15, v1;
	v18 =	vld.idx.msk [tilespmem:v20+s13+$0x0], $0xffff;
	[tilespmem:s25+$0xFFFFFE20] =	vst v13  }
0x2a4: {  	v7 =	vor.u32 $0x1F, v7;
	[tilespmem:s25+$0x20] =	vst v19;
	v14 =	vld.idx.msk [tilespmem:v14+s13+$0x0], $0xffff  }
0x2a5: {  	v19 =	vor.u32 $0x16, v5;
	v13 =	vld.idx.msk [tilespmem:v21+s13+$0x0], $0xffff;
	[tilespmem:s23+$0xFFFFFEB0] =	vst v9  }
0x2a6: {  	v16 =	vld.idx.msk [tilespmem:v16+s13+$0x0], $0xffff;
	v9 =	vor.u32 $0xD, v3;
	[tilespmem:s22+$0xFFFFFF40] =	vst v10  }
0x2a7: {  	v20 =	vor.u32 $0x4, v6;
	v17 =	vld.idx.msk [tilespmem:v17+s13+$0x0], $0xffff;
	[tilespmem:s24+$0x1E0] =	vst v12  }
0x2a8: {  	s26 =	simm.s32 $0x8;
	v10 =	vor.u32 $0x4, v4;
	v11 =	vld.idx.msk [tilespmem:v11+s13+$0x0], $0xffff;
	[tilespmem:s22+$0x150] =	vst v18  }
0x2a9: {  	v21 =	vor.u32 $0xD, v2;
	v12 =	vmov s26;
	v18 =	vld.idx.msk [tilespmem:v7+s13+$0x0], $0xffff;
	[tilespmem:s23+$0xC0] =	vst v14  }
0x2aa: {  	v7 =	vshll.u32 v12, $0x5;
	v12 =	vor.u32 $0x16, v1;
	v14 =	vld.idx.msk [tilespmem:v19+s13+$0x0], $0xffff;
	[tilespmem:s25+$0x30] =	vst v13  }
0x2ab: {  	v19 =	vor.u32 $0x17, v5;
	v13 =	vld.idx.msk [tilespmem:v9+s13+$0x0], $0xffff;
	[tilespmem:s25+$0xFFFFFE30] =	vst v16  }
0x2ac: {  	v16 =	vld.idx.msk [tilespmem:v20+s13+$0x0], $0xffff;
	[tilespmem:s23+$0xFFFFFEC0] =	vst v17;
	v17 =	vor.u32 $0xE, v3  }
0x2ad: {  	v20 =	vor.u32 $0x5, v6;
	v10 =	vld.idx.msk [tilespmem:v10+s13+$0x0], $0xffff;
	[tilespmem:s22+$0xFFFFFF50] =	vst v11  }
0x2ae: {  	v21 =	vld.idx.msk [tilespmem:v21+s13+$0x0], $0xffff;
	v11 =	vor.u32 $0x5, v4;
	[tilespmem:s24+$0x1F0] =	vst v18  }
0x2af: {  	v12 =	vld.idx.msk [tilespmem:v12+s13+$0x0], $0xffff;
	v18 =	vor.u32 $0xE, v2;
	[tilespmem:s22+$0x160] =	vst v14  }
0x2b0: {  	v14 =	vld.idx.msk [tilespmem:v19+s13+$0x0], $0xffff;
	[tilespmem:s23+$0xD0] =	vst v13;
	v13 =	vor.u32 $0x17, v1  }
0x2b1: {  	[tilespmem:s25+$0x40] =	vst v16;
	v16 =	vld.idx.msk [tilespmem:v17+s13+$0x0], $0xffff;
	v17 =	vor.u32 $0x1C, v8  }
0x2b2: {  	v19 =	vor.u32 $0x18, v5;
	[tilespmem:s25+$0xFFFFFE40] =	vst v10;
	v10 =	vld.idx.msk [tilespmem:v20+s13+$0x0], $0xffff  }
0x2b3: {  	v20 =	vor.u32 $0xF, v3;
	v11 =	vld.idx.msk [tilespmem:v11+s13+$0x0], $0xffff;
	[tilespmem:s23+$0xFFFFFED0] =	vst v21  }
0x2b4: {  	v21 =	vor.u32 $0x6, v6;
	v18 =	vld.idx.msk [tilespmem:v18+s13+$0x0], $0xffff;
	[tilespmem:s22+$0xFFFFFF60] =	vst v12  }
0x2b5: {  	[tilespmem:s24+$0xFFFFFFB0] =	vst v15;
	v12 =	vor.u32 $0x6, v4;
	v13 =	vld.idx.msk [tilespmem:v13+s13+$0x0], $0xffff  }
0x2b6: {  	v15 =	vor.u32 $0xF, v2;
	[tilespmem:s22+$0x170] =	vst v14;
	v14 =	vld.idx.msk [tilespmem:v17+s13+$0x0], $0xffff  }
0x2b7: {  	[tilespmem:s23+$0xE0] =	vst v16;
	v16 =	vor.u32 $0x18, v1;
	v17 =	vld.idx.msk [tilespmem:v19+s13+$0x0], $0xffff  }
0x2b8: {  	[tilespmem:s25+$0x50] =	vst v10;
	v19 =	vor.u32 $0x1D, v8;
	v10 =	vld.idx.msk [tilespmem:v20+s13+$0x0], $0xffff  }
0x2b9: {  	[tilespmem:s25+$0xFFFFFE50] =	vst v11;
	v11 =	vld.idx.msk [tilespmem:v21+s13+$0x0], $0xffff;
	v20 =	vor.u32 $0x19, v5  }
0x2ba: {  	v12 =	vld.idx.msk [tilespmem:v12+s13+$0x0], $0xffff;
	[tilespmem:s23+$0xFFFFFEE0] =	vst v18;
	v18 =	vor.u32 $0x10, v3  }
0x2bb: {  	v21 =	vor.u32 $0x7, v6;
	v15 =	vld.idx.msk [tilespmem:v15+s13+$0x0], $0xffff;
	[tilespmem:s22+$0xFFFFFF70] =	vst v13  }
0x2bc: {  	v13 =	vor.u32 $0x7, v4;
	v16 =	vld.idx.msk [tilespmem:v16+s13+$0x0], $0xffff;
	[tilespmem:s24+$0xFFFFFFC0] =	vst v14  }
0x2bd: {  	v7 =	vadd.s32 v0, v7;
	[tilespmem:s22+$0x180] =	vst v17;
	v19 =	vld.idx.msk [tilespmem:v19+s13+$0x0], $0xffff  }
0x2be: {  	v14 =	vor.u32 $0x10, v2;
	[tilespmem:s23+$0xF0] =	vst v10;
	v20 =	vld.idx.msk [tilespmem:v20+s13+$0x0], $0xffff  }
0x2bf: {  	v10 =	vor.u32 $0x19, v1;
	[tilespmem:s25+$0x60] =	vst v11;
	v11 =	vld.idx.msk [tilespmem:v18+s13+$0x0], $0xffff  }
0x2c0: {  	v22 =	vor.u32 $0x1E, v8;
	[tilespmem:s25+$0xFFFFFE60] =	vst v12;
	v12 =	vld.idx.msk [tilespmem:v21+s13+$0x0], $0xffff  }
0x2c1: {  	[tilespmem:s23+$0xFFFFFEF0] =	vst v15;
	v23 =	vld.idx.msk [tilespmem:v13+s13+$0x0], $0xffff;
	v13 =	vor.u32 $0x11, v3  }
0x2c2: {  	v9 =	vld.idx.msk [tilespmem:v7+s13+$0x0], $0xffff;
	v21 =	vor.u32 $0x1A, v5;
	[tilespmem:s22+$0xFFFFFF80] =	vst v16  }
0x2c3: {  	v24 =	vor.u32 $0x8, v6;
	v18 =	vld.idx.msk [tilespmem:v14+s13+$0x0], $0xffff;
	[tilespmem:s24+$0xFFFFFFD0] =	vst v19  }
0x2c4: {  	v17 =	vld.idx.msk [tilespmem:v10+s13+$0x0], $0xffff;
	[tilespmem:s22+$0x190] =	vst v20;
	v19 =	vor.u32 $0x8, v4  }
0x2c5: {  	v16 =	vor.u32 $0x11, v2;
	v14 =	vld.idx.msk [tilespmem:v22+s13+$0x0], $0xffff;
	[tilespmem:s23+$0x100] =	vst v11  }
0x2c6: {  	[tilespmem:s25+$0x70] =	vst v12;
	v12 =	vld.idx.msk [tilespmem:v13+s13+$0x0], $0xffff;
	v13 =	vor.u32 $0x1A, v1  }
0x2c7: {  	v15 =	vld.idx.msk [tilespmem:v21+s13+$0x0], $0xffff;
	v11 =	vor.u32 $0x1F, v8  }
0x2c8: {  	s28 =	simm.s32 $0x9;
	s26 =	simm.s32 $0xA;
	v10 =	vor.u32 $0x1B, v5;
	v20 =	vld.idx.msk [tilespmem:v24+s13+$0x0], $0xffff;
	[tilespmem:s25+$0xFFFFFE70] =	vst v23  }
.LBB2_7:
0x2c9: {  	p0 =	slt.u32 s26, $0x30;
	v8 =	vmov s28;
	v19 =	vld.idx.msk [tilespmem:v19+s13+$0x0], $0xffff;
	[tilespmem:s23+$0xFFFFFF00] =	vst v18;
	v18 =	vor.u32 $0x12, v3  }
0x2ca: {  	v21 =	vor.u32 $0x9, v6;
	v8 =	vshll.u32 v8, $0x5;
	v16 =	vld.idx.msk [tilespmem:v16+s13+$0x0], $0xffff;
	[tilespmem:s22+$0xFFFFFF90] =	vst v17  }
0x2cb: {  	v17 =	vadd.s32 v0, v8;
	v8 =	vld.idx.msk [tilespmem:v13+s13+$0x0], $0xffff;
	[tilespmem:s24+$0xFFFFFFE0] =	vst v14  }
0x2cc: {  	v13 =	vor.u32 $0x9, v4;
	[tilespmem:s22+$0x1A0] =	vst v15;
	v11 =	vld.idx.msk [tilespmem:v11+s13+$0x0], $0xffff  }
0x2cd: {  	v14 =	vor.u32 $0x12, v2;
	[tilespmem:s23+$0x110] =	vst v12;
	v10 =	vld.idx.msk [tilespmem:v10+s13+$0x0], $0xffff  }
0x2ce: {  	v15 =	vor.u32 $0x1B, v1;
	[tilespmem:s25+$0x80] =	vst v20;
	v12 =	vld.idx.msk [tilespmem:v18+s13+$0x0], $0xffff  }
0x2cf: {  	[tilespmem:s25+$0xFFFFFE80] =	vst v19;
	v18 =	vld.idx.msk [tilespmem:v21+s13+$0x0], $0xffff;
	v19 =	vor.u32 $0x1C, v5  }
0x2d0: {  	v20 =	vld.idx.msk [tilespmem:v17+s13+$0x0], $0xffff;
	[tilespmem:s23+$0xFFFFFF10] =	vst v16;
	v16 =	vor.u32 $0x13, v3  }
0x2d1: {  	v21 =	vor.u32 $0xA, v6;
	v13 =	vld.idx.msk [tilespmem:v13+s13+$0x0], $0xffff;
	[tilespmem:s22+$0xFFFFFFA0] =	vst v8  }
0x2d2: {  	v22 =	vor.u32 $0x1, v17;
	v14 =	vld.idx.msk [tilespmem:v14+s13+$0x0], $0xffff;
	[tilespmem:s24+$0xFFFFFFF0] =	vst v11;
	s24 =	smov.u32 s22;
	s22 =	smov.u32 s23;
	s23 =	smov.u32 s25  }
0x2d3: {  	v11 =	vor.u32 $0x1, v7;
	v8 =	vld.idx.msk [tilespmem:v15+s13+$0x0], $0xffff;
	[tilespmem:s24+$0x1B0] =	vst v10  }
0x2d4: {  	v10 =	vor.u32 $0xA, v4;
	[tilespmem:s22+$0x120] =	vst v12;
	v12 =	vld.idx.msk [tilespmem:v19+s13+$0x0], $0xffff  }
0x2d5: {  	s25 =	sadd.s32 $0x400, s25;
	v15 =	vor.u32 $0x13, v2;
	[tilespmem:s23+$0x90] =	vst v18;
	v16 =	vld.idx.msk [tilespmem:v16+s13+$0x0], $0xffff  }
0x2d6: {  	v19 =	vor.u32 $0x1D, v5;
	[tilespmem:s25+$0x0] =	vst v20;
	v18 =	vld.idx.msk [tilespmem:v21+s13+$0x0], $0xffff  }
0x2d7: {  	v20 =	vor.u32 $0x14, v3;
	[tilespmem:s25+$0xFFFFFE00] =	vst v9;
	v9 =	vld.idx.msk [tilespmem:v22+s13+$0x0], $0xffff  }
0x2d8: {  	v11 =	vld.idx.msk [tilespmem:v11+s13+$0x0], $0xffff;
	[tilespmem:s23+$0xFFFFFE90] =	vst v13;
	v13 =	vor.u32 $0xB, v6  }
0x2d9: {  	v21 =	vor.u32 $0x2, v17;
	v10 =	vld.idx.msk [tilespmem:v10+s13+$0x0], $0xffff;
	[tilespmem:s22+$0xFFFFFF20] =	vst v14  }
0x2da: {  	v14 =	vor.u32 $0x2, v7;
	v15 =	vld.idx.msk [tilespmem:v15+s13+$0x0], $0xffff;
	[tilespmem:s24+$0x1C0] =	vst v12  }
0x2db: {  	v12 =	vor.u32 $0xB, v4;
	[tilespmem:s22+$0x130] =	vst v16;
	v16 =	vld.idx.msk [tilespmem:v19+s13+$0x0], $0xffff  }
0x2dc: {  	[tilespmem:s23+$0xA0] =	vst v18;
	v18 =	vor.u32 $0x14, v2;
	v19 =	vld.idx.msk [tilespmem:v20+s13+$0x0], $0xffff  }
0x2dd: {  	[tilespmem:s25+$0x10] =	vst v9;
	v9 =	vld.idx.msk [tilespmem:v13+s13+$0x0], $0xffff;
	v13 =	vor.u32 $0x1E, v5  }
0x2de: {  	v20 =	vor.u32 $0x15, v3;
	[tilespmem:s25+$0xFFFFFE10] =	vst v11;
	v11 =	vld.idx.msk [tilespmem:v21+s13+$0x0], $0xffff  }
0x2df: {  	v14 =	vld.idx.msk [tilespmem:v14+s13+$0x0], $0xffff;
	[tilespmem:s23+$0xFFFFFEA0] =	vst v10;
	v10 =	vor.u32 $0xC, v6  }
0x2e0: {  	v21 =	vor.u32 $0x3, v17;
	v12 =	vld.idx.msk [tilespmem:v12+s13+$0x0], $0xffff;
	[tilespmem:s22+$0xFFFFFF30] =	vst v15  }
0x2e1: {  	v15 =	vor.u32 $0x3, v7;
	v18 =	vld.idx.msk [tilespmem:v18+s13+$0x0], $0xffff;
	[tilespmem:s24+$0x1D0] =	vst v16  }
0x2e2: {  	v16 =	vor.u32 $0xC, v4;
	[tilespmem:s22+$0x140] =	vst v19;
	v13 =	vld.idx.msk [tilespmem:v13+s13+$0x0], $0xffff  }
0x2e3: {  	[tilespmem:s23+$0xB0] =	vst v9;
	v9 =	vor.u32 $0x15, v2;
	v19 =	vld.idx.msk [tilespmem:v20+s13+$0x0], $0xffff  }
0x2e4: {  	[tilespmem:s25+$0x20] =	vst v11;
	v10 =	vld.idx.msk [tilespmem:v10+s13+$0x0], $0xffff;
	v11 =	vor.u32 $0x1F, v5;
	v5 =	vmovc v3;
	v3 =	vmov v6;
	v6 =	vmov v17  }
0x2e5: {  	[tilespmem:s25+$0xFFFFFE20] =	vst v14;
	v14 =	vld.idx.msk [tilespmem:v21+s13+$0x0], $0xffff;
	v17 =	vor.u32 $0x16, v5  }
0x2e6: {  	v15 =	vld.idx.msk [tilespmem:v15+s13+$0x0], $0xffff;
	[tilespmem:s23+$0xFFFFFEB0] =	vst v12;
	v12 =	vor.u32 $0xD, v3  }
0x2e7: {  	v20 =	vor.u32 $0x4, v6;
	v16 =	vld.idx.msk [tilespmem:v16+s13+$0x0], $0xffff;
	[tilespmem:s22+$0xFFFFFF40] =	vst v18  }
0x2e8: {  	v18 =	vor.u32 $0x4, v7;
	v9 =	vld.idx.msk [tilespmem:v9+s13+$0x0], $0xffff;
	[tilespmem:s24+$0x1E0] =	vst v13  }
0x2e9: {  	v21 =	vor.u32 $0xD, v4;
	v13 =	vmov s26;
	[tilespmem:s22+$0x150] =	vst v19;
	v11 =	vld.idx.msk [tilespmem:v11+s13+$0x0], $0xffff  }
0x2ea: {  	v13 =	vshll.u32 v13, $0x5;
	[tilespmem:s23+$0xC0] =	vst v10;
	v10 =	vor.u32 $0x16, v2;
	v17 =	vld.idx.msk [tilespmem:v17+s13+$0x0], $0xffff  }
0x2eb: {  	v22 =	vadd.s32 v0, v13;
	[tilespmem:s25+$0x30] =	vst v14;
	v12 =	vld.idx.msk [tilespmem:v12+s13+$0x0], $0xffff  }
0x2ec: {  	v14 =	vor.u32 $0x17, v5;
	[tilespmem:s25+$0xFFFFFE30] =	vst v15;
	v13 =	vld.idx.msk [tilespmem:v20+s13+$0x0], $0xffff  }
0x2ed: {  	v15 =	vld.idx.msk [tilespmem:v18+s13+$0x0], $0xffff;
	[tilespmem:s23+$0xFFFFFEC0] =	vst v16;
	v16 =	vor.u32 $0xE, v3  }
0x2ee: {  	v18 =	vor.u32 $0x5, v6;
	v19 =	vld.idx.msk [tilespmem:v21+s13+$0x0], $0xffff;
	[tilespmem:s22+$0xFFFFFF50] =	vst v9  }
0x2ef: {  	v20 =	vor.u32 $0x5, v7;
	v10 =	vld.idx.msk [tilespmem:v10+s13+$0x0], $0xffff;
	[tilespmem:s24+$0x1F0] =	vst v11  }
0x2f0: {  	v11 =	vor.u32 $0xE, v4;
	v9 =	vld.idx.msk [tilespmem:v22+s13+$0x0], $0xffff;
	[tilespmem:s22+$0x160] =	vst v17  }
0x2f1: {  	[tilespmem:s23+$0xD0] =	vst v12;
	v12 =	vor.u32 $0x17, v2;
	v14 =	vld.idx.msk [tilespmem:v14+s13+$0x0], $0xffff  }
0x2f2: {  	[tilespmem:s25+$0x40] =	vst v13;
	v13 =	vld.idx.msk [tilespmem:v16+s13+$0x0], $0xffff;
	v16 =	vor.u32 $0x1C, v1  }
0x2f3: {  	v17 =	vor.u32 $0x18, v5;
	[tilespmem:s25+$0xFFFFFE40] =	vst v15;
	v15 =	vld.idx.msk [tilespmem:v18+s13+$0x0], $0xffff  }
0x2f4: {  	v18 =	vld.idx.msk [tilespmem:v20+s13+$0x0], $0xffff;
	[tilespmem:s23+$0xFFFFFED0] =	vst v19;
	v19 =	vor.u32 $0xF, v3  }
0x2f5: {  	v20 =	vor.u32 $0x6, v6;
	v11 =	vld.idx.msk [tilespmem:v11+s13+$0x0], $0xffff;
	[tilespmem:s22+$0xFFFFFF60] =	vst v10  }
0x2f6: {  	v10 =	vor.u32 $0x6, v7;
	v12 =	vld.idx.msk [tilespmem:v12+s13+$0x0], $0xffff;
	[tilespmem:s24+$0xFFFFFFB0] =	vst v8  }
0x2f7: {  	v8 =	vor.u32 $0xF, v4;
	[tilespmem:s22+$0x170] =	vst v14;
	v14 =	vld.idx.msk [tilespmem:v16+s13+$0x0], $0xffff  }
0x2f8: {  	[tilespmem:s23+$0xE0] =	vst v13;
	v13 =	vor.u32 $0x18, v2;
	v16 =	vld.idx.msk [tilespmem:v17+s13+$0x0], $0xffff  }
0x2f9: {  	v17 =	vor.u32 $0x1D, v1;
	[tilespmem:s25+$0x50] =	vst v15;
	v15 =	vld.idx.msk [tilespmem:v19+s13+$0x0], $0xffff  }
0x2fa: {  	v19 =	vor.u32 $0x19, v5;
	[tilespmem:s25+$0xFFFFFE50] =	vst v18;
	v18 =	vld.idx.msk [tilespmem:v20+s13+$0x0], $0xffff  }
0x2fb: {  	v10 =	vld.idx.msk [tilespmem:v10+s13+$0x0], $0xffff;
	[tilespmem:s23+$0xFFFFFEE0] =	vst v11;
	v11 =	vor.u32 $0x10, v3  }
0x2fc: {  	v20 =	vor.u32 $0x7, v6;
	v8 =	vld.idx.msk [tilespmem:v8+s13+$0x0], $0xffff;
	[tilespmem:s22+$0xFFFFFF70] =	vst v12  }
0x2fd: {  	v12 =	vor.u32 $0x7, v7;
	v13 =	vld.idx.msk [tilespmem:v13+s13+$0x0], $0xffff;
	[tilespmem:s24+$0xFFFFFFC0] =	vst v14  }
0x2fe: {  	v14 =	vor.u32 $0x10, v4;
	[tilespmem:s22+$0x180] =	vst v16;
	v16 =	vld.idx.msk [tilespmem:v17+s13+$0x0], $0xffff  }
0x2ff: {  	[tilespmem:s23+$0xF0] =	vst v15;
	v15 =	vor.u32 $0x19, v2;
	v21 =	vld.idx.msk [tilespmem:v19+s13+$0x0], $0xffff  }
0x300: {  	v23 =	vor.u32 $0x1E, v1;
	[tilespmem:s25+$0x60] =	vst v18;
	v11 =	vld.idx.msk [tilespmem:v11+s13+$0x0], $0xffff  }
0x301: {  	[tilespmem:s25+$0xFFFFFE60] =	vst v10;
	v10 =	vld.idx.msk [tilespmem:v20+s13+$0x0], $0xffff;
	v20 =	vor.u32 $0x1A, v5  }
0x302: {  	v24 =	vld.idx.msk [tilespmem:v12+s13+$0x0], $0xffff;
	[tilespmem:s23+$0xFFFFFEF0] =	vst v8;
	v8 =	vor.u32 $0x11, v3  }
0x303: {  	v25 =	vor.u32 $0x8, v6;
	v18 =	vld.idx.msk [tilespmem:v14+s13+$0x0], $0xffff;
	[tilespmem:s22+$0xFFFFFF80] =	vst v13  }
.Ltmp2:
0x304: {  	v19 =	vor.u32 $0x8, v7;
	v17 =	vld.idx.msk [tilespmem:v15+s13+$0x0], $0xffff;
	[tilespmem:s24+$0xFFFFFFD0] =	vst v16;
	(pc) =	sbr.rel @p0 .LBB2_7-.Ltmp2, $4  }
0x305: {  	v16 =	vor.u32 $0x11, v4;
	[tilespmem:s22+$0x190] =	vst v21;
	v14 =	vld.idx.msk [tilespmem:v23+s13+$0x0], $0xffff  }
0x306: {  	v13 =	vor.u32 $0x1A, v2;
	[tilespmem:s23+$0x100] =	vst v11;
	v15 =	vld.idx.msk [tilespmem:v20+s13+$0x0], $0xffff  }
0x307: {  	v11 =	vor.u32 $0x1F, v1;
	v1 =	vmovc v2;
	v2 =	vmovc v4;
	v4 =	vmov v7;
	v7 =	vmov v22;
	[tilespmem:s25+$0x70] =	vst v10;
	v12 =	vld.idx.msk [tilespmem:v8+s13+$0x0], $0xffff  }
0x308: {  	s28 =	sadd.s32 $0x1, s26;
	s26 =	sadd.s32 $0x2, s26;
	v10 =	vor.u32 $0x1B, v5;
	[tilespmem:s25+$0xFFFFFE70] =	vst v24;
	v20 =	vld.idx.msk [tilespmem:v25+s13+$0x0], $0xffff  }
0x309: {  	v8 =	vmov s28  }
0x30a: {  	v8 =	vshll.u32 v8, $0x5  }
0x30b: {  	v8 =	vadd.s32 v0, v8;
	_ =	sdelay $0x3  }
0x30c: {  	v23 =	vor.u32 $0x1, v7  }
0x30d: {  	v21 =	vld.idx.msk [tilespmem:v8+s13+$0x0], $0xffff  }
0x30e: {  	v22 =	vor.u32 $0x1, v8  }
0x30f: {  	s26 =	sadd.s32 $0x400, s25  }
0x310: {  	[tilespmem:s26+$0xFFFFFE00] =	vst v9  }
0x311: {  	v26 =	vld.idx.msk [tilespmem:v23+s13+$0x0], $0xffff  }
0x312: {  	v28 =	vor.u32 $0x2, v7;
	[tilespmem:s26+$0x0] =	vst v21  }
0x313: {  	v25 =	vld.idx.msk [tilespmem:v22+s13+$0x0], $0xffff  }
0x314: {  	v27 =	vor.u32 $0x2, v8;
	_ =	sdelay $0x1  }
0x315: {  	[tilespmem:s26+$0xFFFFFE10] =	vst v26  }
0x316: {  	v21 =	vld.idx.msk [tilespmem:v28+s13+$0x0], $0xffff  }
0x317: {  	v30 =	vor.u32 $0x3, v7;
	[tilespmem:s26+$0x10] =	vst v25  }
0x318: {  	v9 =	vld.idx.msk [tilespmem:v27+s13+$0x0], $0xffff  }
0x319: {  	v29 =	vor.u32 $0x3, v8;
	_ =	sdelay $0x1  }
0x31a: {  	[tilespmem:s26+$0xFFFFFE20] =	vst v21  }
0x31b: {  	v21 =	vld.idx.msk [tilespmem:v30+s13+$0x0], $0xffff  }
0x31c: {  	v32 =	vor.u32 $0x4, v7;
	[tilespmem:s26+$0x20] =	vst v9  }
0x31d: {  	v9 =	vld.idx.msk [tilespmem:v29+s13+$0x0], $0xffff  }
0x31e: {  	v31 =	vor.u32 $0x4, v8;
	_ =	sdelay $0x1  }
0x31f: {  	[tilespmem:s26+$0xFFFFFE30] =	vst v21  }
0x320: {  	v21 =	vld.idx.msk [tilespmem:v32+s13+$0x0], $0xffff  }
0x321: {  	v34 =	vor.u32 $0x5, v7;
	[tilespmem:s26+$0x30] =	vst v9  }
0x322: {  	v9 =	vld.idx.msk [tilespmem:v31+s13+$0x0], $0xffff  }
0x323: {  	v33 =	vor.u32 $0x5, v8;
	_ =	sdelay $0x1  }
0x324: {  	[tilespmem:s26+$0xFFFFFE40] =	vst v21  }
0x325: {  	v21 =	vld.idx.msk [tilespmem:v34+s13+$0x0], $0xffff  }
0x326: {  	v36 =	vor.u32 $0x6, v7;
	[tilespmem:s26+$0x40] =	vst v9  }
0x327: {  	v9 =	vld.idx.msk [tilespmem:v33+s13+$0x0], $0xffff  }
0x328: {  	v35 =	vor.u32 $0x6, v8;
	_ =	sdelay $0x1  }
0x329: {  	[tilespmem:s26+$0xFFFFFE50] =	vst v21  }
0x32a: {  	v21 =	vld.idx.msk [tilespmem:v36+s13+$0x0], $0xffff  }
0x32b: {  	v38 =	vor.u32 $0x7, v7;
	[tilespmem:s26+$0x50] =	vst v9  }
0x32c: {  	v9 =	vld.idx.msk [tilespmem:v35+s13+$0x0], $0xffff  }
0x32d: {  	v37 =	vor.u32 $0x7, v8;
	_ =	sdelay $0x1  }
0x32e: {  	[tilespmem:s26+$0xFFFFFE60] =	vst v21  }
0x32f: {  	v21 =	vld.idx.msk [tilespmem:v38+s13+$0x0], $0xffff  }
0x330: {  	v40 =	vor.u32 $0x8, v7;
	[tilespmem:s26+$0x60] =	vst v9  }
0x331: {  	v9 =	vld.idx.msk [tilespmem:v37+s13+$0x0], $0xffff  }
0x332: {  	v39 =	vor.u32 $0x8, v8;
	_ =	sdelay $0x1  }
0x333: {  	[tilespmem:s26+$0xFFFFFE70] =	vst v21  }
0x334: {  	v24 =	vor.u32 $0x9, v6;
	v43 =	vld.idx.msk [tilespmem:v40+s13+$0x0], $0xffff  }
0x335: {  	v19 =	vld.idx.msk [tilespmem:v19+s13+$0x0], $0xffff;
	v25 =	vor.u32 $0x9, v7;
	[tilespmem:s26+$0x70] =	vst v9  }
0x336: {  	v41 =	vor.u32 $0x9, v4;
	v42 =	vld.idx.msk [tilespmem:v39+s13+$0x0], $0xffff  }
0x337: {  	[tilespmem:s23+$0xFFFFFF00] =	vst v18;
	v44 =	vor.u32 $0x9, v8  }
0x338: {  	[tilespmem:s25+$0x80] =	vst v20  }
0x339: {  	v45 =	vld.idx.msk [tilespmem:v24+s13+$0x0], $0xffff;
	[tilespmem:s26+$0xFFFFFE80] =	vst v43  }
0x33a: {  	v46 =	vor.u32 $0xA, v6;
	[tilespmem:s25+$0xFFFFFE80] =	vst v19;
	v49 =	vld.idx.msk [tilespmem:v25+s13+$0x0], $0xffff  }
0x33b: {  	v51 =	vor.u32 $0xA, v7;
	v9 =	vld.idx.msk [tilespmem:v41+s13+$0x0], $0xffff;
	[tilespmem:s26+$0x80] =	vst v42  }
0x33c: {  	v47 =	vor.u32 $0xA, v4;
	[tilespmem:s22+$0xFFFFFF90] =	vst v17;
	v48 =	vld.idx.msk [tilespmem:v44+s13+$0x0], $0xffff  }
0x33d: {  	[tilespmem:s24+$0xFFFFFFE0] =	vst v14;
	v50 =	vor.u32 $0xA, v8  }
0x33e: {  	[tilespmem:s25+$0x90] =	vst v45  }
0x33f: {  	v52 =	vld.idx.msk [tilespmem:v46+s13+$0x0], $0xffff;
	[tilespmem:s26+$0xFFFFFE90] =	vst v49  }
0x340: {  	v53 =	vor.u32 $0xB, v6;
	[tilespmem:s25+$0xFFFFFE90] =	vst v9;
	v17 =	vld.idx.msk [tilespmem:v51+s13+$0x0], $0xffff  }
0x341: {  	v58 =	vor.u32 $0xB, v7;
	v54 =	vld.idx.msk [tilespmem:v47+s13+$0x0], $0xffff;
	[tilespmem:s26+$0x90] =	vst v48  }
0x342: {  	v55 =	vor.u32 $0xB, v4;
	[tilespmem:s22+$0x1A0] =	vst v15;
	v56 =	vld.idx.msk [tilespmem:v50+s13+$0x0], $0xffff  }
0x343: {  	v16 =	vld.idx.msk [tilespmem:v16+s13+$0x0], $0xffff;
	v57 =	vor.u32 $0xB, v8;
	[tilespmem:s23+$0x110] =	vst v12  }
0x344: {  	v13 =	vld.idx.msk [tilespmem:v13+s13+$0x0], $0xffff;
	[tilespmem:s25+$0xA0] =	vst v52  }
0x345: {  	v9 =	vld.idx.msk [tilespmem:v53+s13+$0x0], $0xffff;
	[tilespmem:s26+$0xFFFFFEA0] =	vst v17  }
0x346: {  	v59 =	vor.u32 $0xC, v6;
	[tilespmem:s25+$0xFFFFFEA0] =	vst v54;
	v15 =	vld.idx.msk [tilespmem:v58+s13+$0x0], $0xffff  }
0x347: {  	v62 =	vor.u32 $0xC, v7;
	v18 =	vld.idx.msk [tilespmem:v55+s13+$0x0], $0xffff;
	[tilespmem:s26+$0xA0] =	vst v56  }
0x348: {  	v60 =	vor.u32 $0xC, v4;
	[tilespmem:s23+$0xFFFFFF10] =	vst v16;
	v14 =	vld.idx.msk [tilespmem:v57+s13+$0x0], $0xffff  }
0x349: {  	v11 =	vld.idx.msk [tilespmem:v11+s13+$0x0], $0xffff;
	v61 =	vor.u32 $0xC, v8;
	[tilespmem:s22+$0xFFFFFFA0] =	vst v13  }
0x34a: {  	v10 =	vld.idx.msk [tilespmem:v10+s13+$0x0], $0xffff;
	v27 =	vor.u32 $0x12, v2;
	[tilespmem:s25+$0xB0] =	vst v9  }
0x34b: {  	v63 =	vor.u32 $0x12, v3;
	v21 =	vld.idx.msk [tilespmem:v59+s13+$0x0], $0xffff;
	[tilespmem:s26+$0xFFFFFEB0] =	vst v15  }
0x34c: {  	v22 =	vor.u32 $0xD, v6;
	[tilespmem:s25+$0xFFFFFEB0] =	vst v18;
	v15 =	vld.idx.msk [tilespmem:v62+s13+$0x0], $0xffff  }
0x34d: {  	v26 =	vor.u32 $0xD, v7;
	v23 =	vld.idx.msk [tilespmem:v60+s13+$0x0], $0xffff;
	[tilespmem:s26+$0xB0] =	vst v14  }
0x34e: {  	v24 =	vor.u32 $0xD, v4;
	[tilespmem:s24+$0xFFFFFFF0] =	vst v11;
	v12 =	vld.idx.msk [tilespmem:v61+s13+$0x0], $0xffff  }
0x34f: {  	[tilespmem:s22+$0x1B0] =	vst v10;
	v32 =	vld.idx.msk [tilespmem:v27+s13+$0x0], $0xffff;
	v25 =	vor.u32 $0xD, v8  }
0x350: {  	v28 =	vor.u32 $0x1C, v5;
	v9 =	vld.idx.msk [tilespmem:v63+s13+$0x0], $0xffff;
	[tilespmem:s25+$0xC0] =	vst v21  }
0x351: {  	v34 =	vor.u32 $0x13, v3;
	v18 =	vld.idx.msk [tilespmem:v22+s13+$0x0], $0xffff;
	[tilespmem:s26+$0xFFFFFEC0] =	vst v15  }
0x352: {  	v29 =	vor.u32 $0xE, v6;
	[tilespmem:s25+$0xFFFFFEC0] =	vst v23;
	v11 =	vld.idx.msk [tilespmem:v26+s13+$0x0], $0xffff  }
0x353: {  	v33 =	vor.u32 $0xE, v7;
	v14 =	vld.idx.msk [tilespmem:v24+s13+$0x0], $0xffff;
	[tilespmem:s26+$0xC0] =	vst v12  }
0x354: {  	v30 =	vor.u32 $0xE, v4;
	[tilespmem:s23+$0xFFFFFF20] =	vst v32;
	v13 =	vld.idx.msk [tilespmem:v25+s13+$0x0], $0xffff  }
0x355: {  	v31 =	vor.u32 $0xE, v8;
	v17 =	vld.idx.msk [tilespmem:v28+s13+$0x0], $0xffff;
	[tilespmem:s23+$0x120] =	vst v9  }
0x356: {  	v41 =	vor.u32 $0x1D, v5;
	v39 =	vld.idx.msk [tilespmem:v34+s13+$0x0], $0xffff;
	[tilespmem:s25+$0xD0] =	vst v18  }
0x357: {  	v35 =	vor.u32 $0x13, v2;
	v19 =	vld.idx.msk [tilespmem:v29+s13+$0x0], $0xffff;
	[tilespmem:s26+$0xFFFFFED0] =	vst v11  }
0x358: {  	v36 =	vor.u32 $0xF, v6;
	[tilespmem:s25+$0xFFFFFED0] =	vst v14;
	v9 =	vld.idx.msk [tilespmem:v33+s13+$0x0], $0xffff  }
0x359: {  	v40 =	vor.u32 $0xF, v7;
	v12 =	vld.idx.msk [tilespmem:v30+s13+$0x0], $0xffff;
	[tilespmem:s26+$0xD0] =	vst v13  }
0x35a: {  	v37 =	vor.u32 $0xF, v4;
	[tilespmem:s22+$0x1C0] =	vst v17;
	v10 =	vld.idx.msk [tilespmem:v31+s13+$0x0], $0xffff  }
0x35b: {  	v38 =	vor.u32 $0xF, v8;
	v47 =	vld.idx.msk [tilespmem:v41+s13+$0x0], $0xffff;
	[tilespmem:s23+$0x130] =	vst v39  }
0x35c: {  	v42 =	vor.u32 $0x14, v3;
	v18 =	vld.idx.msk [tilespmem:v35+s13+$0x0], $0xffff;
	[tilespmem:s25+$0xE0] =	vst v19  }
0x35d: {  	v49 =	vor.u32 $0x14, v2;
	v14 =	vld.idx.msk [tilespmem:v36+s13+$0x0], $0xffff;
	[tilespmem:s26+$0xFFFFFEE0] =	vst v9  }
0x35e: {  	v43 =	vor.u32 $0x10, v6;
	[tilespmem:s25+$0xFFFFFEE0] =	vst v12;
	v46 =	vld.idx.msk [tilespmem:v40+s13+$0x0], $0xffff  }
0x35f: {  	v48 =	vor.u32 $0x10, v7;
	v13 =	vld.idx.msk [tilespmem:v37+s13+$0x0], $0xffff;
	[tilespmem:s26+$0xE0] =	vst v10  }
0x360: {  	v44 =	vor.u32 $0x10, v4;
	[tilespmem:s22+$0x1D0] =	vst v47;
	v11 =	vld.idx.msk [tilespmem:v38+s13+$0x0], $0xffff  }
0x361: {  	v45 =	vor.u32 $0x10, v8;
	[tilespmem:s23+$0xFFFFFF30] =	vst v18;
	v19 =	vld.idx.msk [tilespmem:v42+s13+$0x0], $0xffff  }
0x362: {  	v50 =	vor.u32 $0x1E, v5;
	v55 =	vld.idx.msk [tilespmem:v49+s13+$0x0], $0xffff;
	[tilespmem:s25+$0xF0] =	vst v14  }
0x363: {  	v57 =	vor.u32 $0x15, v3;
	v12 =	vld.idx.msk [tilespmem:v43+s13+$0x0], $0xffff;
	[tilespmem:s26+$0xFFFFFEF0] =	vst v46  }
0x364: {  	v51 =	vor.u32 $0x11, v6;
	[tilespmem:s25+$0xFFFFFEF0] =	vst v13;
	v54 =	vld.idx.msk [tilespmem:v48+s13+$0x0], $0xffff  }
0x365: {  	v56 =	vor.u32 $0x11, v7;
	v10 =	vld.idx.msk [tilespmem:v44+s13+$0x0], $0xffff;
	[tilespmem:s26+$0xF0] =	vst v11  }
0x366: {  	v52 =	vor.u32 $0x11, v4;
	[tilespmem:s23+$0x140] =	vst v19;
	v9 =	vld.idx.msk [tilespmem:v45+s13+$0x0], $0xffff  }
0x367: {  	v53 =	vor.u32 $0x11, v8;
	[tilespmem:s23+$0xFFFFFF40] =	vst v55;
	v14 =	vld.idx.msk [tilespmem:v50+s13+$0x0], $0xffff  }
0x368: {  	v58 =	vor.u32 $0x15, v2;
	v63 =	vld.idx.msk [tilespmem:v57+s13+$0x0], $0xffff;
	[tilespmem:s25+$0x100] =	vst v12  }
0x369: {  	v22 =	vor.u32 $0x1F, v5;
	v13 =	vld.idx.msk [tilespmem:v51+s13+$0x0], $0xffff;
	[tilespmem:s26+$0xFFFFFF00] =	vst v54  }
0x36a: {  	v59 =	vor.u32 $0x12, v6;
	[tilespmem:s25+$0xFFFFFF00] =	vst v10;
	v62 =	vld.idx.msk [tilespmem:v56+s13+$0x0], $0xffff  }
0x36b: {  	v21 =	vor.u32 $0x12, v7;
	v11 =	vld.idx.msk [tilespmem:v52+s13+$0x0], $0xffff;
	[tilespmem:s26+$0x100] =	vst v9  }
0x36c: {  	v60 =	vor.u32 $0x12, v4;
	[tilespmem:s22+$0x1E0] =	vst v14;
	v15 =	vld.idx.msk [tilespmem:v53+s13+$0x0], $0xffff  }
0x36d: {  	v61 =	vor.u32 $0x12, v8;
	[tilespmem:s23+$0x150] =	vst v63;
	v12 =	vld.idx.msk [tilespmem:v58+s13+$0x0], $0xffff  }
0x36e: {  	v23 =	vor.u32 $0x16, v3;
	v5 =	vld.idx.msk [tilespmem:v22+s13+$0x0], $0xffff;
	[tilespmem:s25+$0x110] =	vst v13  }
0x36f: {  	v28 =	vor.u32 $0x16, v2;
	v10 =	vld.idx.msk [tilespmem:v59+s13+$0x0], $0xffff;
	[tilespmem:s26+$0xFFFFFF10] =	vst v62  }
0x370: {  	v24 =	vor.u32 $0x13, v6;
	[tilespmem:s25+$0xFFFFFF10] =	vst v11;
	v14 =	vld.idx.msk [tilespmem:v21+s13+$0x0], $0xffff  }
0x371: {  	v27 =	vor.u32 $0x13, v7;
	v9 =	vld.idx.msk [tilespmem:v60+s13+$0x0], $0xffff;
	[tilespmem:s26+$0x110] =	vst v15  }
0x372: {  	v25 =	vor.u32 $0x13, v4;
	[tilespmem:s23+$0xFFFFFF50] =	vst v12;
	v16 =	vld.idx.msk [tilespmem:v61+s13+$0x0], $0xffff  }
0x373: {  	v26 =	vor.u32 $0x13, v8;
	[tilespmem:s22+$0x1F0] =	vst v5;
	v13 =	vld.idx.msk [tilespmem:v23+s13+$0x0], $0xffff  }
0x374: {  	v29 =	vor.u32 $0x1B, v1;
	v33 =	vld.idx.msk [tilespmem:v28+s13+$0x0], $0xffff;
	[tilespmem:s25+$0x120] =	vst v10  }
0x375: {  	v35 =	vor.u32 $0x17, v3;
	v11 =	vld.idx.msk [tilespmem:v24+s13+$0x0], $0xffff;
	[tilespmem:s26+$0xFFFFFF20] =	vst v14  }
0x376: {  	v30 =	vor.u32 $0x14, v6;
	[tilespmem:s25+$0xFFFFFF20] =	vst v9;
	v12 =	vld.idx.msk [tilespmem:v27+s13+$0x0], $0xffff  }
0x377: {  	v34 =	vor.u32 $0x14, v7;
	v15 =	vld.idx.msk [tilespmem:v25+s13+$0x0], $0xffff;
	[tilespmem:s26+$0x120] =	vst v16  }
0x378: {  	v31 =	vor.u32 $0x14, v4;
	[tilespmem:s23+$0x160] =	vst v13;
	v17 =	vld.idx.msk [tilespmem:v26+s13+$0x0], $0xffff  }
0x379: {  	v32 =	vor.u32 $0x14, v8;
	[tilespmem:s23+$0xFFFFFF60] =	vst v33;
	v10 =	vld.idx.msk [tilespmem:v29+s13+$0x0], $0xffff  }
0x37a: {  	v36 =	vor.u32 $0x17, v2;
	v40 =	vld.idx.msk [tilespmem:v35+s13+$0x0], $0xffff;
	[tilespmem:s25+$0x130] =	vst v11  }
0x37b: {  	v42 =	vor.u32 $0x1C, v1;
	v9 =	vld.idx.msk [tilespmem:v30+s13+$0x0], $0xffff;
	[tilespmem:s26+$0xFFFFFF30] =	vst v12  }
0x37c: {  	v37 =	vor.u32 $0x15, v6;
	[tilespmem:s25+$0xFFFFFF30] =	vst v15;
	v13 =	vld.idx.msk [tilespmem:v34+s13+$0x0], $0xffff  }
0x37d: {  	v41 =	vor.u32 $0x15, v7;
	v16 =	vld.idx.msk [tilespmem:v31+s13+$0x0], $0xffff;
	[tilespmem:s26+$0x130] =	vst v17  }
0x37e: {  	v38 =	vor.u32 $0x15, v4;
	[tilespmem:s22+$0xFFFFFFB0] =	vst v10;
	v5 =	vld.idx.msk [tilespmem:v32+s13+$0x0], $0xffff  }
0x37f: {  	v39 =	vor.u32 $0x15, v8;
	[tilespmem:s23+$0x170] =	vst v40;
	v11 =	vld.idx.msk [tilespmem:v36+s13+$0x0], $0xffff  }
0x380: {  	v43 =	vor.u32 $0x18, v3;
	v47 =	vld.idx.msk [tilespmem:v42+s13+$0x0], $0xffff;
	[tilespmem:s25+$0x140] =	vst v9  }
0x381: {  	v49 =	vor.u32 $0x18, v2;
	v15 =	vld.idx.msk [tilespmem:v37+s13+$0x0], $0xffff;
	[tilespmem:s26+$0xFFFFFF40] =	vst v13  }
0x382: {  	v44 =	vor.u32 $0x16, v6;
	[tilespmem:s25+$0xFFFFFF40] =	vst v16;
	v10 =	vld.idx.msk [tilespmem:v41+s13+$0x0], $0xffff  }
0x383: {  	v48 =	vor.u32 $0x16, v7;
	v17 =	vld.idx.msk [tilespmem:v38+s13+$0x0], $0xffff;
	[tilespmem:s26+$0x140] =	vst v5  }
0x384: {  	v45 =	vor.u32 $0x16, v4;
	[tilespmem:s23+$0xFFFFFF70] =	vst v11;
	v12 =	vld.idx.msk [tilespmem:v39+s13+$0x0], $0xffff  }
0x385: {  	v46 =	vor.u32 $0x16, v8;
	[tilespmem:s22+$0xFFFFFFC0] =	vst v47;
	v9 =	vld.idx.msk [tilespmem:v43+s13+$0x0], $0xffff  }
0x386: {  	v50 =	vor.u32 $0x1D, v1;
	v54 =	vld.idx.msk [tilespmem:v49+s13+$0x0], $0xffff;
	[tilespmem:s25+$0x150] =	vst v15  }
0x387: {  	v56 =	vor.u32 $0x19, v3;
	v16 =	vld.idx.msk [tilespmem:v44+s13+$0x0], $0xffff;
	[tilespmem:s26+$0xFFFFFF50] =	vst v10  }
0x388: {  	v51 =	vor.u32 $0x17, v6;
	[tilespmem:s25+$0xFFFFFF50] =	vst v17;
	v11 =	vld.idx.msk [tilespmem:v48+s13+$0x0], $0xffff  }
0x389: {  	v55 =	vor.u32 $0x17, v7;
	v5 =	vld.idx.msk [tilespmem:v45+s13+$0x0], $0xffff;
	[tilespmem:s26+$0x150] =	vst v12  }
0x38a: {  	v52 =	vor.u32 $0x17, v4;
	[tilespmem:s23+$0x180] =	vst v9;
	v13 =	vld.idx.msk [tilespmem:v46+s13+$0x0], $0xffff  }
0x38b: {  	v53 =	vor.u32 $0x17, v8;
	[tilespmem:s23+$0xFFFFFF80] =	vst v54;
	v15 =	vld.idx.msk [tilespmem:v50+s13+$0x0], $0xffff  }
0x38c: {  	v57 =	vor.u32 $0x19, v2;
	v61 =	vld.idx.msk [tilespmem:v56+s13+$0x0], $0xffff;
	[tilespmem:s25+$0x160] =	vst v16  }
0x38d: {  	v63 =	vor.u32 $0x1E, v1;
	v17 =	vld.idx.msk [tilespmem:v51+s13+$0x0], $0xffff;
	[tilespmem:s26+$0xFFFFFF60] =	vst v11  }
0x38e: {  	v58 =	vor.u32 $0x18, v6;
	[tilespmem:s25+$0xFFFFFF60] =	vst v5;
	v9 =	vld.idx.msk [tilespmem:v55+s13+$0x0], $0xffff  }
0x38f: {  	v62 =	vor.u32 $0x18, v7;
	v12 =	vld.idx.msk [tilespmem:v52+s13+$0x0], $0xffff;
	[tilespmem:s26+$0x160] =	vst v13  }
0x390: {  	v59 =	vor.u32 $0x18, v4;
	[tilespmem:s22+$0xFFFFFFD0] =	vst v15;
	v10 =	vld.idx.msk [tilespmem:v53+s13+$0x0], $0xffff  }
0x391: {  	v60 =	vor.u32 $0x18, v8;
	[tilespmem:s23+$0x190] =	vst v61;
	v16 =	vld.idx.msk [tilespmem:v57+s13+$0x0], $0xffff  }
0x392: {  	v21 =	vor.u32 $0x1A, v3;
	v26 =	vld.idx.msk [tilespmem:v63+s13+$0x0], $0xffff;
	[tilespmem:s25+$0x170] =	vst v17  }
0x393: {  	v1 =	vor.u32 $0x1F, v1;
	v5 =	vld.idx.msk [tilespmem:v58+s13+$0x0], $0xffff;
	[tilespmem:s26+$0xFFFFFF70] =	vst v9  }
0x394: {  	v22 =	vor.u32 $0x19, v6;
	[tilespmem:s25+$0xFFFFFF70] =	vst v12;
	v25 =	vld.idx.msk [tilespmem:v62+s13+$0x0], $0xffff  }
0x395: {  	v27 =	vor.u32 $0x19, v7;
	v13 =	vld.idx.msk [tilespmem:v59+s13+$0x0], $0xffff;
	[tilespmem:s26+$0x170] =	vst v10  }
0x396: {  	v23 =	vor.u32 $0x19, v4;
	[tilespmem:s23+$0xFFFFFF90] =	vst v16;
	v11 =	vld.idx.msk [tilespmem:v60+s13+$0x0], $0xffff  }
0x397: {  	v24 =	vor.u32 $0x19, v8;
	[tilespmem:s22+$0xFFFFFFE0] =	vst v26;
	v17 =	vld.idx.msk [tilespmem:v21+s13+$0x0], $0xffff  }
0x398: {  	v28 =	vor.u32 $0x1A, v2;
	v1 =	vld.idx.msk [tilespmem:v1+s13+$0x0], $0xffff;
	[tilespmem:s25+$0x180] =	vst v5  }
0x399: {  	v34 =	vor.u32 $0x1B, v3;
	v5 =	vld.idx.msk [tilespmem:v22+s13+$0x0], $0xffff;
	[tilespmem:s26+$0xFFFFFF80] =	vst v25  }
0x39a: {  	v29 =	vor.u32 $0x1A, v6;
	[tilespmem:s25+$0xFFFFFF80] =	vst v13;
	v14 =	vld.idx.msk [tilespmem:v27+s13+$0x0], $0xffff  }
0x39b: {  	v33 =	vor.u32 $0x1A, v7;
	v10 =	vld.idx.msk [tilespmem:v23+s13+$0x0], $0xffff;
	[tilespmem:s26+$0x180] =	vst v11  }
0x39c: {  	v30 =	vor.u32 $0x1A, v4;
	[tilespmem:s23+$0x1A0] =	vst v17;
	v9 =	vld.idx.msk [tilespmem:v24+s13+$0x0], $0xffff  }
0x39d: {  	v31 =	vor.u32 $0x1A, v8;
	v32 =	vld.idx.msk [tilespmem:v28+s13+$0x0], $0xffff;
	[tilespmem:s22+$0xFFFFFFF0] =	vst v1  }
0x39e: {  	v35 =	vor.u32 $0x1B, v2;
	v40 =	vld.idx.msk [tilespmem:v34+s13+$0x0], $0xffff;
	[tilespmem:s25+$0x190] =	vst v5  }
0x39f: {  	v41 =	vor.u32 $0x1C, v3;
	v12 =	vld.idx.msk [tilespmem:v29+s13+$0x0], $0xffff;
	[tilespmem:s26+$0xFFFFFF90] =	vst v14  }
0x3a0: {  	v36 =	vor.u32 $0x1B, v6;
	[tilespmem:s25+$0xFFFFFF90] =	vst v10;
	v39 =	vld.idx.msk [tilespmem:v33+s13+$0x0], $0xffff  }
0x3a1: {  	v1 =	vor.u32 $0x1B, v7;
	v11 =	vld.idx.msk [tilespmem:v30+s13+$0x0], $0xffff;
	[tilespmem:s26+$0x190] =	vst v9  }
0x3a2: {  	v37 =	vor.u32 $0x1B, v4;
	[tilespmem:s23+$0xFFFFFFA0] =	vst v32;
	v13 =	vld.idx.msk [tilespmem:v31+s13+$0x0], $0xffff  }
0x3a3: {  	v38 =	vor.u32 $0x1B, v8;
	[tilespmem:s23+$0x1B0] =	vst v40;
	v5 =	vld.idx.msk [tilespmem:v35+s13+$0x0], $0xffff  }
0x3a4: {  	v42 =	vor.u32 $0x1C, v2;
	v16 =	vld.idx.msk [tilespmem:v41+s13+$0x0], $0xffff;
	[tilespmem:s25+$0x1A0] =	vst v12  }
0x3a5: {  	v47 =	vor.u32 $0x1D, v3;
	v10 =	vld.idx.msk [tilespmem:v36+s13+$0x0], $0xffff;
	[tilespmem:s26+$0xFFFFFFA0] =	vst v39  }
0x3a6: {  	v43 =	vor.u32 $0x1C, v6;
	[tilespmem:s25+$0xFFFFFFA0] =	vst v11;
	v1 =	vld.idx.msk [tilespmem:v1+s13+$0x0], $0xffff  }
0x3a7: {  	v46 =	vor.u32 $0x1C, v7;
	v9 =	vld.idx.msk [tilespmem:v37+s13+$0x0], $0xffff;
	[tilespmem:s26+$0x1A0] =	vst v13  }
0x3a8: {  	v44 =	vor.u32 $0x1C, v4;
	[tilespmem:s23+$0xFFFFFFB0] =	vst v5;
	v14 =	vld.idx.msk [tilespmem:v38+s13+$0x0], $0xffff  }
0x3a9: {  	v45 =	vor.u32 $0x1C, v8;
	[tilespmem:s23+$0x1C0] =	vst v16;
	v12 =	vld.idx.msk [tilespmem:v42+s13+$0x0], $0xffff  }
0x3aa: {  	v48 =	vor.u32 $0x1D, v2;
	v16 =	vld.idx.msk [tilespmem:v47+s13+$0x0], $0xffff;
	[tilespmem:s25+$0x1B0] =	vst v10  }
0x3ab: {  	v52 =	vor.u32 $0x1E, v3;
	v11 =	vld.idx.msk [tilespmem:v43+s13+$0x0], $0xffff;
	[tilespmem:s26+$0xFFFFFFB0] =	vst v1  }
0x3ac: {  	v49 =	vor.u32 $0x1D, v6;
	[tilespmem:s25+$0xFFFFFFB0] =	vst v9;
	v5 =	vld.idx.msk [tilespmem:v46+s13+$0x0], $0xffff  }
0x3ad: {  	v51 =	vor.u32 $0x1D, v7;
	v13 =	vld.idx.msk [tilespmem:v44+s13+$0x0], $0xffff;
	[tilespmem:s26+$0x1B0] =	vst v14  }
0x3ae: {  	v50 =	vor.u32 $0x1D, v4;
	[tilespmem:s23+$0xFFFFFFC0] =	vst v12;
	v15 =	vld.idx.msk [tilespmem:v45+s13+$0x0], $0xffff  }
0x3af: {  	[tilespmem:s23+$0x1D0] =	vst v16;
	v10 =	vld.idx.msk [tilespmem:v48+s13+$0x0], $0xffff;
	v1 =	vor.u32 $0x1D, v8  }
0x3b0: {  	v53 =	vor.u32 $0x1E, v2;
	v16 =	vld.idx.msk [tilespmem:v52+s13+$0x0], $0xffff;
	[tilespmem:s25+$0x1C0] =	vst v11  }
0x3b1: {  	v3 =	vor.u32 $0x1F, v3;
	v9 =	vld.idx.msk [tilespmem:v49+s13+$0x0], $0xffff;
	[tilespmem:s26+$0xFFFFFFC0] =	vst v5  }
0x3b2: {  	v54 =	vor.u32 $0x1E, v6;
	[tilespmem:s25+$0xFFFFFFC0] =	vst v13;
	v12 =	vld.idx.msk [tilespmem:v51+s13+$0x0], $0xffff  }
0x3b3: {  	v57 =	vor.u32 $0x1E, v7;
	v14 =	vld.idx.msk [tilespmem:v50+s13+$0x0], $0xffff;
	[tilespmem:s26+$0x1C0] =	vst v15  }
0x3b4: {  	v55 =	vor.u32 $0x1E, v4;
	[tilespmem:s23+$0xFFFFFFD0] =	vst v10;
	v1 =	vld.idx.msk [tilespmem:v1+s13+$0x0], $0xffff  }
0x3b5: {  	v56 =	vor.u32 $0x1E, v8;
	[tilespmem:s23+$0x1E0] =	vst v16;
	v11 =	vld.idx.msk [tilespmem:v53+s13+$0x0], $0xffff  }
0x3b6: {  	v3 =	vld.idx.msk [tilespmem:v3+s13+$0x0], $0xffff;
	[tilespmem:s25+$0x1D0] =	vst v9  }
0x3b7: {  	v2 =	vor.u32 $0x1F, v2;
	v9 =	vld.idx.msk [tilespmem:v54+s13+$0x0], $0xffff;
	[tilespmem:s26+$0xFFFFFFD0] =	vst v12  }
0x3b8: {  	v58 =	vor.u32 $0x1F, v6;
	[tilespmem:s25+$0xFFFFFFD0] =	vst v14;
	v62 =	vld.idx.msk [tilespmem:v57+s13+$0x0], $0xffff  }
0x3b9: {  	v63 =	vor.u32 $0x1F, v7;
	v59 =	vld.idx.msk [tilespmem:v55+s13+$0x0], $0xffff;
	[tilespmem:s26+$0x1D0] =	vst v1  }
0x3ba: {  	[tilespmem:s23+$0xFFFFFFE0] =	vst v11;
	v1 =	vor.u32 $0x1F, v4;
	v60 =	vld.idx.msk [tilespmem:v56+s13+$0x0], $0xffff  }
0x3bb: {  	v61 =	vor.u32 $0x1F, v8;
	[tilespmem:s23+$0x1F0] =	vst v3  }
0x3bc: {  	v2 =	vld.idx.msk [tilespmem:v2+s13+$0x0], $0xffff;
	[tilespmem:s25+$0x1E0] =	vst v9  }
0x3bd: {  	v6 =	vld.idx.msk [tilespmem:v58+s13+$0x0], $0xffff;
	[tilespmem:s26+$0xFFFFFFE0] =	vst v62  }
0x3be: {  	[tilespmem:s25+$0xFFFFFFE0] =	vst v59;
	v3 =	vld.idx.msk [tilespmem:v63+s13+$0x0], $0xffff  }
0x3bf: {  	s21 =	sshll.u32 s21, $0x4;
	v1 =	vld.idx.msk [tilespmem:v1+s13+$0x0], $0xffff;
	[tilespmem:s26+$0x1E0] =	vst v60  }
0x3c0: {  	s30 =	sadd.s32 s7, s21;
	v4 =	vld.idx.msk [tilespmem:v61+s13+$0x0], $0xffff  }
0x3c1: {  	s22 =	sshll.u32 s30, $0x3;
	[tilespmem:s23+$0xFFFFFFF0] =	vst v2  }
0x3c2: {  	s21 =	sand.u32 $0x70, s21;
	s22 =	sand.u32 $0x7FFFFC00, s22;
	[tilespmem:s25+$0x1F0] =	vst v6  }
0x3c3: {  	s21 =	sor.u32 s21, s22;
	[tilespmem:s26+$0xFFFFFFF0] =	vst v3  }
0x3c4: {  	s21 =	sshrl.u32 s21, $0x3;
	[tilespmem:s25+$0xFFFFFFF0] =	vst v1  }
0x3c5: {  	s31 =	simm.s32 $0x13240;
	s22 =	simm.s32 $0x200;
	s21 =	sadd.s32 s1, s21;
	[tilespmem:s26+$0x1F0] =	vst v4  }
0x3c6: {  	[hbm4b:s21+s15] =	stream.strided.scatter [tilespmem:s31], [sflag:$0x6], $0x80, s16, s15, $0x38;
	[tilespmem:$0x19640] =	vst v63  }
.LBB2_9:
0x3c7: {  	p0 =	sne.s32 s22, $0x18E00  }
.Ltmp3:
0x3c8: {  	_ = 	snop;
	(pc) =	sbr.rel @p0 .LBB2_9-.Ltmp3, $4  }
0x3c9: {  	_ = 	snop  }
0x3ca: {  	s23 =	sshra.s32 s22, $0x2;
	s22 =	sadd.s32 $0x200, s22  }
0x3cb: {  	s21 =	sadd.s32 $0x4000, s21;
	s23 =	sadd.s32 $0x13240, s23  }
0x3cc: {  	[hbm4b:s21+s15] =	stream.strided.scatter [tilespmem:s23], [sflag:$0x6], $0x80, s16, s15, $0x38;
	[tilespmem:$0x19640] =	vst v63  }
0x3cd: {  	s20 =	sadd.s32 $0x1, s20  }
0x3ce: {  	_ =	swait.ge [sflag:s18], $0x6400;
	p0 =	sne.s32 s20, $0x10  }
.Ltmp4:
0x3cf: {  	[sflag:s18] =	ssyncset.done $0x0;
	(pc) =	sbr.rel @p0 .LBB2_2-.Ltmp4, $4  }
0x3d0: {  	[sflag:s18] =	ssyncadd.s32 $0xFFFF9C00  }
0x3d1: {  	_ =	swait.ge [sflag:s19], $0x6400  }
0x3d2: {  	[sflag:s19] =	ssyncset.done $0x0  }
0x3d3: {  	[sflag:s19] =	ssyncadd.s32 $0xFFFF9C00  }
0x3d4: {  	s3 =	sadd.s32 $0x1, s3  }
0x3d5: {  	p0 =	sne.s32 s3, s8  }
.Ltmp5:
0x3d6: {  	_ = 	snop;
	(pc) =	sbr.rel @p0 .LBB2_1-.Ltmp5, $1  }
0x3d7: {  	_ =	sdelay $0x3  }
0x3d8: {  	_ =	sfence.sel $0x180000  }
0x3d9: {  	[bflag:$0x0] =	sbarrier.arrive $0xFFFF  }
0x3da: {  	p0 =	sne.s32 s2, $0x0;
	_ =	strace $0x90000047  }
0x3db: {  	s0 =	sadd.s32 @!p0 $0x100000, s0;
	[bflag:$0x2] =	sbarrier.arrive $0xFFFF  }
0x3dc: {  	[sflag:s0] =	ssyncadd.tile.s32 @!p0 $0x1;
	_ =	shalt  }
.Lfunc_end2:
_tile_overlayer_lowered:
.L_overlay_start_2:
0x3dd: {  	(tag) =	ssettag $0x2  }
0x3de: {  	s0 =	rddreg [dreg:$0x0];
	s2 =	stileid.u32  }
0x3df: {  	s1 =	rddreg [dreg:$0x1];
	p0 =	sne.s32 s2, $0x0  }
0x3e0: {  	s3 =	rddreg [dreg:$0x2];
	[bflag:$0x3] =	sbarrier.arrive $0xFFFF;
	s2 =	simm.s32 @!p0 $0x1C07  }
0x3e1: {  	[timem:s3], [sflag:s2] =	dma.local @!p0 [hbm:s0], s1  }
0x3e2: {  	s0 =	simm.s32 @!p0 $0x7  }
0x3e3: {  	_ =	swait.ge @!p0 [sflag:s0], s1  }
0x3e4: {  	s1 =	ssub.s32 @!p0 $0x0, s1;
	[sflag:s0] =	ssyncset.done @!p0 $0x0  }
0x3e5: {  	[sflag:s0] =	ssyncadd.s32 @!p0 s1  }
0x3e6: {  	[bflag:$0x3] =	sbarrier.arrive $0xFFFF  }
0x3e7: {  	_ =	shalt  }

</sc_bundles>
